<compile_context>
chip_gen: v7x
topology: tpu7x:2x2x1
jax: 0.10.2.dev20260603
libtpu: 0.0.44.dev20260713+nightly
codegen_flags: <defaults>
</compile_context>

<pallas_src>
import functools

import jax
import jax.numpy as jnp
from jax import lax
from jax.experimental import pallas as pl
from jax.experimental.pallas import tpu as pltpu
from jax.experimental.pallas import tpu_sc as plsc

B = 4
C3 = 30
C2 = 10
H = 512
W = 512
HW = H * W

NC = 2
NS = 16
L = 16
NW = NC * NS

H_SC = 128
PIX_B = H_SC * W
STRIPE = PIX_B // NW
CHUNK = 1024
CHUNKS_PER_B = STRIPE // CHUNK
NT = B * CHUNKS_PER_B

TH = 64
NH_TC = (H - H_SC) // TH

_mesh = plsc.VectorSubcoreMesh(core_axis_name="c", subcore_axis_name="s")


def _argmax_tree(vals, consts):
    items = [(vals[p], consts[p]) for p in range(len(vals))]
    while len(items) > 1:
        nxt = []
        for a in range(0, len(items) - 1, 2):
            va, ia = items[a]
            vb, ib = items[a + 1]
            upd = vb > va
            nxt.append((jnp.where(upd, vb, va), jnp.where(upd, ib, ia)))
        if len(items) % 2:
            nxt.append(items[-1])
        items = nxt
    return items[0][1]


@functools.partial(
    pl.kernel,
    mesh=_mesh,
    out_type=jax.ShapeDtypeStruct((NW, L), jnp.float32),
    scratch_types=[
        pltpu.VMEM((C3, CHUNK), jnp.float32),
        pltpu.VMEM((C3, CHUNK), jnp.float32),
        pltpu.VMEM((C2, CHUNK), jnp.float32),
        pltpu.VMEM((C2, CHUNK), jnp.float32),
        pltpu.VMEM((L,), jnp.float32),
        pltpu.VMEM((L,), jnp.float32),
        pltpu.SemaphoreType.DMA,
        pltpu.SemaphoreType.DMA,
    ],
)
def _sc_loss(l2_hbm, l3_hbm, w_hbm, out_hbm,
             l3a, l3b, l2a, l2b, wv, ov, sema, semb):
    wid = lax.axis_index("s") * NC + lax.axis_index("c")

    pltpu.sync_copy(w_hbm, wv)

    l3bufs = (l3a, l3b)
    l2bufs = (l2a, l2b)
    sems = (sema, semb)

    consts = [jnp.full((L,), p, jnp.int32) for p in range(C2)]

    def issue(t, i):
        b = t // CHUNKS_PER_B
        c = t % CHUNKS_PER_B
        off = wid * STRIPE + c * CHUNK
        pltpu.async_copy(l3_hbm.at[b, :, pl.ds(off, CHUNK)],
                         l3bufs[i], sems[i])
        pltpu.async_copy(l2_hbm.at[b, :, pl.ds(off, CHUNK)],
                         l2bufs[i], sems[i])

    def drain(i):
        pltpu.make_async_copy(l3_hbm.at[0, :, pl.ds(0, CHUNK)],
                              l3bufs[i], sems[i]).wait()
        pltpu.make_async_copy(l2_hbm.at[0, :, pl.ds(0, CHUNK)],
                              l2bufs[i], sems[i]).wait()

    def compute(i, acc):
        l3v, l2v = l3bufs[i], l2bufs[i]

        def one_group(sbase, acc_in):
            s = pl.ds(sbase, L)
            g = []
            for p in range(C2):
                v0 = l3v[3 * p, s]
                v1 = l3v[3 * p + 1, s]
                v2 = l3v[3 * p + 2, s]
                g.append(jnp.maximum(jnp.maximum(v0, v1), v2))
            i3 = _argmax_tree(g, consts)
            l2 = [l2v[p, s] for p in range(C2)]
            i2 = _argmax_tree(l2, consts)
            return acc_in + jnp.where(i3 != i2, 1.0, 0.0)

        def pair(j, acc_in):
            sbase = j * (2 * L)
            acc_in = one_group(sbase, acc_in)
            return one_group(sbase + L, acc_in)

        return lax.fori_loop(0, CHUNK // (2 * L), pair, acc)

    issue(0, 0)
    issue(1, 1)

    def phase(tt, acc):
        t = tt * 2

        def halfstep(i, t, acc_in):
            drain(i)
            acc_out = compute(i, acc_in)

            @pl.when(t + 2 < NT)
            def _():
                issue(t + 2, i)

            return acc_out

        acc = halfstep(0, t, acc)
        acc = halfstep(1, t + 1, acc)
        return acc

    acc = lax.fori_loop(0, NT // 2, phase, jnp.zeros((L,), jnp.float32))

    ov[...] = acc * wv[...] * (1.0 / (B * HW))
    pltpu.sync_copy(ov, out_hbm.at[wid])


def _tc_body(map_ref, w_ref, l2_ref, l3_ref, out_ref):
    b = pl.program_id(0)
    h = pl.program_id(1)

    @pl.when((b == 0) & (h == 0))
    def _init():
        out_ref[0, 0] = 0.0

    l3max = l3_ref[0, 0]
    mapped = jnp.full((TH, W), map_ref[0], dtype=jnp.int32)
    for k in range(1, C3):
        v = l3_ref[0, k]
        upd = v > l3max
        l3max = jnp.where(upd, v, l3max)
        mapped = jnp.where(upd, map_ref[k], mapped)

    l2max = l2_ref[0, 0]
    idx2 = jnp.zeros((TH, W), dtype=jnp.int32)
    for k in range(1, C2):
        v = l2_ref[0, k]
        upd = v > l2max
        l2max = jnp.where(upd, v, l2max)
        idx2 = jnp.where(upd, k, idx2)

    out_ref[0, 0] += jnp.sum((mapped != idx2).astype(jnp.float32))

    @pl.when((b == B - 1) & (h == NH_TC - 1))
    def _finish():
        out_ref[0, 0] = out_ref[0, 0] * w_ref[0] * (1.0 / (B * H * W))


@jax.jit
def _loss(level2_pred, level3_pred, mapping, weight):
    w32 = jnp.asarray(weight, jnp.float32)
    l2 = level2_pred.reshape(B, C2, HW)
    l3 = level3_pred.reshape(B, C3, HW)
    w_vec = jnp.broadcast_to(w32, (L,))
    sc_partials = _sc_loss(l2, l3, w_vec)

    tc_out = pl.pallas_call(
        _tc_body,
        grid=(B, NH_TC),
        in_specs=[
            pl.BlockSpec(memory_space=pltpu.SMEM),
            pl.BlockSpec(memory_space=pltpu.SMEM),
            pl.BlockSpec((1, C2, TH, W),
                         lambda b, h: (b, 0, h + H_SC // TH, 0)),
            pl.BlockSpec((1, C3, TH, W),
                         lambda b, h: (b, 0, h + H_SC // TH, 0)),
        ],
        out_specs=pl.BlockSpec(memory_space=pltpu.SMEM),
        out_shape=jax.ShapeDtypeStruct((1, 1), jnp.float32),
    )(mapping, w32.reshape(1), level2_pred, level3_pred)

    return tc_out.reshape(()) + jnp.sum(sc_partials)


def kernel(level2_pred, level3_pred, mapping, weight):
    return _loss(level2_pred, level3_pred, mapping,
                 jnp.asarray(weight, jnp.float32))

# --- scband reference (transcript-rebuilt; emitter-appended) ---
"""Pipeline reference for scband-hierarchy-consistency-loss-61194694034038 (READ-ONLY COPY).

The authoritative reference and input builder live on the scoring server;
editing this copy changes nothing except your own understanding.
"""

import jax, jax.numpy as jnp
import numpy as np

C3 = 30
C2 = 10


def setup_inputs(seed=0) -> dict:
    key = jax.random.key(seed)
    k1, k2 = jax.random.split(key)
    level2_pred = jax.random.normal(k1, (4, C2, 512, 512), dtype=jnp.float32)
    level3_pred = jax.random.normal(k2, (4, C3, 512, 512), dtype=jnp.float32)
    # buffer built in __init__ from map_3_to_2: each level-3 class k maps to level-2 class k//3
    mapping = jnp.asarray(np.arange(C3) // 3, dtype=jnp.int32)
    weight = jnp.asarray(0.5, dtype=jnp.float32)
    return {"level2_pred": level2_pred, "level3_pred": level3_pred, "mapping": mapping, "weight": weight}


def reference(level2_pred, level3_pred, mapping, weight=0.5):
    level3_indices = jnp.argmax(level3_pred, axis=1)          # [B, H, W]
    mapped_level2 = jnp.take(mapping, level3_indices, axis=0)  # gather: [B, H, W]
    level2_indices = jnp.argmax(level2_pred, axis=1)          # [B, H, W]
    inconsistency = (mapped_level2 != level2_indices).astype(jnp.float32).mean()
    return weight * inconsistency

if __name__ == "__main__":
    import jax
    _d = setup_inputs()
    print(jax.jit(kernel)(*tuple(_d.values())))

</pallas_src>

<mosaic_0001>
#map = affine_map<(d0, d1) -> (0, 0, 0)>
#map1 = affine_map<(d0, d1) -> (0)>
#map2 = affine_map<(d0, d1) -> (0, 0)>
module attributes {stable_mosaic.version = 14 : i64} {
  func.func @_sc_loss(%arg0: i32, %arg1: i32, %arg2: memref<4x10x262144xf32, #tpu.memory_space<hbm>>, %arg3: memref<4x30x262144xf32, #tpu.memory_space<hbm>>, %arg4: memref<16xf32, #tpu.memory_space<hbm>>, %arg5: memref<32x16xf32, #tpu.memory_space<hbm>>, %arg6: memref<30x1024xf32, #tpu.memory_space<vmem>>, %arg7: memref<30x1024xf32, #tpu.memory_space<vmem>>, %arg8: memref<10x1024xf32, #tpu.memory_space<vmem>>, %arg9: memref<10x1024xf32, #tpu.memory_space<vmem>>, %arg10: memref<16xf32, #tpu.memory_space<vmem>>, %arg11: memref<16xf32, #tpu.memory_space<vmem>>, %arg12: memref<!tpu.dma_semaphore, #tpu.memory_space<semaphore_mem>>, %arg13: memref<!tpu.dma_semaphore, #tpu.memory_space<semaphore_mem>>) attributes {dimension_semantics = [#tpu.dimension_semantics<core_parallel>, #tpu.dimension_semantics<subcore_parallel>], iteration_bounds = array<i64: 2, 16>, scalar_prefetch = 0 : i64, scratch_operands = 8 : i64, tpu.core_type = #tpu.core_type<sc_vector_subcore>, window_params = [{transform_indices = #map}, {transform_indices = #map}, {transform_indices = #map1}, {transform_indices = #map2}]} {
    %mul3A = arith.constant 2 : i32
    %mul3A_0 = arith.muli %arg1, %mul3A : i32
    %add3A = arith.addi %mul3A_0, %arg0 : i32
    "tpu.region"() ({
      %run_scoped3A = tpu.sem_alloc : memref<!tpu.dma_semaphore, #tpu.memory_space<semaphore_mem>>
      tpu.enqueue_dma source(%arg4 : memref<16xf32, #tpu.memory_space<hbm>>) target(%arg10 : memref<16xf32, #tpu.memory_space<vmem>>) target_semaphore(%run_scoped3A : memref<!tpu.dma_semaphore, #tpu.memory_space<semaphore_mem>>)
      tpu.wait_dma2 semaphore(%run_scoped3A : memref<!tpu.dma_semaphore, #tpu.memory_space<semaphore_mem>>) src(%arg4 : memref<16xf32, #tpu.memory_space<hbm>>) dst(%arg10 : memref<16xf32, #tpu.memory_space<vmem>>)
      tpu.yield
    }) : () -> ()
    %broadcast_in_dim3A = arith.constant 0 : i32
    %broadcast_in_dim3A_1 = vector.broadcast %broadcast_in_dim3A : i32 to vector<16xi32>
    %broadcast_in_dim3A_2 = arith.constant 1 : i32
    %broadcast_in_dim3A_3 = vector.broadcast %broadcast_in_dim3A_2 : i32 to vector<16xi32>
    %broadcast_in_dim3A_4 = arith.constant 2 : i32
    %broadcast_in_dim3A_5 = vector.broadcast %broadcast_in_dim3A_4 : i32 to vector<16xi32>
    %broadcast_in_dim3A_6 = arith.constant 3 : i32
    %broadcast_in_dim3A_7 = vector.broadcast %broadcast_in_dim3A_6 : i32 to vector<16xi32>
    %broadcast_in_dim3A_8 = arith.constant 4 : i32
    %broadcast_in_dim3A_9 = vector.broadcast %broadcast_in_dim3A_8 : i32 to vector<16xi32>
    %broadcast_in_dim3A_10 = arith.constant 5 : i32
    %broadcast_in_dim3A_11 = vector.broadcast %broadcast_in_dim3A_10 : i32 to vector<16xi32>
    %broadcast_in_dim3A_12 = arith.constant 6 : i32
    %broadcast_in_dim3A_13 = vector.broadcast %broadcast_in_dim3A_12 : i32 to vector<16xi32>
    %broadcast_in_dim3A_14 = arith.constant 7 : i32
    %broadcast_in_dim3A_15 = vector.broadcast %broadcast_in_dim3A_14 : i32 to vector<16xi32>
    %broadcast_in_dim3A_16 = arith.constant 8 : i32
    %broadcast_in_dim3A_17 = vector.broadcast %broadcast_in_dim3A_16 : i32 to vector<16xi32>
    %broadcast_in_dim3A_18 = arith.constant 9 : i32
    %broadcast_in_dim3A_19 = vector.broadcast %broadcast_in_dim3A_18 : i32 to vector<16xi32>
    %mul3A_20 = arith.constant 2048 : i32
    %mul3A_21 = arith.muli %add3A, %mul3A_20 : i32
    %add3A_22 = arith.constant 0 : i32
    %add3A_23 = arith.addi %mul3A_21, %add3A_22 : i32
    %dma_start3A = arith.constant 0 : i32
    %dma_start3A_24 = arith.constant 0 : i32
    %dma_start3A_25 = tpu.memref_slice %arg3[%dma_start3A, %dma_start3A_24, %add3A_23] : memref<4x30x262144xf32, #tpu.memory_space<hbm>> -> memref<1x30x1024xf32, #tpu.memory_space<hbm>>
    %dma_start3A_26 = tpu.memref_squeeze %dma_start3A_25 : memref<1x30x1024xf32, #tpu.memory_space<hbm>> -> memref<30x1024xf32, #tpu.memory_space<hbm>>
    %dma_start3A_27 = arith.constant 0 : i32
    %dma_start3A_28 = tpu.memref_slice %arg3[%dma_start3A, %dma_start3A_27, %add3A_23] : memref<4x30x262144xf32, #tpu.memory_space<hbm>> -> memref<1x30x1024xf32, #tpu.memory_space<hbm>>
    %dma_start3A_29 = tpu.memref_squeeze %dma_start3A_28 : memref<1x30x1024xf32, #tpu.memory_space<hbm>> -> memref<30x1024xf32, #tpu.memory_space<hbm>>
    tpu.enqueue_dma source(%dma_start3A_29 : memref<30x1024xf32, #tpu.memory_space<hbm>>) target(%arg6 : memref<30x1024xf32, #tpu.memory_space<vmem>>) target_semaphore(%arg12 : memref<!tpu.dma_semaphore, #tpu.memory_space<semaphore_mem>>)
    %dma_start3A_30 = arith.constant 0 : i32
    %dma_start3A_31 = arith.constant 0 : i32
    %dma_start3A_32 = tpu.memref_slice %arg2[%dma_start3A_30, %dma_start3A_31, %add3A_23] : memref<4x10x262144xf32, #tpu.memory_space<hbm>> -> memref<1x10x1024xf32, #tpu.memory_space<hbm>>
    %dma_start3A_33 = tpu.memref_squeeze %dma_start3A_32 : memref<1x10x1024xf32, #tpu.memory_space<hbm>> -> memref<10x1024xf32, #tpu.memory_space<hbm>>
    %dma_start3A_34 = arith.constant 0 : i32
    %dma_start3A_35 = tpu.memref_slice %arg2[%dma_start3A_30, %dma_start3A_34, %add3A_23] : memref<4x10x262144xf32, #tpu.memory_space<hbm>> -> memref<1x10x1024xf32, #tpu.memory_space<hbm>>
    %dma_start3A_36 = tpu.memref_squeeze %dma_start3A_35 : memref<1x10x1024xf32, #tpu.memory_space<hbm>> -> memref<10x1024xf32, #tpu.memory_space<hbm>>
    tpu.enqueue_dma source(%dma_start3A_36 : memref<10x1024xf32, #tpu.memory_space<hbm>>) target(%arg8 : memref<10x1024xf32, #tpu.memory_space<vmem>>) target_semaphore(%arg12 : memref<!tpu.dma_semaphore, #tpu.memory_space<semaphore_mem>>)
    %mul3A_37 = arith.constant 2048 : i32
    %mul3A_38 = arith.muli %add3A, %mul3A_37 : i32
    %add3A_39 = arith.constant 1024 : i32
    %add3A_40 = arith.addi %mul3A_38, %add3A_39 : i32
    %dma_start3A_41 = arith.constant 0 : i32
    %dma_start3A_42 = arith.constant 0 : i32
    %dma_start3A_43 = tpu.memref_slice %arg3[%dma_start3A_41, %dma_start3A_42, %add3A_40] : memref<4x30x262144xf32, #tpu.memory_space<hbm>> -> memref<1x30x1024xf32, #tpu.memory_space<hbm>>
    %dma_start3A_44 = tpu.memref_squeeze %dma_start3A_43 : memref<1x30x1024xf32, #tpu.memory_space<hbm>> -> memref<30x1024xf32, #tpu.memory_space<hbm>>
    %dma_start3A_45 = arith.constant 0 : i32
    %dma_start3A_46 = tpu.memref_slice %arg3[%dma_start3A_41, %dma_start3A_45, %add3A_40] : memref<4x30x262144xf32, #tpu.memory_space<hbm>> -> memref<1x30x1024xf32, #tpu.memory_space<hbm>>
    %dma_start3A_47 = tpu.memref_squeeze %dma_start3A_46 : memref<1x30x1024xf32, #tpu.memory_space<hbm>> -> memref<30x1024xf32, #tpu.memory_space<hbm>>
    tpu.enqueue_dma source(%dma_start3A_47 : memref<30x1024xf32, #tpu.memory_space<hbm>>) target(%arg7 : memref<30x1024xf32, #tpu.memory_space<vmem>>) target_semaphore(%arg13 : memref<!tpu.dma_semaphore, #tpu.memory_space<semaphore_mem>>)
    %dma_start3A_48 = arith.constant 0 : i32
    %dma_start3A_49 = arith.constant 0 : i32
    %dma_start3A_50 = tpu.memref_slice %arg2[%dma_start3A_48, %dma_start3A_49, %add3A_40] : memref<4x10x262144xf32, #tpu.memory_space<hbm>> -> memref<1x10x1024xf32, #tpu.memory_space<hbm>>
    %dma_start3A_51 = tpu.memref_squeeze %dma_start3A_50 : memref<1x10x1024xf32, #tpu.memory_space<hbm>> -> memref<10x1024xf32, #tpu.memory_space<hbm>>
    %dma_start3A_52 = arith.constant 0 : i32
    %dma_start3A_53 = tpu.memref_slice %arg2[%dma_start3A_48, %dma_start3A_52, %add3A_40] : memref<4x10x262144xf32, #tpu.memory_space<hbm>> -> memref<1x10x1024xf32, #tpu.memory_space<hbm>>
    %dma_start3A_54 = tpu.memref_squeeze %dma_start3A_53 : memref<1x10x1024xf32, #tpu.memory_space<hbm>> -> memref<10x1024xf32, #tpu.memory_space<hbm>>
    tpu.enqueue_dma source(%dma_start3A_54 : memref<10x1024xf32, #tpu.memory_space<hbm>>) target(%arg9 : memref<10x1024xf32, #tpu.memory_space<vmem>>) target_semaphore(%arg13 : memref<!tpu.dma_semaphore, #tpu.memory_space<semaphore_mem>>)
    %broadcast_in_dim3A_55 = arith.constant 0.000000e+00 : f32
    %broadcast_in_dim3A_56 = vector.broadcast %broadcast_in_dim3A_55 : f32 to vector<16xf32>
    %scan3A = arith.constant 0 : i32
    %scan3A_57 = arith.constant 4 : i32
    %scan3A_58 = arith.addi %scan3A, %scan3A_57 : i32
    %scan3A_59 = arith.constant 1 : i32
    %scan3A_60 = scf.for %scan3A_71 = %scan3A to %scan3A_58 step %scan3A_59 iter_args(%scan3A_72 = %broadcast_in_dim3A_56) -> (vector<16xf32>)  : i32 {
      %mul3A_73 = arith.constant 2 : i32
      %mul3A_74 = arith.muli %scan3A_71, %mul3A_73 : i32
      %dma_wait3A = arith.constant 0 : i32
      %dma_wait3A_75 = arith.constant 0 : i32
      %dma_wait3A_76 = arith.constant 0 : i32
      %dma_wait3A_77 = tpu.memref_slice %arg3[%dma_wait3A, %dma_wait3A_75, %dma_wait3A_76] : memref<4x30x262144xf32, #tpu.memory_space<hbm>> -> memref<1x30x1024xf32, #tpu.memory_space<hbm>>
      %dma_wait3A_78 = tpu.memref_squeeze %dma_wait3A_77 : memref<1x30x1024xf32, #tpu.memory_space<hbm>> -> memref<30x1024xf32, #tpu.memory_space<hbm>>
      %dma_wait3A_79 = arith.constant 0 : i32
      %dma_wait3A_80 = arith.constant 0 : i32
      %dma_wait3A_81 = tpu.memref_slice %arg3[%dma_wait3A, %dma_wait3A_79, %dma_wait3A_80] : memref<4x30x262144xf32, #tpu.memory_space<hbm>> -> memref<1x30x1024xf32, #tpu.memory_space<hbm>>
      %dma_wait3A_82 = tpu.memref_squeeze %dma_wait3A_81 : memref<1x30x1024xf32, #tpu.memory_space<hbm>> -> memref<30x1024xf32, #tpu.memory_space<hbm>>
      tpu.wait_dma2 semaphore(%arg12 : memref<!tpu.dma_semaphore, #tpu.memory_space<semaphore_mem>>) src(%dma_wait3A_82 : memref<30x1024xf32, #tpu.memory_space<hbm>>) dst(%arg6 : memref<30x1024xf32, #tpu.memory_space<vmem>>)
      %dma_wait3A_83 = arith.constant 0 : i32
      %dma_wait3A_84 = arith.constant 0 : i32
      %dma_wait3A_85 = arith.constant 0 : i32
      %dma_wait3A_86 = tpu.memref_slice %arg2[%dma_wait3A_83, %dma_wait3A_84, %dma_wait3A_85] : memref<4x10x262144xf32, #tpu.memory_space<hbm>> -> memref<1x10x1024xf32, #tpu.memory_space<hbm>>
      %dma_wait3A_87 = tpu.memref_squeeze %dma_wait3A_86 : memref<1x10x1024xf32, #tpu.memory_space<hbm>> -> memref<10x1024xf32, #tpu.memory_space<hbm>>
      %dma_wait3A_88 = arith.constant 0 : i32
      %dma_wait3A_89 = arith.constant 0 : i32
      %dma_wait3A_90 = tpu.memref_slice %arg2[%dma_wait3A_83, %dma_wait3A_88, %dma_wait3A_89] : memref<4x10x262144xf32, #tpu.memory_space<hbm>> -> memref<1x10x1024xf32, #tpu.memory_space<hbm>>
      %dma_wait3A_91 = tpu.memref_squeeze %dma_wait3A_90 : memref<1x10x1024xf32, #tpu.memory_space<hbm>> -> memref<10x1024xf32, #tpu.memory_space<hbm>>
      tpu.wait_dma2 semaphore(%arg12 : memref<!tpu.dma_semaphore, #tpu.memory_space<semaphore_mem>>) src(%dma_wait3A_91 : memref<10x1024xf32, #tpu.memory_space<hbm>>) dst(%arg8 : memref<10x1024xf32, #tpu.memory_space<vmem>>)
      %scan3A_92 = arith.constant 0 : i32
      %scan3A_93 = arith.constant 32 : i32
      %scan3A_94 = arith.addi %scan3A_92, %scan3A_93 : i32
      %scan3A_95 = arith.constant 1 : i32
      %scan3A_96 = scf.for %scan3A_135 = %scan3A_92 to %scan3A_94 step %scan3A_95 iter_args(%scan3A_136 = %scan3A_72) -> (vector<16xf32>)  : i32 {
        %mul3A_137 = arith.constant 32 : i32
        %mul3A_138 = arith.muli %scan3A_135, %mul3A_137 : i32
        %get3A_139 = arith.constant 0 : i32
        %get3A_140 = arith.index_cast %get3A_139 : i32 to index
        %get3A_141 = arith.index_cast %mul3A_138 : i32 to index
        %get3A_142 = tpu.vector_load %arg6[%get3A_140, %get3A_141] {strides = array<i32>} : memref<30x1024xf32, #tpu.memory_space<vmem>>, vector<1x16xf32>,
        %get3A_143 = vector.shape_cast %get3A_142 : vector<1x16xf32> to vector<16xf32>
        %get3A_144 = arith.constant 1 : i32
        %get3A_145 = arith.index_cast %get3A_144 : i32 to index
        %get3A_146 = arith.index_cast %mul3A_138 : i32 to index
        %get3A_147 = tpu.vector_load %arg6[%get3A_145, %get3A_146] {strides = array<i32>} : memref<30x1024xf32, #tpu.memory_space<vmem>>, vector<1x16xf32>,
        %get3A_148 = vector.shape_cast %get3A_147 : vector<1x16xf32> to vector<16xf32>
        %get3A_149 = arith.constant 2 : i32
        %get3A_150 = arith.index_cast %get3A_149 : i32 to index
        %get3A_151 = arith.index_cast %mul3A_138 : i32 to index
        %get3A_152 = tpu.vector_load %arg6[%get3A_150, %get3A_151] {strides = array<i32>} : memref<30x1024xf32, #tpu.memory_space<vmem>>, vector<1x16xf32>,
        %get3A_153 = vector.shape_cast %get3A_152 : vector<1x16xf32> to vector<16xf32>
        %max3A = arith.maximumf %get3A_143, %get3A_148 : vector<16xf32>
        %max3A_154 = arith.maximumf %max3A, %get3A_153 : vector<16xf32>
        %get3A_155 = arith.constant 3 : i32
        %get3A_156 = arith.index_cast %get3A_155 : i32 to index
        %get3A_157 = arith.index_cast %mul3A_138 : i32 to index
        %get3A_158 = tpu.vector_load %arg6[%get3A_156, %get3A_157] {strides = array<i32>} : memref<30x1024xf32, #tpu.memory_space<vmem>>, vector<1x16xf32>,
        %get3A_159 = vector.shape_cast %get3A_158 : vector<1x16xf32> to vector<16xf32>
        %get3A_160 = arith.constant 4 : i32
        %get3A_161 = arith.index_cast %get3A_160 : i32 to index
        %get3A_162 = arith.index_cast %mul3A_138 : i32 to index
        %get3A_163 = tpu.vector_load %arg6[%get3A_161, %get3A_162] {strides = array<i32>} : memref<30x1024xf32, #tpu.memory_space<vmem>>, vector<1x16xf32>,
        %get3A_164 = vector.shape_cast %get3A_163 : vector<1x16xf32> to vector<16xf32>
        %get3A_165 = arith.constant 5 : i32
        %get3A_166 = arith.index_cast %get3A_165 : i32 to index
        %get3A_167 = arith.index_cast %mul3A_138 : i32 to index
        %get3A_168 = tpu.vector_load %arg6[%get3A_166, %get3A_167] {strides = array<i32>} : memref<30x1024xf32, #tpu.memory_space<vmem>>, vector<1x16xf32>,
        %get3A_169 = vector.shape_cast %get3A_168 : vector<1x16xf32> to vector<16xf32>
        %max3A_170 = arith.maximumf %get3A_159, %get3A_164 : vector<16xf32>
        %max3A_171 = arith.maximumf %max3A_170, %get3A_169 : vector<16xf32>
        %get3A_172 = arith.constant 6 : i32
        %get3A_173 = arith.index_cast %get3A_172 : i32 to index
        %get3A_174 = arith.index_cast %mul3A_138 : i32 to index
        %get3A_175 = tpu.vector_load %arg6[%get3A_173, %get3A_174] {strides = array<i32>} : memref<30x1024xf32, #tpu.memory_space<vmem>>, vector<1x16xf32>,
        %get3A_176 = vector.shape_cast %get3A_175 : vector<1x16xf32> to vector<16xf32>
        %get3A_177 = arith.constant 7 : i32
        %get3A_178 = arith.index_cast %get3A_177 : i32 to index
        %get3A_179 = arith.index_cast %mul3A_138 : i32 to index
        %get3A_180 = tpu.vector_load %arg6[%get3A_178, %get3A_179] {strides = array<i32>} : memref<30x1024xf32, #tpu.memory_space<vmem>>, vector<1x16xf32>,
        %get3A_181 = vector.shape_cast %get3A_180 : vector<1x16xf32> to vector<16xf32>
        %get3A_182 = arith.constant 8 : i32
        %get3A_183 = arith.index_cast %get3A_182 : i32 to index
        %get3A_184 = arith.index_cast %mul3A_138 : i32 to index
        %get3A_185 = tpu.vector_load %arg6[%get3A_183, %get3A_184] {strides = array<i32>} : memref<30x1024xf32, #tpu.memory_space<vmem>>, vector<1x16xf32>,
        %get3A_186 = vector.shape_cast %get3A_185 : vector<1x16xf32> to vector<16xf32>
        %max3A_187 = arith.maximumf %get3A_176, %get3A_181 : vector<16xf32>
        %max3A_188 = arith.maximumf %max3A_187, %get3A_186 : vector<16xf32>
        %get3A_189 = arith.constant 9 : i32
        %get3A_190 = arith.index_cast %get3A_189 : i32 to index
        %get3A_191 = arith.index_cast %mul3A_138 : i32 to index
        %get3A_192 = tpu.vector_load %arg6[%get3A_190, %get3A_191] {strides = array<i32>} : memref<30x1024xf32, #tpu.memory_space<vmem>>, vector<1x16xf32>,
        %get3A_193 = vector.shape_cast %get3A_192 : vector<1x16xf32> to vector<16xf32>
        %get3A_194 = arith.constant 10 : i32
        %get3A_195 = arith.index_cast %get3A_194 : i32 to index
        %get3A_196 = arith.index_cast %mul3A_138 : i32 to index
        %get3A_197 = tpu.vector_load %arg6[%get3A_195, %get3A_196] {strides = array<i32>} : memref<30x1024xf32, #tpu.memory_space<vmem>>, vector<1x16xf32>,
        %get3A_198 = vector.shape_cast %get3A_197 : vector<1x16xf32> to vector<16xf32>
        %get3A_199 = arith.constant 11 : i32
        %get3A_200 = arith.index_cast %get3A_199 : i32 to index
        %get3A_201 = arith.index_cast %mul3A_138 : i32 to index
        %get3A_202 = tpu.vector_load %arg6[%get3A_200, %get3A_201] {strides = array<i32>} : memref<30x1024xf32, #tpu.memory_space<vmem>>, vector<1x16xf32>,
        %get3A_203 = vector.shape_cast %get3A_202 : vector<1x16xf32> to vector<16xf32>
        %max3A_204 = arith.maximumf %get3A_193, %get3A_198 : vector<16xf32>
        %max3A_205 = arith.maximumf %max3A_204, %get3A_203 : vector<16xf32>
        %get3A_206 = arith.constant 12 : i32
        %get3A_207 = arith.index_cast %get3A_206 : i32 to index
        %get3A_208 = arith.index_cast %mul3A_138 : i32 to index
        %get3A_209 = tpu.vector_load %arg6[%get3A_207, %get3A_208] {strides = array<i32>} : memref<30x1024xf32, #tpu.memory_space<vmem>>, vector<1x16xf32>,
        %get3A_210 = vector.shape_cast %get3A_209 : vector<1x16xf32> to vector<16xf32>
        %get3A_211 = arith.constant 13 : i32
        %get3A_212 = arith.index_cast %get3A_211 : i32 to index
        %get3A_213 = arith.index_cast %mul3A_138 : i32 to index
        %get3A_214 = tpu.vector_load %arg6[%get3A_212, %get3A_213] {strides = array<i32>} : memref<30x1024xf32, #tpu.memory_space<vmem>>, vector<1x16xf32>,
        %get3A_215 = vector.shape_cast %get3A_214 : vector<1x16xf32> to vector<16xf32>
        %get3A_216 = arith.constant 14 : i32
        %get3A_217 = arith.index_cast %get3A_216 : i32 to index
        %get3A_218 = arith.index_cast %mul3A_138 : i32 to index
        %get3A_219 = tpu.vector_load %arg6[%get3A_217, %get3A_218] {strides = array<i32>} : memref<30x1024xf32, #tpu.memory_space<vmem>>, vector<1x16xf32>,
        %get3A_220 = vector.shape_cast %get3A_219 : vector<1x16xf32> to vector<16xf32>
        %max3A_221 = arith.maximumf %get3A_210, %get3A_215 : vector<16xf32>
        %max3A_222 = arith.maximumf %max3A_221, %get3A_220 : vector<16xf32>
        %get3A_223 = arith.constant 15 : i32
        %get3A_224 = arith.index_cast %get3A_223 : i32 to index
        %get3A_225 = arith.index_cast %mul3A_138 : i32 to index
        %get3A_226 = tpu.vector_load %arg6[%get3A_224, %get3A_225] {strides = array<i32>} : memref<30x1024xf32, #tpu.memory_space<vmem>>, vector<1x16xf32>,
        %get3A_227 = vector.shape_cast %get3A_226 : vector<1x16xf32> to vector<16xf32>
        %get3A_228 = arith.constant 16 : i32
        %get3A_229 = arith.index_cast %get3A_228 : i32 to index
        %get3A_230 = arith.index_cast %mul3A_138 : i32 to index
        %get3A_231 = tpu.vector_load %arg6[%get3A_229, %get3A_230] {strides = array<i32>} : memref<30x1024xf32, #tpu.memory_space<vmem>>, vector<1x16xf32>,
        %get3A_232 = vector.shape_cast %get3A_231 : vector<1x16xf32> to vector<16xf32>
        %get3A_233 = arith.constant 17 : i32
        %get3A_234 = arith.index_cast %get3A_233 : i32 to index
        %get3A_235 = arith.index_cast %mul3A_138 : i32 to index
        %get3A_236 = tpu.vector_load %arg6[%get3A_234, %get3A_235] {strides = array<i32>} : memref<30x1024xf32, #tpu.memory_space<vmem>>, vector<1x16xf32>,
        %get3A_237 = vector.shape_cast %get3A_236 : vector<1x16xf32> to vector<16xf32>
        %max3A_238 = arith.maximumf %get3A_227, %get3A_232 : vector<16xf32>
        %max3A_239 = arith.maximumf %max3A_238, %get3A_237 : vector<16xf32>
        %get3A_240 = arith.constant 18 : i32
        %get3A_241 = arith.index_cast %get3A_240 : i32 to index
        %get3A_242 = arith.index_cast %mul3A_138 : i32 to index
        %get3A_243 = tpu.vector_load %arg6[%get3A_241, %get3A_242] {strides = array<i32>} : memref<30x1024xf32, #tpu.memory_space<vmem>>, vector<1x16xf32>,
        %get3A_244 = vector.shape_cast %get3A_243 : vector<1x16xf32> to vector<16xf32>
        %get3A_245 = arith.constant 19 : i32
        %get3A_246 = arith.index_cast %get3A_245 : i32 to index
        %get3A_247 = arith.index_cast %mul3A_138 : i32 to index
        %get3A_248 = tpu.vector_load %arg6[%get3A_246, %get3A_247] {strides = array<i32>} : memref<30x1024xf32, #tpu.memory_space<vmem>>, vector<1x16xf32>,
        %get3A_249 = vector.shape_cast %get3A_248 : vector<1x16xf32> to vector<16xf32>
        %get3A_250 = arith.constant 20 : i32
        %get3A_251 = arith.index_cast %get3A_250 : i32 to index
        %get3A_252 = arith.index_cast %mul3A_138 : i32 to index
        %get3A_253 = tpu.vector_load %arg6[%get3A_251, %get3A_252] {strides = array<i32>} : memref<30x1024xf32, #tpu.memory_space<vmem>>, vector<1x16xf32>,
        %get3A_254 = vector.shape_cast %get3A_253 : vector<1x16xf32> to vector<16xf32>
        %max3A_255 = arith.maximumf %get3A_244, %get3A_249 : vector<16xf32>
        %max3A_256 = arith.maximumf %max3A_255, %get3A_254 : vector<16xf32>
        %get3A_257 = arith.constant 21 : i32
        %get3A_258 = arith.index_cast %get3A_257 : i32 to index
        %get3A_259 = arith.index_cast %mul3A_138 : i32 to index
        %get3A_260 = tpu.vector_load %arg6[%get3A_258, %get3A_259] {strides = array<i32>} : memref<30x1024xf32, #tpu.memory_space<vmem>>, vector<1x16xf32>,
        %get3A_261 = vector.shape_cast %get3A_260 : vector<1x16xf32> to vector<16xf32>
        %get3A_262 = arith.constant 22 : i32
        %get3A_263 = arith.index_cast %get3A_262 : i32 to index
        %get3A_264 = arith.index_cast %mul3A_138 : i32 to index
        %get3A_265 = tpu.vector_load %arg6[%get3A_263, %get3A_264] {strides = array<i32>} : memref<30x1024xf32, #tpu.memory_space<vmem>>, vector<1x16xf32>,
        %get3A_266 = vector.shape_cast %get3A_265 : vector<1x16xf32> to vector<16xf32>
        %get3A_267 = arith.constant 23 : i32
        %get3A_268 = arith.index_cast %get3A_267 : i32 to index
        %get3A_269 = arith.index_cast %mul3A_138 : i32 to index
        %get3A_270 = tpu.vector_load %arg6[%get3A_268, %get3A_269] {strides = array<i32>} : memref<30x1024xf32, #tpu.memory_space<vmem>>, vector<1x16xf32>,
        %get3A_271 = vector.shape_cast %get3A_270 : vector<1x16xf32> to vector<16xf32>
        %max3A_272 = arith.maximumf %get3A_261, %get3A_266 : vector<16xf32>
        %max3A_273 = arith.maximumf %max3A_272, %get3A_271 : vector<16xf32>
        %get3A_274 = arith.constant 24 : i32
        %get3A_275 = arith.index_cast %get3A_274 : i32 to index
        %get3A_276 = arith.index_cast %mul3A_138 : i32 to index
        %get3A_277 = tpu.vector_load %arg6[%get3A_275, %get3A_276] {strides = array<i32>} : memref<30x1024xf32, #tpu.memory_space<vmem>>, vector<1x16xf32>,
        %get3A_278 = vector.shape_cast %get3A_277 : vector<1x16xf32> to vector<16xf32>
        %get3A_279 = arith.constant 25 : i32
        %get3A_280 = arith.index_cast %get3A_279 : i32 to index
        %get3A_281 = arith.index_cast %mul3A_138 : i32 to index
        %get3A_282 = tpu.vector_load %arg6[%get3A_280, %get3A_281] {strides = array<i32>} : memref<30x1024xf32, #tpu.memory_space<vmem>>, vector<1x16xf32>,
        %get3A_283 = vector.shape_cast %get3A_282 : vector<1x16xf32> to vector<16xf32>
        %get3A_284 = arith.constant 26 : i32
        %get3A_285 = arith.index_cast %get3A_284 : i32 to index
        %get3A_286 = arith.index_cast %mul3A_138 : i32 to index
        %get3A_287 = tpu.vector_load %arg6[%get3A_285, %get3A_286] {strides = array<i32>} : memref<30x1024xf32, #tpu.memory_space<vmem>>, vector<1x16xf32>,
        %get3A_288 = vector.shape_cast %get3A_287 : vector<1x16xf32> to vector<16xf32>
        %max3A_289 = arith.maximumf %get3A_278, %get3A_283 : vector<16xf32>
        %max3A_290 = arith.maximumf %max3A_289, %get3A_288 : vector<16xf32>
        %get3A_291 = arith.constant 27 : i32
        %get3A_292 = arith.index_cast %get3A_291 : i32 to index
        %get3A_293 = arith.index_cast %mul3A_138 : i32 to index
        %get3A_294 = tpu.vector_load %arg6[%get3A_292, %get3A_293] {strides = array<i32>} : memref<30x1024xf32, #tpu.memory_space<vmem>>, vector<1x16xf32>,
        %get3A_295 = vector.shape_cast %get3A_294 : vector<1x16xf32> to vector<16xf32>
        %get3A_296 = arith.constant 28 : i32
        %get3A_297 = arith.index_cast %get3A_296 : i32 to index
        %get3A_298 = arith.index_cast %mul3A_138 : i32 to index
        %get3A_299 = tpu.vector_load %arg6[%get3A_297, %get3A_298] {strides = array<i32>} : memref<30x1024xf32, #tpu.memory_space<vmem>>, vector<1x16xf32>,
        %get3A_300 = vector.shape_cast %get3A_299 : vector<1x16xf32> to vector<16xf32>
        %get3A_301 = arith.constant 29 : i32
        %get3A_302 = arith.index_cast %get3A_301 : i32 to index
        %get3A_303 = arith.index_cast %mul3A_138 : i32 to index
        %get3A_304 = tpu.vector_load %arg6[%get3A_302, %get3A_303] {strides = array<i32>} : memref<30x1024xf32, #tpu.memory_space<vmem>>, vector<1x16xf32>,
        %get3A_305 = vector.shape_cast %get3A_304 : vector<1x16xf32> to vector<16xf32>
        %max3A_306 = arith.maximumf %get3A_295, %get3A_300 : vector<16xf32>
        %max3A_307 = arith.maximumf %max3A_306, %get3A_305 : vector<16xf32>
        %gt3A = arith.cmpf ogt, %max3A_171, %max3A_154 : vector<16xf32>
        %select_n3A = arith.select %gt3A, %max3A_171, %max3A_154 : vector<16xi1>, vector<16xf32>
        %select_n3A_308 = arith.select %gt3A, %broadcast_in_dim3A_3, %broadcast_in_dim3A_1 : vector<16xi1>, vector<16xi32>
        %gt3A_309 = arith.cmpf ogt, %max3A_205, %max3A_188 : vector<16xf32>
        %select_n3A_310 = arith.select %gt3A_309, %max3A_205, %max3A_188 : vector<16xi1>, vector<16xf32>
        %select_n3A_311 = arith.select %gt3A_309, %broadcast_in_dim3A_7, %broadcast_in_dim3A_5 : vector<16xi1>, vector<16xi32>
        %gt3A_312 = arith.cmpf ogt, %max3A_239, %max3A_222 : vector<16xf32>
        %select_n3A_313 = arith.select %gt3A_312, %max3A_239, %max3A_222 : vector<16xi1>, vector<16xf32>
        %select_n3A_314 = arith.select %gt3A_312, %broadcast_in_dim3A_11, %broadcast_in_dim3A_9 : vector<16xi1>, vector<16xi32>
        %gt3A_315 = arith.cmpf ogt, %max3A_273, %max3A_256 : vector<16xf32>
        %select_n3A_316 = arith.select %gt3A_315, %max3A_273, %max3A_256 : vector<16xi1>, vector<16xf32>
        %select_n3A_317 = arith.select %gt3A_315, %broadcast_in_dim3A_15, %broadcast_in_dim3A_13 : vector<16xi1>, vector<16xi32>
        %gt3A_318 = arith.cmpf ogt, %max3A_307, %max3A_290 : vector<16xf32>
        %select_n3A_319 = arith.select %gt3A_318, %max3A_307, %max3A_290 : vector<16xi1>, vector<16xf32>
        %select_n3A_320 = arith.select %gt3A_318, %broadcast_in_dim3A_19, %broadcast_in_dim3A_17 : vector<16xi1>, vector<16xi32>
        %gt3A_321 = arith.cmpf ogt, %select_n3A_310, %select_n3A : vector<16xf32>
        %select_n3A_322 = arith.select %gt3A_321, %select_n3A_310, %select_n3A : vector<16xi1>, vector<16xf32>
        %select_n3A_323 = arith.select %gt3A_321, %select_n3A_311, %select_n3A_308 : vector<16xi1>, vector<16xi32>
        %gt3A_324 = arith.cmpf ogt, %select_n3A_316, %select_n3A_313 : vector<16xf32>
        %select_n3A_325 = arith.select %gt3A_324, %select_n3A_316, %select_n3A_313 : vector<16xi1>, vector<16xf32>
        %select_n3A_326 = arith.select %gt3A_324, %select_n3A_317, %select_n3A_314 : vector<16xi1>, vector<16xi32>
        %gt3A_327 = arith.cmpf ogt, %select_n3A_325, %select_n3A_322 : vector<16xf32>
        %select_n3A_328 = arith.select %gt3A_327, %select_n3A_325, %select_n3A_322 : vector<16xi1>, vector<16xf32>
        %select_n3A_329 = arith.select %gt3A_327, %select_n3A_326, %select_n3A_323 : vector<16xi1>, vector<16xi32>
        %gt3A_330 = arith.cmpf ogt, %select_n3A_319, %select_n3A_328 : vector<16xf32>
        %select_n3A_331 = arith.select %gt3A_330, %select_n3A_319, %select_n3A_328 : vector<16xi1>, vector<16xf32>
        %select_n3A_332 = arith.select %gt3A_330, %select_n3A_320, %select_n3A_329 : vector<16xi1>, vector<16xi32>
        %get3A_333 = arith.constant 0 : i32
        %get3A_334 = arith.index_cast %get3A_333 : i32 to index
        %get3A_335 = arith.index_cast %mul3A_138 : i32 to index
        %get3A_336 = tpu.vector_load %arg8[%get3A_334, %get3A_335] {strides = array<i32>} : memref<10x1024xf32, #tpu.memory_space<vmem>>, vector<1x16xf32>,
        %get3A_337 = vector.shape_cast %get3A_336 : vector<1x16xf32> to vector<16xf32>
        %get3A_338 = arith.constant 1 : i32
        %get3A_339 = arith.index_cast %get3A_338 : i32 to index
        %get3A_340 = arith.index_cast %mul3A_138 : i32 to index
        %get3A_341 = tpu.vector_load %arg8[%get3A_339, %get3A_340] {strides = array<i32>} : memref<10x1024xf32, #tpu.memory_space<vmem>>, vector<1x16xf32>,
        %get3A_342 = vector.shape_cast %get3A_341 : vector<1x16xf32> to vector<16xf32>
        %get3A_343 = arith.constant 2 : i32
        %get3A_344 = arith.index_cast %get3A_343 : i32 to index
        %get3A_345 = arith.index_cast %mul3A_138 : i32 to index
        %get3A_346 = tpu.vector_load %arg8[%get3A_344, %get3A_345] {strides = array<i32>} : memref<10x1024xf32, #tpu.memory_space<vmem>>, vector<1x16xf32>,
        %get3A_347 = vector.shape_cast %get3A_346 : vector<1x16xf32> to vector<16xf32>
        %get3A_348 = arith.constant 3 : i32
        %get3A_349 = arith.index_cast %get3A_348 : i32 to index
        %get3A_350 = arith.index_cast %mul3A_138 : i32 to index
        %get3A_351 = tpu.vector_load %arg8[%get3A_349, %get3A_350] {strides = array<i32>} : memref<10x1024xf32, #tpu.memory_space<vmem>>, vector<1x16xf32>,
        %get3A_352 = vector.shape_cast %get3A_351 : vector<1x16xf32> to vector<16xf32>
        %get3A_353 = arith.constant 4 : i32
        %get3A_354 = arith.index_cast %get3A_353 : i32 to index
        %get3A_355 = arith.index_cast %mul3A_138 : i32 to index
        %get3A_356 = tpu.vector_load %arg8[%get3A_354, %get3A_355] {strides = array<i32>} : memref<10x1024xf32, #tpu.memory_space<vmem>>, vector<1x16xf32>,
        %get3A_357 = vector.shape_cast %get3A_356 : vector<1x16xf32> to vector<16xf32>
        %get3A_358 = arith.constant 5 : i32
        %get3A_359 = arith.index_cast %get3A_358 : i32 to index
        %get3A_360 = arith.index_cast %mul3A_138 : i32 to index
        %get3A_361 = tpu.vector_load %arg8[%get3A_359, %get3A_360] {strides = array<i32>} : memref<10x1024xf32, #tpu.memory_space<vmem>>, vector<1x16xf32>,
        %get3A_362 = vector.shape_cast %get3A_361 : vector<1x16xf32> to vector<16xf32>
        %get3A_363 = arith.constant 6 : i32
        %get3A_364 = arith.index_cast %get3A_363 : i32 to index
        %get3A_365 = arith.index_cast %mul3A_138 : i32 to index
        %get3A_366 = tpu.vector_load %arg8[%get3A_364, %get3A_365] {strides = array<i32>} : memref<10x1024xf32, #tpu.memory_space<vmem>>, vector<1x16xf32>,
        %get3A_367 = vector.shape_cast %get3A_366 : vector<1x16xf32> to vector<16xf32>
        %get3A_368 = arith.constant 7 : i32
        %get3A_369 = arith.index_cast %get3A_368 : i32 to index
        %get3A_370 = arith.index_cast %mul3A_138 : i32 to index
        %get3A_371 = tpu.vector_load %arg8[%get3A_369, %get3A_370] {strides = array<i32>} : memref<10x1024xf32, #tpu.memory_space<vmem>>, vector<1x16xf32>,
        %get3A_372 = vector.shape_cast %get3A_371 : vector<1x16xf32> to vector<16xf32>
        %get3A_373 = arith.constant 8 : i32
        %get3A_374 = arith.index_cast %get3A_373 : i32 to index
        %get3A_375 = arith.index_cast %mul3A_138 : i32 to index
        %get3A_376 = tpu.vector_load %arg8[%get3A_374, %get3A_375] {strides = array<i32>} : memref<10x1024xf32, #tpu.memory_space<vmem>>, vector<1x16xf32>,
        %get3A_377 = vector.shape_cast %get3A_376 : vector<1x16xf32> to vector<16xf32>
        %get3A_378 = arith.constant 9 : i32
        %get3A_379 = arith.index_cast %get3A_378 : i32 to index
        %get3A_380 = arith.index_cast %mul3A_138 : i32 to index
        %get3A_381 = tpu.vector_load %arg8[%get3A_379, %get3A_380] {strides = array<i32>} : memref<10x1024xf32, #tpu.memory_space<vmem>>, vector<1x16xf32>,
        %get3A_382 = vector.shape_cast %get3A_381 : vector<1x16xf32> to vector<16xf32>
        %gt3A_383 = arith.cmpf ogt, %get3A_342, %get3A_337 : vector<16xf32>
        %select_n3A_384 = arith.select %gt3A_383, %get3A_342, %get3A_337 : vector<16xi1>, vector<16xf32>
        %select_n3A_385 = arith.select %gt3A_383, %broadcast_in_dim3A_3, %broadcast_in_dim3A_1 : vector<16xi1>, vector<16xi32>
        %gt3A_386 = arith.cmpf ogt, %get3A_352, %get3A_347 : vector<16xf32>
        %select_n3A_387 = arith.select %gt3A_386, %get3A_352, %get3A_347 : vector<16xi1>, vector<16xf32>
        %select_n3A_388 = arith.select %gt3A_386, %broadcast_in_dim3A_7, %broadcast_in_dim3A_5 : vector<16xi1>, vector<16xi32>
        %gt3A_389 = arith.cmpf ogt, %get3A_362, %get3A_357 : vector<16xf32>
        %select_n3A_390 = arith.select %gt3A_389, %get3A_362, %get3A_357 : vector<16xi1>, vector<16xf32>
        %select_n3A_391 = arith.select %gt3A_389, %broadcast_in_dim3A_11, %broadcast_in_dim3A_9 : vector<16xi1>, vector<16xi32>
        %gt3A_392 = arith.cmpf ogt, %get3A_372, %get3A_367 : vector<16xf32>
        %select_n3A_393 = arith.select %gt3A_392, %get3A_372, %get3A_367 : vector<16xi1>, vector<16xf32>
        %select_n3A_394 = arith.select %gt3A_392, %broadcast_in_dim3A_15, %broadcast_in_dim3A_13 : vector<16xi1>, vector<16xi32>
        %gt3A_395 = arith.cmpf ogt, %get3A_382, %get3A_377 : vector<16xf32>
        %select_n3A_396 = arith.select %gt3A_395, %get3A_382, %get3A_377 : vector<16xi1>, vector<16xf32>
        %select_n3A_397 = arith.select %gt3A_395, %broadcast_in_dim3A_19, %broadcast_in_dim3A_17 : vector<16xi1>, vector<16xi32>
        %gt3A_398 = arith.cmpf ogt, %select_n3A_387, %select_n3A_384 : vector<16xf32>
        %select_n3A_399 = arith.select %gt3A_398, %select_n3A_387, %select_n3A_384 : vector<16xi1>, vector<16xf32>
        %select_n3A_400 = arith.select %gt3A_398, %select_n3A_388, %select_n3A_385 : vector<16xi1>, vector<16xi32>
        %gt3A_401 = arith.cmpf ogt, %select_n3A_393, %select_n3A_390 : vector<16xf32>
        %select_n3A_402 = arith.select %gt3A_401, %select_n3A_393, %select_n3A_390 : vector<16xi1>, vector<16xf32>
        %select_n3A_403 = arith.select %gt3A_401, %select_n3A_394, %select_n3A_391 : vector<16xi1>, vector<16xi32>
        %gt3A_404 = arith.cmpf ogt, %select_n3A_402, %select_n3A_399 : vector<16xf32>
        %select_n3A_405 = arith.select %gt3A_404, %select_n3A_402, %select_n3A_399 : vector<16xi1>, vector<16xf32>
        %select_n3A_406 = arith.select %gt3A_404, %select_n3A_403, %select_n3A_400 : vector<16xi1>, vector<16xi32>
        %gt3A_407 = arith.cmpf ogt, %select_n3A_396, %select_n3A_405 : vector<16xf32>
        %select_n3A_408 = arith.select %gt3A_407, %select_n3A_396, %select_n3A_405 : vector<16xi1>, vector<16xf32>
        %select_n3A_409 = arith.select %gt3A_407, %select_n3A_397, %select_n3A_406 : vector<16xi1>, vector<16xi32>
        %ne3A = arith.cmpi ne, %select_n3A_332, %select_n3A_409 : vector<16xi32>
        %jit3A = arith.constant 1.000000e+00 : f32
        %jit3A_410 = arith.constant 0.000000e+00 : f32
        %broadcast_in_dim3A_411 = vector.broadcast %jit3A : f32 to vector<16xf32>
        %broadcast_in_dim3A_412 = vector.broadcast %jit3A_410 : f32 to vector<16xf32>
        %select_n3A_413 = arith.select %ne3A, %broadcast_in_dim3A_411, %broadcast_in_dim3A_412 : vector<16xi1>, vector<16xf32>
        %add3A_414 = arith.addf %scan3A_136, %select_n3A_413 : vector<16xf32>
        %add3A_415 = arith.constant 16 : i32
        %add3A_416 = arith.addi %mul3A_138, %add3A_415 : i32
        %get3A_417 = arith.constant 0 : i32
        %get3A_418 = arith.index_cast %get3A_417 : i32 to index
        %get3A_419 = arith.index_cast %add3A_416 : i32 to index
        %get3A_420 = tpu.vector_load %arg6[%get3A_418, %get3A_419] {strides = array<i32>} : memref<30x1024xf32, #tpu.memory_space<vmem>>, vector<1x16xf32>,
        %get3A_421 = vector.shape_cast %get3A_420 : vector<1x16xf32> to vector<16xf32>
        %get3A_422 = arith.constant 1 : i32
        %get3A_423 = arith.index_cast %get3A_422 : i32 to index
        %get3A_424 = arith.index_cast %add3A_416 : i32 to index
        %get3A_425 = tpu.vector_load %arg6[%get3A_423, %get3A_424] {strides = array<i32>} : memref<30x1024xf32, #tpu.memory_space<vmem>>, vector<1x16xf32>,
        %get3A_426 = vector.shape_cast %get3A_425 : vector<1x16xf32> to vector<16xf32>
        %get3A_427 = arith.constant 2 : i32
        %get3A_428 = arith.index_cast %get3A_427 : i32 to index
        %get3A_429 = arith.index_cast %add3A_416 : i32 to index
        %get3A_430 = tpu.vector_load %arg6[%get3A_428, %get3A_429] {strides = array<i32>} : memref<30x1024xf32, #tpu.memory_space<vmem>>, vector<1x16xf32>,
        %get3A_431 = vector.shape_cast %get3A_430 : vector<1x16xf32> to vector<16xf32>
        %max3A_432 = arith.maximumf %get3A_421, %get3A_426 : vector<16xf32>
        %max3A_433 = arith.maximumf %max3A_432, %get3A_431 : vector<16xf32>
        %get3A_434 = arith.constant 3 : i32
        %get3A_435 = arith.index_cast %get3A_434 : i32 to index
        %get3A_436 = arith.index_cast %add3A_416 : i32 to index
        %get3A_437 = tpu.vector_load %arg6[%get3A_435, %get3A_436] {strides = array<i32>} : memref<30x1024xf32, #tpu.memory_space<vmem>>, vector<1x16xf32>,
        %get3A_438 = vector.shape_cast %get3A_437 : vector<1x16xf32> to vector<16xf32>
        %get3A_439 = arith.constant 4 : i32
        %get3A_440 = arith.index_cast %get3A_439 : i32 to index
        %get3A_441 = arith.index_cast %add3A_416 : i32 to index
        %get3A_442 = tpu.vector_load %arg6[%get3A_440, %get3A_441] {strides = array<i32>} : memref<30x1024xf32, #tpu.memory_space<vmem>>, vector<1x16xf32>,
        %get3A_443 = vector.shape_cast %get3A_442 : vector<1x16xf32> to vector<16xf32>
        %get3A_444 = arith.constant 5 : i32
        %get3A_445 = arith.index_cast %get3A_444 : i32 to index
        %get3A_446 = arith.index_cast %add3A_416 : i32 to index
        %get3A_447 = tpu.vector_load %arg6[%get3A_445, %get3A_446] {strides = array<i32>} : memref<30x1024xf32, #tpu.memory_space<vmem>>, vector<1x16xf32>,
        %get3A_448 = vector.shape_cast %get3A_447 : vector<1x16xf32> to vector<16xf32>
        %max3A_449 = arith.maximumf %get3A_438, %get3A_443 : vector<16xf32>
        %max3A_450 = arith.maximumf %max3A_449, %get3A_448 : vector<16xf32>
        %get3A_451 = arith.constant 6 : i32
        %get3A_452 = arith.index_cast %get3A_451 : i32 to index
        %get3A_453 = arith.index_cast %add3A_416 : i32 to index
        %get3A_454 = tpu.vector_load %arg6[%get3A_452, %get3A_453] {strides = array<i32>} : memref<30x1024xf32, #tpu.memory_space<vmem>>, vector<1x16xf32>,
        %get3A_455 = vector.shape_cast %get3A_454 : vector<1x16xf32> to vector<16xf32>
        %get3A_456 = arith.constant 7 : i32
        %get3A_457 = arith.index_cast %get3A_456 : i32 to index
        %get3A_458 = arith.index_cast %add3A_416 : i32 to index
        %get3A_459 = tpu.vector_load %arg6[%get3A_457, %get3A_458] {strides = array<i32>} : memref<30x1024xf32, #tpu.memory_space<vmem>>, vector<1x16xf32>,
        %get3A_460 = vector.shape_cast %get3A_459 : vector<1x16xf32> to vector<16xf32>
        %get3A_461 = arith.constant 8 : i32
        %get3A_462 = arith.index_cast %get3A_461 : i32 to index
        %get3A_463 = arith.index_cast %add3A_416 : i32 to index
        %get3A_464 = tpu.vector_load %arg6[%get3A_462, %get3A_463] {strides = array<i32>} : memref<30x1024xf32, #tpu.memory_space<vmem>>, vector<1x16xf32>,
        %get3A_465 = vector.shape_cast %get3A_464 : vector<1x16xf32> to vector<16xf32>
        %max3A_466 = arith.maximumf %get3A_455, %get3A_460 : vector<16xf32>
        %max3A_467 = arith.maximumf %max3A_466, %get3A_465 : vector<16xf32>
        %get3A_468 = arith.constant 9 : i32
        %get3A_469 = arith.index_cast %get3A_468 : i32 to index
        %get3A_470 = arith.index_cast %add3A_416 : i32 to index
        %get3A_471 = tpu.vector_load %arg6[%get3A_469, %get3A_470] {strides = array<i32>} : memref<30x1024xf32, #tpu.memory_space<vmem>>, vector<1x16xf32>,
        %get3A_472 = vector.shape_cast %get3A_471 : vector<1x16xf32> to vector<16xf32>
        %get3A_473 = arith.constant 10 : i32
        %get3A_474 = arith.index_cast %get3A_473 : i32 to index
        %get3A_475 = arith.index_cast %add3A_416 : i32 to index
        %get3A_476 = tpu.vector_load %arg6[%get3A_474, %get3A_475] {strides = array<i32>} : memref<30x1024xf32, #tpu.memory_space<vmem>>, vector<1x16xf32>,
        %get3A_477 = vector.shape_cast %get3A_476 : vector<1x16xf32> to vector<16xf32>
        %get3A_478 = arith.constant 11 : i32
        %get3A_479 = arith.index_cast %get3A_478 : i32 to index
        %get3A_480 = arith.index_cast %add3A_416 : i32 to index
        %get3A_481 = tpu.vector_load %arg6[%get3A_479, %get3A_480] {strides = array<i32>} : memref<30x1024xf32, #tpu.memory_space<vmem>>, vector<1x16xf32>,
        %get3A_482 = vector.shape_cast %get3A_481 : vector<1x16xf32> to vector<16xf32>
        %max3A_483 = arith.maximumf %get3A_472, %get3A_477 : vector<16xf32>
        %max3A_484 = arith.maximumf %max3A_483, %get3A_482 : vector<16xf32>
        %get3A_485 = arith.constant 12 : i32
        %get3A_486 = arith.index_cast %get3A_485 : i32 to index
        %get3A_487 = arith.index_cast %add3A_416 : i32 to index
        %get3A_488 = tpu.vector_load %arg6[%get3A_486, %get3A_487] {strides = array<i32>} : memref<30x1024xf32, #tpu.memory_space<vmem>>, vector<1x16xf32>,
        %get3A_489 = vector.shape_cast %get3A_488 : vector<1x16xf32> to vector<16xf32>
        %get3A_490 = arith.constant 13 : i32
        %get3A_491 = arith.index_cast %get3A_490 : i32 to index
        %get3A_492 = arith.index_cast %add3A_416 : i32 to index
        %get3A_493 = tpu.vector_load %arg6[%get3A_491, %get3A_492] {strides = array<i32>} : memref<30x1024xf32, #tpu.memory_space<vmem>>, vector<1x16xf32>,
        %get3A_494 = vector.shape_cast %get3A_493 : vector<1x16xf32> to vector<16xf32>
        %get3A_495 = arith.constant 14 : i32
        %get3A_496 = arith.index_cast %get3A_495 : i32 to index
        %get3A_497 = arith.index_cast %add3A_416 : i32 to index
        %get3A_498 = tpu.vector_load %arg6[%get3A_496, %get3A_497] {strides = array<i32>} : memref<30x1024xf32, #tpu.memory_space<vmem>>, vector<1x16xf32>,
        %get3A_499 = vector.shape_cast %get3A_498 : vector<1x16xf32> to vector<16xf32>
        %max3A_500 = arith.maximumf %get3A_489, %get3A_494 : vector<16xf32>
        %max3A_501 = arith.maximumf %max3A_500, %get3A_499 : vector<16xf32>
        %get3A_502 = arith.constant 15 : i32
        %get3A_503 = arith.index_cast %get3A_502 : i32 to index
        %get3A_504 = arith.index_cast %add3A_416 : i32 to index
        %get3A_505 = tpu.vector_load %arg6[%get3A_503, %get3A_504] {strides = array<i32>} : memref<30x1024xf32, #tpu.memory_space<vmem>>, vector<1x16xf32>,
        %get3A_506 = vector.shape_cast %get3A_505 : vector<1x16xf32> to vector<16xf32>
        %get3A_507 = arith.constant 16 : i32
        %get3A_508 = arith.index_cast %get3A_507 : i32 to index
        %get3A_509 = arith.index_cast %add3A_416 : i32 to index
        %get3A_510 = tpu.vector_load %arg6[%get3A_508, %get3A_509] {strides = array<i32>} : memref<30x1024xf32, #tpu.memory_space<vmem>>, vector<1x16xf32>,
        %get3A_511 = vector.shape_cast %get3A_510 : vector<1x16xf32> to vector<16xf32>
        %get3A_512 = arith.constant 17 : i32
        %get3A_513 = arith.index_cast %get3A_512 : i32 to index
        %get3A_514 = arith.index_cast %add3A_416 : i32 to index
        %get3A_515 = tpu.vector_load %arg6[%get3A_513, %get3A_514] {strides = array<i32>} : memref<30x1024xf32, #tpu.memory_space<vmem>>, vector<1x16xf32>,
        %get3A_516 = vector.shape_cast %get3A_515 : vector<1x16xf32> to vector<16xf32>
        %max3A_517 = arith.maximumf %get3A_506, %get3A_511 : vector<16xf32>
        %max3A_518 = arith.maximumf %max3A_517, %get3A_516 : vector<16xf32>
        %get3A_519 = arith.constant 18 : i32
        %get3A_520 = arith.index_cast %get3A_519 : i32 to index
        %get3A_521 = arith.index_cast %add3A_416 : i32 to index
        %get3A_522 = tpu.vector_load %arg6[%get3A_520, %get3A_521] {strides = array<i32>} : memref<30x1024xf32, #tpu.memory_space<vmem>>, vector<1x16xf32>,
        %get3A_523 = vector.shape_cast %get3A_522 : vector<1x16xf32> to vector<16xf32>
        %get3A_524 = arith.constant 19 : i32
        %get3A_525 = arith.index_cast %get3A_524 : i32 to index
        %get3A_526 = arith.index_cast %add3A_416 : i32 to index
        %get3A_527 = tpu.vector_load %arg6[%get3A_525, %get3A_526] {strides = array<i32>} : memref<30x1024xf32, #tpu.memory_space<vmem>>, vector<1x16xf32>,
        %get3A_528 = vector.shape_cast %get3A_527 : vector<1x16xf32> to vector<16xf32>
        %get3A_529 = arith.constant 20 : i32
        %get3A_530 = arith.index_cast %get3A_529 : i32 to index
        %get3A_531 = arith.index_cast %add3A_416 : i32 to index
        %get3A_532 = tpu.vector_load %arg6[%get3A_530, %get3A_531] {strides = array<i32>} : memref<30x1024xf32, #tpu.memory_space<vmem>>, vector<1x16xf32>,
        %get3A_533 = vector.shape_cast %get3A_532 : vector<1x16xf32> to vector<16xf32>
        %max3A_534 = arith.maximumf %get3A_523, %get3A_528 : vector<16xf32>
        %max3A_535 = arith.maximumf %max3A_534, %get3A_533 : vector<16xf32>
        %get3A_536 = arith.constant 21 : i32
        %get3A_537 = arith.index_cast %get3A_536 : i32 to index
        %get3A_538 = arith.index_cast %add3A_416 : i32 to index
        %get3A_539 = tpu.vector_load %arg6[%get3A_537, %get3A_538] {strides = array<i32>} : memref<30x1024xf32, #tpu.memory_space<vmem>>, vector<1x16xf32>,
        %get3A_540 = vector.shape_cast %get3A_539 : vector<1x16xf32> to vector<16xf32>
        %get3A_541 = arith.constant 22 : i32
        %get3A_542 = arith.index_cast %get3A_541 : i32 to index
        %get3A_543 = arith.index_cast %add3A_416 : i32 to index
        %get3A_544 = tpu.vector_load %arg6[%get3A_542, %get3A_543] {strides = array<i32>} : memref<30x1024xf32, #tpu.memory_space<vmem>>, vector<1x16xf32>,
        %get3A_545 = vector.shape_cast %get3A_544 : vector<1x16xf32> to vector<16xf32>
        %get3A_546 = arith.constant 23 : i32
        %get3A_547 = arith.index_cast %get3A_546 : i32 to index
        %get3A_548 = arith.index_cast %add3A_416 : i32 to index
        %get3A_549 = tpu.vector_load %arg6[%get3A_547, %get3A_548] {strides = array<i32>} : memref<30x1024xf32, #tpu.memory_space<vmem>>, vector<1x16xf32>,
        %get3A_550 = vector.shape_cast %get3A_549 : vector<1x16xf32> to vector<16xf32>
        %max3A_551 = arith.maximumf %get3A_540, %get3A_545 : vector<16xf32>
        %max3A_552 = arith.maximumf %max3A_551, %get3A_550 : vector<16xf32>
        %get3A_553 = arith.constant 24 : i32
        %get3A_554 = arith.index_cast %get3A_553 : i32 to index
        %get3A_555 = arith.index_cast %add3A_416 : i32 to index
        %get3A_556 = tpu.vector_load %arg6[%get3A_554, %get3A_555] {strides = array<i32>} : memref<30x1024xf32, #tpu.memory_space<vmem>>, vector<1x16xf32>,
        %get3A_557 = vector.shape_cast %get3A_556 : vector<1x16xf32> to vector<16xf32>
        %get3A_558 = arith.constant 25 : i32
        %get3A_559 = arith.index_cast %get3A_558 : i32 to index
        %get3A_560 = arith.index_cast %add3A_416 : i32 to index
        %get3A_561 = tpu.vector_load %arg6[%get3A_559, %get3A_560] {strides = array<i32>} : memref<30x1024xf32, #tpu.memory_space<vmem>>, vector<1x16xf32>,
        %get3A_562 = vector.shape_cast %get3A_561 : vector<1x16xf32> to vector<16xf32>
        %get3A_563 = arith.constant 26 : i32
        %get3A_564 = arith.index_cast %get3A_563 : i32 to index
        %get3A_565 = arith.index_cast %add3A_416 : i32 to index
        %get3A_566 = tpu.vector_load %arg6[%get3A_564, %get3A_565] {strides = array<i32>} : memref<30x1024xf32, #tpu.memory_space<vmem>>, vector<1x16xf32>,
        %get3A_567 = vector.shape_cast %get3A_566 : vector<1x16xf32> to vector<16xf32>
        %max3A_568 = arith.maximumf %get3A_557, %get3A_562 : vector<16xf32>
        %max3A_569 = arith.maximumf %max3A_568, %get3A_567 : vector<16xf32>
        %get3A_570 = arith.constant 27 : i32
        %get3A_571 = arith.index_cast %get3A_570 : i32 to index
        %get3A_572 = arith.index_cast %add3A_416 : i32 to index
        %get3A_573 = tpu.vector_load %arg6[%get3A_571, %get3A_572] {strides = array<i32>} : memref<30x1024xf32, #tpu.memory_space<vmem>>, vector<1x16xf32>,
        %get3A_574 = vector.shape_cast %get3A_573 : vector<1x16xf32> to vector<16xf32>
        %get3A_575 = arith.constant 28 : i32
        %get3A_576 = arith.index_cast %get3A_575 : i32 to index
        %get3A_577 = arith.index_cast %add3A_416 : i32 to index
        %get3A_578 = tpu.vector_load %arg6[%get3A_576, %get3A_577] {strides = array<i32>} : memref<30x1024xf32, #tpu.memory_space<vmem>>, vector<1x16xf32>,
        %get3A_579 = vector.shape_cast %get3A_578 : vector<1x16xf32> to vector<16xf32>
        %get3A_580 = arith.constant 29 : i32
        %get3A_581 = arith.index_cast %get3A_580 : i32 to index
        %get3A_582 = arith.index_cast %add3A_416 : i32 to index
        %get3A_583 = tpu.vector_load %arg6[%get3A_581, %get3A_582] {strides = array<i32>} : memref<30x1024xf32, #tpu.memory_space<vmem>>, vector<1x16xf32>,
        %get3A_584 = vector.shape_cast %get3A_583 : vector<1x16xf32> to vector<16xf32>
        %max3A_585 = arith.maximumf %get3A_574, %get3A_579 : vector<16xf32>
        %max3A_586 = arith.maximumf %max3A_585, %get3A_584 : vector<16xf32>
        %gt3A_587 = arith.cmpf ogt, %max3A_450, %max3A_433 : vector<16xf32>
        %select_n3A_588 = arith.select %gt3A_587, %max3A_450, %max3A_433 : vector<16xi1>, vector<16xf32>
        %select_n3A_589 = arith.select %gt3A_587, %broadcast_in_dim3A_3, %broadcast_in_dim3A_1 : vector<16xi1>, vector<16xi32>
        %gt3A_590 = arith.cmpf ogt, %max3A_484, %max3A_467 : vector<16xf32>
        %select_n3A_591 = arith.select %gt3A_590, %max3A_484, %max3A_467 : vector<16xi1>, vector<16xf32>
        %select_n3A_592 = arith.select %gt3A_590, %broadcast_in_dim3A_7, %broadcast_in_dim3A_5 : vector<16xi1>, vector<16xi32>
        %gt3A_593 = arith.cmpf ogt, %max3A_518, %max3A_501 : vector<16xf32>
        %select_n3A_594 = arith.select %gt3A_593, %max3A_518, %max3A_501 : vector<16xi1>, vector<16xf32>
        %select_n3A_595 = arith.select %gt3A_593, %broadcast_in_dim3A_11, %broadcast_in_dim3A_9 : vector<16xi1>, vector<16xi32>
        %gt3A_596 = arith.cmpf ogt, %max3A_552, %max3A_535 : vector<16xf32>
        %select_n3A_597 = arith.select %gt3A_596, %max3A_552, %max3A_535 : vector<16xi1>, vector<16xf32>
        %select_n3A_598 = arith.select %gt3A_596, %broadcast_in_dim3A_15, %broadcast_in_dim3A_13 : vector<16xi1>, vector<16xi32>
        %gt3A_599 = arith.cmpf ogt, %max3A_586, %max3A_569 : vector<16xf32>
        %select_n3A_600 = arith.select %gt3A_599, %max3A_586, %max3A_569 : vector<16xi1>, vector<16xf32>
        %select_n3A_601 = arith.select %gt3A_599, %broadcast_in_dim3A_19, %broadcast_in_dim3A_17 : vector<16xi1>, vector<16xi32>
        %gt3A_602 = arith.cmpf ogt, %select_n3A_591, %select_n3A_588 : vector<16xf32>
        %select_n3A_603 = arith.select %gt3A_602, %select_n3A_591, %select_n3A_588 : vector<16xi1>, vector<16xf32>
        %select_n3A_604 = arith.select %gt3A_602, %select_n3A_592, %select_n3A_589 : vector<16xi1>, vector<16xi32>
        %gt3A_605 = arith.cmpf ogt, %select_n3A_597, %select_n3A_594 : vector<16xf32>
        %select_n3A_606 = arith.select %gt3A_605, %select_n3A_597, %select_n3A_594 : vector<16xi1>, vector<16xf32>
        %select_n3A_607 = arith.select %gt3A_605, %select_n3A_598, %select_n3A_595 : vector<16xi1>, vector<16xi32>
        %gt3A_608 = arith.cmpf ogt, %select_n3A_606, %select_n3A_603 : vector<16xf32>
        %select_n3A_609 = arith.select %gt3A_608, %select_n3A_606, %select_n3A_603 : vector<16xi1>, vector<16xf32>
        %select_n3A_610 = arith.select %gt3A_608, %select_n3A_607, %select_n3A_604 : vector<16xi1>, vector<16xi32>
        %gt3A_611 = arith.cmpf ogt, %select_n3A_600, %select_n3A_609 : vector<16xf32>
        %select_n3A_612 = arith.select %gt3A_611, %select_n3A_600, %select_n3A_609 : vector<16xi1>, vector<16xf32>
        %select_n3A_613 = arith.select %gt3A_611, %select_n3A_601, %select_n3A_610 : vector<16xi1>, vector<16xi32>
        %get3A_614 = arith.constant 0 : i32
        %get3A_615 = arith.index_cast %get3A_614 : i32 to index
        %get3A_616 = arith.index_cast %add3A_416 : i32 to index
        %get3A_617 = tpu.vector_load %arg8[%get3A_615, %get3A_616] {strides = array<i32>} : memref<10x1024xf32, #tpu.memory_space<vmem>>, vector<1x16xf32>,
        %get3A_618 = vector.shape_cast %get3A_617 : vector<1x16xf32> to vector<16xf32>
        %get3A_619 = arith.constant 1 : i32
        %get3A_620 = arith.index_cast %get3A_619 : i32 to index
        %get3A_621 = arith.index_cast %add3A_416 : i32 to index
        %get3A_622 = tpu.vector_load %arg8[%get3A_620, %get3A_621] {strides = array<i32>} : memref<10x1024xf32, #tpu.memory_space<vmem>>, vector<1x16xf32>,
        %get3A_623 = vector.shape_cast %get3A_622 : vector<1x16xf32> to vector<16xf32>
        %get3A_624 = arith.constant 2 : i32
        %get3A_625 = arith.index_cast %get3A_624 : i32 to index
        %get3A_626 = arith.index_cast %add3A_416 : i32 to index
        %get3A_627 = tpu.vector_load %arg8[%get3A_625, %get3A_626] {strides = array<i32>} : memref<10x1024xf32, #tpu.memory_space<vmem>>, vector<1x16xf32>,
        %get3A_628 = vector.shape_cast %get3A_627 : vector<1x16xf32> to vector<16xf32>
        %get3A_629 = arith.constant 3 : i32
        %get3A_630 = arith.index_cast %get3A_629 : i32 to index
        %get3A_631 = arith.index_cast %add3A_416 : i32 to index
        %get3A_632 = tpu.vector_load %arg8[%get3A_630, %get3A_631] {strides = array<i32>} : memref<10x1024xf32, #tpu.memory_space<vmem>>, vector<1x16xf32>,
        %get3A_633 = vector.shape_cast %get3A_632 : vector<1x16xf32> to vector<16xf32>
        %get3A_634 = arith.constant 4 : i32
        %get3A_635 = arith.index_cast %get3A_634 : i32 to index
        %get3A_636 = arith.index_cast %add3A_416 : i32 to index
        %get3A_637 = tpu.vector_load %arg8[%get3A_635, %get3A_636] {strides = array<i32>} : memref<10x1024xf32, #tpu.memory_space<vmem>>, vector<1x16xf32>,
        %get3A_638 = vector.shape_cast %get3A_637 : vector<1x16xf32> to vector<16xf32>
        %get3A_639 = arith.constant 5 : i32
        %get3A_640 = arith.index_cast %get3A_639 : i32 to index
        %get3A_641 = arith.index_cast %add3A_416 : i32 to index
        %get3A_642 = tpu.vector_load %arg8[%get3A_640, %get3A_641] {strides = array<i32>} : memref<10x1024xf32, #tpu.memory_space<vmem>>, vector<1x16xf32>,
        %get3A_643 = vector.shape_cast %get3A_642 : vector<1x16xf32> to vector<16xf32>
        %get3A_644 = arith.constant 6 : i32
        %get3A_645 = arith.index_cast %get3A_644 : i32 to index
        %get3A_646 = arith.index_cast %add3A_416 : i32 to index
        %get3A_647 = tpu.vector_load %arg8[%get3A_645, %get3A_646] {strides = array<i32>} : memref<10x1024xf32, #tpu.memory_space<vmem>>, vector<1x16xf32>,
        %get3A_648 = vector.shape_cast %get3A_647 : vector<1x16xf32> to vector<16xf32>
        %get3A_649 = arith.constant 7 : i32
        %get3A_650 = arith.index_cast %get3A_649 : i32 to index
        %get3A_651 = arith.index_cast %add3A_416 : i32 to index
        %get3A_652 = tpu.vector_load %arg8[%get3A_650, %get3A_651] {strides = array<i32>} : memref<10x1024xf32, #tpu.memory_space<vmem>>, vector<1x16xf32>,
        %get3A_653 = vector.shape_cast %get3A_652 : vector<1x16xf32> to vector<16xf32>
        %get3A_654 = arith.constant 8 : i32
        %get3A_655 = arith.index_cast %get3A_654 : i32 to index
        %get3A_656 = arith.index_cast %add3A_416 : i32 to index
        %get3A_657 = tpu.vector_load %arg8[%get3A_655, %get3A_656] {strides = array<i32>} : memref<10x1024xf32, #tpu.memory_space<vmem>>, vector<1x16xf32>,
        %get3A_658 = vector.shape_cast %get3A_657 : vector<1x16xf32> to vector<16xf32>
        %get3A_659 = arith.constant 9 : i32
        %get3A_660 = arith.index_cast %get3A_659 : i32 to index
        %get3A_661 = arith.index_cast %add3A_416 : i32 to index
        %get3A_662 = tpu.vector_load %arg8[%get3A_660, %get3A_661] {strides = array<i32>} : memref<10x1024xf32, #tpu.memory_space<vmem>>, vector<1x16xf32>,
        %get3A_663 = vector.shape_cast %get3A_662 : vector<1x16xf32> to vector<16xf32>
        %gt3A_664 = arith.cmpf ogt, %get3A_623, %get3A_618 : vector<16xf32>
        %select_n3A_665 = arith.select %gt3A_664, %get3A_623, %get3A_618 : vector<16xi1>, vector<16xf32>
        %select_n3A_666 = arith.select %gt3A_664, %broadcast_in_dim3A_3, %broadcast_in_dim3A_1 : vector<16xi1>, vector<16xi32>
        %gt3A_667 = arith.cmpf ogt, %get3A_633, %get3A_628 : vector<16xf32>
        %select_n3A_668 = arith.select %gt3A_667, %get3A_633, %get3A_628 : vector<16xi1>, vector<16xf32>
        %select_n3A_669 = arith.select %gt3A_667, %broadcast_in_dim3A_7, %broadcast_in_dim3A_5 : vector<16xi1>, vector<16xi32>
        %gt3A_670 = arith.cmpf ogt, %get3A_643, %get3A_638 : vector<16xf32>
        %select_n3A_671 = arith.select %gt3A_670, %get3A_643, %get3A_638 : vector<16xi1>, vector<16xf32>
        %select_n3A_672 = arith.select %gt3A_670, %broadcast_in_dim3A_11, %broadcast_in_dim3A_9 : vector<16xi1>, vector<16xi32>
        %gt3A_673 = arith.cmpf ogt, %get3A_653, %get3A_648 : vector<16xf32>
        %select_n3A_674 = arith.select %gt3A_673, %get3A_653, %get3A_648 : vector<16xi1>, vector<16xf32>
        %select_n3A_675 = arith.select %gt3A_673, %broadcast_in_dim3A_15, %broadcast_in_dim3A_13 : vector<16xi1>, vector<16xi32>
        %gt3A_676 = arith.cmpf ogt, %get3A_663, %get3A_658 : vector<16xf32>
        %select_n3A_677 = arith.select %gt3A_676, %get3A_663, %get3A_658 : vector<16xi1>, vector<16xf32>
        %select_n3A_678 = arith.select %gt3A_676, %broadcast_in_dim3A_19, %broadcast_in_dim3A_17 : vector<16xi1>, vector<16xi32>
        %gt3A_679 = arith.cmpf ogt, %select_n3A_668, %select_n3A_665 : vector<16xf32>
        %select_n3A_680 = arith.select %gt3A_679, %select_n3A_668, %select_n3A_665 : vector<16xi1>, vector<16xf32>
        %select_n3A_681 = arith.select %gt3A_679, %select_n3A_669, %select_n3A_666 : vector<16xi1>, vector<16xi32>
        %gt3A_682 = arith.cmpf ogt, %select_n3A_674, %select_n3A_671 : vector<16xf32>
        %select_n3A_683 = arith.select %gt3A_682, %select_n3A_674, %select_n3A_671 : vector<16xi1>, vector<16xf32>
        %select_n3A_684 = arith.select %gt3A_682, %select_n3A_675, %select_n3A_672 : vector<16xi1>, vector<16xi32>
        %gt3A_685 = arith.cmpf ogt, %select_n3A_683, %select_n3A_680 : vector<16xf32>
        %select_n3A_686 = arith.select %gt3A_685, %select_n3A_683, %select_n3A_680 : vector<16xi1>, vector<16xf32>
        %select_n3A_687 = arith.select %gt3A_685, %select_n3A_684, %select_n3A_681 : vector<16xi1>, vector<16xi32>
        %gt3A_688 = arith.cmpf ogt, %select_n3A_677, %select_n3A_686 : vector<16xf32>
        %select_n3A_689 = arith.select %gt3A_688, %select_n3A_677, %select_n3A_686 : vector<16xi1>, vector<16xf32>
        %select_n3A_690 = arith.select %gt3A_688, %select_n3A_678, %select_n3A_687 : vector<16xi1>, vector<16xi32>
        %ne3A_691 = arith.cmpi ne, %select_n3A_613, %select_n3A_690 : vector<16xi32>
        %jit3A_692 = arith.constant 1.000000e+00 : f32
        %jit3A_693 = arith.constant 0.000000e+00 : f32
        %broadcast_in_dim3A_694 = vector.broadcast %jit3A_692 : f32 to vector<16xf32>
        %broadcast_in_dim3A_695 = vector.broadcast %jit3A_693 : f32 to vector<16xf32>
        %select_n3A_696 = arith.select %ne3A_691, %broadcast_in_dim3A_694, %broadcast_in_dim3A_695 : vector<16xi1>, vector<16xf32>
        %add3A_697 = arith.addf %add3A_414, %select_n3A_696 : vector<16xf32>
        scf.yield %add3A_697 : vector<16xf32>
      }
      %scan3A_97 = arith.constant 32 : i32
      %add3A_98 = arith.constant 2 : i32
      %add3A_99 = arith.addi %mul3A_74, %add3A_98 : i32
      %lt3A = arith.constant 8 : i32
      %lt3A_100 = arith.cmpi slt, %add3A_99, %lt3A : i32
      %convert_element_type3A = arith.extui %lt3A_100 : i1 to i32
      %cond3A = arith.constant 0 : i32
      %cond3A_101 = arith.cmpi ne, %convert_element_type3A, %cond3A : i32
      scf.if %cond3A_101 {
        %add3A_135 = arith.constant 2 : i32
        %add3A_136 = arith.addi %mul3A_74, %add3A_135 : i32
        %jit3A = arith.constant 2 : i32
        %div3A = arith.divsi %add3A_136, %jit3A : i32
        %sign3A = arith.constant 0 : i32
        %sign3A_137 = arith.cmpi sgt, %add3A_136, %sign3A : i32
        %sign3A_138 = arith.extui %sign3A_137 : i1 to i32
        %sign3A_139 = arith.constant 0 : i32
        %sign3A_140 = arith.cmpi slt, %add3A_136, %sign3A_139 : i32
        %sign3A_141 = arith.extui %sign3A_140 : i1 to i32
        %sign3A_142 = arith.subi %sign3A_138, %sign3A_141 : i32
        %sign3A_143 = arith.constant 0 : i32
        %sign3A_144 = arith.cmpi sgt, %jit3A, %sign3A_143 : i32
        %sign3A_145 = arith.extui %sign3A_144 : i1 to i32
        %sign3A_146 = arith.constant 0 : i32
        %sign3A_147 = arith.cmpi slt, %jit3A, %sign3A_146 : i32
        %sign3A_148 = arith.extui %sign3A_147 : i1 to i32
        %sign3A_149 = arith.subi %sign3A_145, %sign3A_148 : i32
        %ne3A = arith.cmpi ne, %sign3A_142, %sign3A_149 : i32
        %rem3A = arith.remsi %add3A_136, %jit3A : i32
        %ne3A_150 = arith.constant 0 : i32
        %ne3A_151 = arith.cmpi ne, %rem3A, %ne3A_150 : i32
        %and3A = arith.andi %ne3A, %ne3A_151 : i1
        %sub3A = arith.constant 1 : i32
        %sub3A_152 = arith.subi %div3A, %sub3A : i32
        %select_n3A = arith.select %and3A, %sub3A_152, %div3A : i32
        %jit3A_153 = arith.constant 2 : i32
        %eq3A = arith.constant 0 : i32
        %eq3A_154 = arith.cmpi eq, %jit3A_153, %eq3A : i32
        %jit3A_155 = arith.constant 1 : i32
        %select_n3A_156 = arith.select %eq3A_154, %jit3A_155, %jit3A_153 : i32
        %rem3A_157 = arith.remsi %add3A_136, %select_n3A_156 : i32
        %ne3A_158 = arith.constant 0 : i32
        %ne3A_159 = arith.cmpi ne, %rem3A_157, %ne3A_158 : i32
        %lt3A_160 = arith.constant 0 : i32
        %lt3A_161 = arith.cmpi slt, %rem3A_157, %lt3A_160 : i32
        %lt3A_162 = arith.constant 0 : i32
        %lt3A_163 = arith.cmpi slt, %select_n3A_156, %lt3A_162 : i32
        %ne3A_164 = arith.xori %lt3A_161, %lt3A_163 : i1
        %and3A_165 = arith.andi %ne3A_164, %ne3A_159 : i1
        %add3A_166 = arith.addi %rem3A_157, %select_n3A_156 : i32
        %select_n3A_167 = arith.select %and3A_165, %add3A_166, %rem3A_157 : i32
        %mul3A_168 = arith.constant 2048 : i32
        %mul3A_169 = arith.muli %add3A, %mul3A_168 : i32
        %mul3A_170 = arith.constant 1024 : i32
        %mul3A_171 = arith.muli %select_n3A_167, %mul3A_170 : i32
        %add3A_172 = arith.addi %mul3A_169, %mul3A_171 : i32
        %dma_start3A_173 = arith.constant 0 : i32
        %dma_start3A_174 = tpu.memref_slice %arg3[%select_n3A, %dma_start3A_173, %add3A_172] : memref<4x30x262144xf32, #tpu.memory_space<hbm>> -> memref<1x30x1024xf32, #tpu.memory_space<hbm>>
        %dma_start3A_175 = tpu.memref_squeeze %dma_start3A_174 : memref<1x30x1024xf32, #tpu.memory_space<hbm>> -> memref<30x1024xf32, #tpu.memory_space<hbm>>
        %dma_start3A_176 = arith.constant 0 : i32
        %dma_start3A_177 = tpu.memref_slice %arg3[%select_n3A, %dma_start3A_176, %add3A_172] : memref<4x30x262144xf32, #tpu.memory_space<hbm>> -> memref<1x30x1024xf32, #tpu.memory_space<hbm>>
        %dma_start3A_178 = tpu.memref_squeeze %dma_start3A_177 : memref<1x30x1024xf32, #tpu.memory_space<hbm>> -> memref<30x1024xf32, #tpu.memory_space<hbm>>
        tpu.enqueue_dma source(%dma_start3A_178 : memref<30x1024xf32, #tpu.memory_space<hbm>>) target(%arg6 : memref<30x1024xf32, #tpu.memory_space<vmem>>) target_semaphore(%arg12 : memref<!tpu.dma_semaphore, #tpu.memory_space<semaphore_mem>>)
        %dma_start3A_179 = arith.constant 0 : i32
        %dma_start3A_180 = tpu.memref_slice %arg2[%select_n3A, %dma_start3A_179, %add3A_172] : memref<4x10x262144xf32, #tpu.memory_space<hbm>> -> memref<1x10x1024xf32, #tpu.memory_space<hbm>>
        %dma_start3A_181 = tpu.memref_squeeze %dma_start3A_180 : memref<1x10x1024xf32, #tpu.memory_space<hbm>> -> memref<10x1024xf32, #tpu.memory_space<hbm>>
        %dma_start3A_182 = arith.constant 0 : i32
        %dma_start3A_183 = tpu.memref_slice %arg2[%select_n3A, %dma_start3A_182, %add3A_172] : memref<4x10x262144xf32, #tpu.memory_space<hbm>> -> memref<1x10x1024xf32, #tpu.memory_space<hbm>>
        %dma_start3A_184 = tpu.memref_squeeze %dma_start3A_183 : memref<1x10x1024xf32, #tpu.memory_space<hbm>> -> memref<10x1024xf32, #tpu.memory_space<hbm>>
        tpu.enqueue_dma source(%dma_start3A_184 : memref<10x1024xf32, #tpu.memory_space<hbm>>) target(%arg8 : memref<10x1024xf32, #tpu.memory_space<vmem>>) target_semaphore(%arg12 : memref<!tpu.dma_semaphore, #tpu.memory_space<semaphore_mem>>)
      } else {
      }
      %add3A_102 = arith.constant 1 : i32
      %add3A_103 = arith.addi %mul3A_74, %add3A_102 : i32
      %dma_wait3A_104 = arith.constant 0 : i32
      %dma_wait3A_105 = arith.constant 0 : i32
      %dma_wait3A_106 = arith.constant 0 : i32
      %dma_wait3A_107 = tpu.memref_slice %arg3[%dma_wait3A_104, %dma_wait3A_105, %dma_wait3A_106] : memref<4x30x262144xf32, #tpu.memory_space<hbm>> -> memref<1x30x1024xf32, #tpu.memory_space<hbm>>
      %dma_wait3A_108 = tpu.memref_squeeze %dma_wait3A_107 : memref<1x30x1024xf32, #tpu.memory_space<hbm>> -> memref<30x1024xf32, #tpu.memory_space<hbm>>
      %dma_wait3A_109 = arith.constant 0 : i32
      %dma_wait3A_110 = arith.constant 0 : i32
      %dma_wait3A_111 = tpu.memref_slice %arg3[%dma_wait3A_104, %dma_wait3A_109, %dma_wait3A_110] : memref<4x30x262144xf32, #tpu.memory_space<hbm>> -> memref<1x30x1024xf32, #tpu.memory_space<hbm>>
      %dma_wait3A_112 = tpu.memref_squeeze %dma_wait3A_111 : memref<1x30x1024xf32, #tpu.memory_space<hbm>> -> memref<30x1024xf32, #tpu.memory_space<hbm>>
      tpu.wait_dma2 semaphore(%arg13 : memref<!tpu.dma_semaphore, #tpu.memory_space<semaphore_mem>>) src(%dma_wait3A_112 : memref<30x1024xf32, #tpu.memory_space<hbm>>) dst(%arg7 : memref<30x1024xf32, #tpu.memory_space<vmem>>)
      %dma_wait3A_113 = arith.constant 0 : i32
      %dma_wait3A_114 = arith.constant 0 : i32
      %dma_wait3A_115 = arith.constant 0 : i32
      %dma_wait3A_116 = tpu.memref_slice %arg2[%dma_wait3A_113, %dma_wait3A_114, %dma_wait3A_115] : memref<4x10x262144xf32, #tpu.memory_space<hbm>> -> memref<1x10x1024xf32, #tpu.memory_space<hbm>>
      %dma_wait3A_117 = tpu.memref_squeeze %dma_wait3A_116 : memref<1x10x1024xf32, #tpu.memory_space<hbm>> -> memref<10x1024xf32, #tpu.memory_space<hbm>>
      %dma_wait3A_118 = arith.constant 0 : i32
      %dma_wait3A_119 = arith.constant 0 : i32
      %dma_wait3A_120 = tpu.memref_slice %arg2[%dma_wait3A_113, %dma_wait3A_118, %dma_wait3A_119] : memref<4x10x262144xf32, #tpu.memory_space<hbm>> -> memref<1x10x1024xf32, #tpu.memory_space<hbm>>
      %dma_wait3A_121 = tpu.memref_squeeze %dma_wait3A_120 : memref<1x10x1024xf32, #tpu.memory_space<hbm>> -> memref<10x1024xf32, #tpu.memory_space<hbm>>
      tpu.wait_dma2 semaphore(%arg13 : memref<!tpu.dma_semaphore, #tpu.memory_space<semaphore_mem>>) src(%dma_wait3A_121 : memref<10x1024xf32, #tpu.memory_space<hbm>>) dst(%arg9 : memref<10x1024xf32, #tpu.memory_space<vmem>>)
      %scan3A_122 = arith.constant 0 : i32
      %scan3A_123 = arith.constant 32 : i32
      %scan3A_124 = arith.addi %scan3A_122, %scan3A_123 : i32
      %scan3A_125 = arith.constant 1 : i32
      %scan3A_126 = scf.for %scan3A_135 = %scan3A_122 to %scan3A_124 step %scan3A_125 iter_args(%scan3A_136 = %scan3A_96) -> (vector<16xf32>)  : i32 {
        %mul3A_137 = arith.constant 32 : i32
        %mul3A_138 = arith.muli %scan3A_135, %mul3A_137 : i32
        %get3A_139 = arith.constant 0 : i32
        %get3A_140 = arith.index_cast %get3A_139 : i32 to index
        %get3A_141 = arith.index_cast %mul3A_138 : i32 to index
        %get3A_142 = tpu.vector_load %arg7[%get3A_140, %get3A_141] {strides = array<i32>} : memref<30x1024xf32, #tpu.memory_space<vmem>>, vector<1x16xf32>,
        %get3A_143 = vector.shape_cast %get3A_142 : vector<1x16xf32> to vector<16xf32>
        %get3A_144 = arith.constant 1 : i32
        %get3A_145 = arith.index_cast %get3A_144 : i32 to index
        %get3A_146 = arith.index_cast %mul3A_138 : i32 to index
        %get3A_147 = tpu.vector_load %arg7[%get3A_145, %get3A_146] {strides = array<i32>} : memref<30x1024xf32, #tpu.memory_space<vmem>>, vector<1x16xf32>,
        %get3A_148 = vector.shape_cast %get3A_147 : vector<1x16xf32> to vector<16xf32>
        %get3A_149 = arith.constant 2 : i32
        %get3A_150 = arith.index_cast %get3A_149 : i32 to index
        %get3A_151 = arith.index_cast %mul3A_138 : i32 to index
        %get3A_152 = tpu.vector_load %arg7[%get3A_150, %get3A_151] {strides = array<i32>} : memref<30x1024xf32, #tpu.memory_space<vmem>>, vector<1x16xf32>,
        %get3A_153 = vector.shape_cast %get3A_152 : vector<1x16xf32> to vector<16xf32>
        %max3A = arith.maximumf %get3A_143, %get3A_148 : vector<16xf32>
        %max3A_154 = arith.maximumf %max3A, %get3A_153 : vector<16xf32>
        %get3A_155 = arith.constant 3 : i32
        %get3A_156 = arith.index_cast %get3A_155 : i32 to index
        %get3A_157 = arith.index_cast %mul3A_138 : i32 to index
        %get3A_158 = tpu.vector_load %arg7[%get3A_156, %get3A_157] {strides = array<i32>} : memref<30x1024xf32, #tpu.memory_space<vmem>>, vector<1x16xf32>,
        %get3A_159 = vector.shape_cast %get3A_158 : vector<1x16xf32> to vector<16xf32>
        %get3A_160 = arith.constant 4 : i32
        %get3A_161 = arith.index_cast %get3A_160 : i32 to index
        %get3A_162 = arith.index_cast %mul3A_138 : i32 to index
        %get3A_163 = tpu.vector_load %arg7[%get3A_161, %get3A_162] {strides = array<i32>} : memref<30x1024xf32, #tpu.memory_space<vmem>>, vector<1x16xf32>,
        %get3A_164 = vector.shape_cast %get3A_163 : vector<1x16xf32> to vector<16xf32>
        %get3A_165 = arith.constant 5 : i32
        %get3A_166 = arith.index_cast %get3A_165 : i32 to index
        %get3A_167 = arith.index_cast %mul3A_138 : i32 to index
        %get3A_168 = tpu.vector_load %arg7[%get3A_166, %get3A_167] {strides = array<i32>} : memref<30x1024xf32, #tpu.memory_space<vmem>>, vector<1x16xf32>,
        %get3A_169 = vector.shape_cast %get3A_168 : vector<1x16xf32> to vector<16xf32>
        %max3A_170 = arith.maximumf %get3A_159, %get3A_164 : vector<16xf32>
        %max3A_171 = arith.maximumf %max3A_170, %get3A_169 : vector<16xf32>
        %get3A_172 = arith.constant 6 : i32
        %get3A_173 = arith.index_cast %get3A_172 : i32 to index
        %get3A_174 = arith.index_cast %mul3A_138 : i32 to index
        %get3A_175 = tpu.vector_load %arg7[%get3A_173, %get3A_174] {strides = array<i32>} : memref<30x1024xf32, #tpu.memory_space<vmem>>, vector<1x16xf32>,
        %get3A_176 = vector.shape_cast %get3A_175 : vector<1x16xf32> to vector<16xf32>
        %get3A_177 = arith.constant 7 : i32
        %get3A_178 = arith.index_cast %get3A_177 : i32 to index
        %get3A_179 = arith.index_cast %mul3A_138 : i32 to index
        %get3A_180 = tpu.vector_load %arg7[%get3A_178, %get3A_179] {strides = array<i32>} : memref<30x1024xf32, #tpu.memory_space<vmem>>, vector<1x16xf32>,
        %get3A_181 = vector.shape_cast %get3A_180 : vector<1x16xf32> to vector<16xf32>
        %get3A_182 = arith.constant 8 : i32
        %get3A_183 = arith.index_cast %get3A_182 : i32 to index
        %get3A_184 = arith.index_cast %mul3A_138 : i32 to index
        %get3A_185 = tpu.vector_load %arg7[%get3A_183, %get3A_184] {strides = array<i32>} : memref<30x1024xf32, #tpu.memory_space<vmem>>, vector<1x16xf32>,
        %get3A_186 = vector.shape_cast %get3A_185 : vector<1x16xf32> to vector<16xf32>
        %max3A_187 = arith.maximumf %get3A_176, %get3A_181 : vector<16xf32>
        %max3A_188 = arith.maximumf %max3A_187, %get3A_186 : vector<16xf32>
        %get3A_189 = arith.constant 9 : i32
        %get3A_190 = arith.index_cast %get3A_189 : i32 to index
        %get3A_191 = arith.index_cast %mul3A_138 : i32 to index
        %get3A_192 = tpu.vector_load %arg7[%get3A_190, %get3A_191] {strides = array<i32>} : memref<30x1024xf32, #tpu.memory_space<vmem>>, vector<1x16xf32>,
        %get3A_193 = vector.shape_cast %get3A_192 : vector<1x16xf32> to vector<16xf32>
        %get3A_194 = arith.constant 10 : i32
        %get3A_195 = arith.index_cast %get3A_194 : i32 to index
        %get3A_196 = arith.index_cast %mul3A_138 : i32 to index
        %get3A_197 = tpu.vector_load %arg7[%get3A_195, %get3A_196] {strides = array<i32>} : memref<30x1024xf32, #tpu.memory_space<vmem>>, vector<1x16xf32>,
        %get3A_198 = vector.shape_cast %get3A_197 : vector<1x16xf32> to vector<16xf32>
        %get3A_199 = arith.constant 11 : i32
        %get3A_200 = arith.index_cast %get3A_199 : i32 to index
        %get3A_201 = arith.index_cast %mul3A_138 : i32 to index
        %get3A_202 = tpu.vector_load %arg7[%get3A_200, %get3A_201] {strides = array<i32>} : memref<30x1024xf32, #tpu.memory_space<vmem>>, vector<1x16xf32>,
        %get3A_203 = vector.shape_cast %get3A_202 : vector<1x16xf32> to vector<16xf32>
        %max3A_204 = arith.maximumf %get3A_193, %get3A_198 : vector<16xf32>
        %max3A_205 = arith.maximumf %max3A_204, %get3A_203 : vector<16xf32>
        %get3A_206 = arith.constant 12 : i32
        %get3A_207 = arith.index_cast %get3A_206 : i32 to index
        %get3A_208 = arith.index_cast %mul3A_138 : i32 to index
        %get3A_209 = tpu.vector_load %arg7[%get3A_207, %get3A_208] {strides = array<i32>} : memref<30x1024xf32, #tpu.memory_space<vmem>>, vector<1x16xf32>,
        %get3A_210 = vector.shape_cast %get3A_209 : vector<1x16xf32> to vector<16xf32>
        %get3A_211 = arith.constant 13 : i32
        %get3A_212 = arith.index_cast %get3A_211 : i32 to index
        %get3A_213 = arith.index_cast %mul3A_138 : i32 to index
        %get3A_214 = tpu.vector_load %arg7[%get3A_212, %get3A_213] {strides = array<i32>} : memref<30x1024xf32, #tpu.memory_space<vmem>>, vector<1x16xf32>,
        %get3A_215 = vector.shape_cast %get3A_214 : vector<1x16xf32> to vector<16xf32>
        %get3A_216 = arith.constant 14 : i32
        %get3A_217 = arith.index_cast %get3A_216 : i32 to index
        %get3A_218 = arith.index_cast %mul3A_138 : i32 to index
        %get3A_219 = tpu.vector_load %arg7[%get3A_217, %get3A_218] {strides = array<i32>} : memref<30x1024xf32, #tpu.memory_space<vmem>>, vector<1x16xf32>,
        %get3A_220 = vector.shape_cast %get3A_219 : vector<1x16xf32> to vector<16xf32>
        %max3A_221 = arith.maximumf %get3A_210, %get3A_215 : vector<16xf32>
        %max3A_222 = arith.maximumf %max3A_221, %get3A_220 : vector<16xf32>
        %get3A_223 = arith.constant 15 : i32
        %get3A_224 = arith.index_cast %get3A_223 : i32 to index
        %get3A_225 = arith.index_cast %mul3A_138 : i32 to index
        %get3A_226 = tpu.vector_load %arg7[%get3A_224, %get3A_225] {strides = array<i32>} : memref<30x1024xf32, #tpu.memory_space<vmem>>, vector<1x16xf32>,
        %get3A_227 = vector.shape_cast %get3A_226 : vector<1x16xf32> to vector<16xf32>
        %get3A_228 = arith.constant 16 : i32
        %get3A_229 = arith.index_cast %get3A_228 : i32 to index
        %get3A_230 = arith.index_cast %mul3A_138 : i32 to index
        %get3A_231 = tpu.vector_load %arg7[%get3A_229, %get3A_230] {strides = array<i32>} : memref<30x1024xf32, #tpu.memory_space<vmem>>, vector<1x16xf32>,
        %get3A_232 = vector.shape_cast %get3A_231 : vector<1x16xf32> to vector<16xf32>
        %get3A_233 = arith.constant 17 : i32
        %get3A_234 = arith.index_cast %get3A_233 : i32 to index
        %get3A_235 = arith.index_cast %mul3A_138 : i32 to index
        %get3A_236 = tpu.vector_load %arg7[%get3A_234, %get3A_235] {strides = array<i32>} : memref<30x1024xf32, #tpu.memory_space<vmem>>, vector<1x16xf32>,
        %get3A_237 = vector.shape_cast %get3A_236 : vector<1x16xf32> to vector<16xf32>
        %max3A_238 = arith.maximumf %get3A_227, %get3A_232 : vector<16xf32>
        %max3A_239 = arith.maximumf %max3A_238, %get3A_237 : vector<16xf32>
        %get3A_240 = arith.constant 18 : i32
        %get3A_241 = arith.index_cast %get3A_240 : i32 to index
        %get3A_242 = arith.index_cast %mul3A_138 : i32 to index
        %get3A_243 = tpu.vector_load %arg7[%get3A_241, %get3A_242] {strides = array<i32>} : memref<30x1024xf32, #tpu.memory_space<vmem>>, vector<1x16xf32>,
        %get3A_244 = vector.shape_cast %get3A_243 : vector<1x16xf32> to vector<16xf32>
        %get3A_245 = arith.constant 19 : i32
        %get3A_246 = arith.index_cast %get3A_245 : i32 to index
        %get3A_247 = arith.index_cast %mul3A_138 : i32 to index
        %get3A_248 = tpu.vector_load %arg7[%get3A_246, %get3A_247] {strides = array<i32>} : memref<30x1024xf32, #tpu.memory_space<vmem>>, vector<1x16xf32>,
        %get3A_249 = vector.shape_cast %get3A_248 : vector<1x16xf32> to vector<16xf32>
        %get3A_250 = arith.constant 20 : i32
        %get3A_251 = arith.index_cast %get3A_250 : i32 to index
        %get3A_252 = arith.index_cast %mul3A_138 : i32 to index
        %get3A_253 = tpu.vector_load %arg7[%get3A_251, %get3A_252] {strides = array<i32>} : memref<30x1024xf32, #tpu.memory_space<vmem>>, vector<1x16xf32>,
        %get3A_254 = vector.shape_cast %get3A_253 : vector<1x16xf32> to vector<16xf32>
        %max3A_255 = arith.maximumf %get3A_244, %get3A_249 : vector<16xf32>
        %max3A_256 = arith.maximumf %max3A_255, %get3A_254 : vector<16xf32>
        %get3A_257 = arith.constant 21 : i32
        %get3A_258 = arith.index_cast %get3A_257 : i32 to index
        %get3A_259 = arith.index_cast %mul3A_138 : i32 to index
        %get3A_260 = tpu.vector_load %arg7[%get3A_258, %get3A_259] {strides = array<i32>} : memref<30x1024xf32, #tpu.memory_space<vmem>>, vector<1x16xf32>,
        %get3A_261 = vector.shape_cast %get3A_260 : vector<1x16xf32> to vector<16xf32>
        %get3A_262 = arith.constant 22 : i32
        %get3A_263 = arith.index_cast %get3A_262 : i32 to index
        %get3A_264 = arith.index_cast %mul3A_138 : i32 to index
        %get3A_265 = tpu.vector_load %arg7[%get3A_263, %get3A_264] {strides = array<i32>} : memref<30x1024xf32, #tpu.memory_space<vmem>>, vector<1x16xf32>,
        %get3A_266 = vector.shape_cast %get3A_265 : vector<1x16xf32> to vector<16xf32>
        %get3A_267 = arith.constant 23 : i32
        %get3A_268 = arith.index_cast %get3A_267 : i32 to index
        %get3A_269 = arith.index_cast %mul3A_138 : i32 to index
        %get3A_270 = tpu.vector_load %arg7[%get3A_268, %get3A_269] {strides = array<i32>} : memref<30x1024xf32, #tpu.memory_space<vmem>>, vector<1x16xf32>,
        %get3A_271 = vector.shape_cast %get3A_270 : vector<1x16xf32> to vector<16xf32>
        %max3A_272 = arith.maximumf %get3A_261, %get3A_266 : vector<16xf32>
        %max3A_273 = arith.maximumf %max3A_272, %get3A_271 : vector<16xf32>
        %get3A_274 = arith.constant 24 : i32
        %get3A_275 = arith.index_cast %get3A_274 : i32 to index
        %get3A_276 = arith.index_cast %mul3A_138 : i32 to index
        %get3A_277 = tpu.vector_load %arg7[%get3A_275, %get3A_276] {strides = array<i32>} : memref<30x1024xf32, #tpu.memory_space<vmem>>, vector<1x16xf32>,
        %get3A_278 = vector.shape_cast %get3A_277 : vector<1x16xf32> to vector<16xf32>
        %get3A_279 = arith.constant 25 : i32
        %get3A_280 = arith.index_cast %get3A_279 : i32 to index
        %get3A_281 = arith.index_cast %mul3A_138 : i32 to index
        %get3A_282 = tpu.vector_load %arg7[%get3A_280, %get3A_281] {strides = array<i32>} : memref<30x1024xf32, #tpu.memory_space<vmem>>, vector<1x16xf32>,
        %get3A_283 = vector.shape_cast %get3A_282 : vector<1x16xf32> to vector<16xf32>
        %get3A_284 = arith.constant 26 : i32
        %get3A_285 = arith.index_cast %get3A_284 : i32 to index
        %get3A_286 = arith.index_cast %mul3A_138 : i32 to index
        %get3A_287 = tpu.vector_load %arg7[%get3A_285, %get3A_286] {strides = array<i32>} : memref<30x1024xf32, #tpu.memory_space<vmem>>, vector<1x16xf32>,
        %get3A_288 = vector.shape_cast %get3A_287 : vector<1x16xf32> to vector<16xf32>
        %max3A_289 = arith.maximumf %get3A_278, %get3A_283 : vector<16xf32>
        %max3A_290 = arith.maximumf %max3A_289, %get3A_288 : vector<16xf32>
        %get3A_291 = arith.constant 27 : i32
        %get3A_292 = arith.index_cast %get3A_291 : i32 to index
        %get3A_293 = arith.index_cast %mul3A_138 : i32 to index
        %get3A_294 = tpu.vector_load %arg7[%get3A_292, %get3A_293] {strides = array<i32>} : memref<30x1024xf32, #tpu.memory_space<vmem>>, vector<1x16xf32>,
        %get3A_295 = vector.shape_cast %get3A_294 : vector<1x16xf32> to vector<16xf32>
        %get3A_296 = arith.constant 28 : i32
        %get3A_297 = arith.index_cast %get3A_296 : i32 to index
        %get3A_298 = arith.index_cast %mul3A_138 : i32 to index
        %get3A_299 = tpu.vector_load %arg7[%get3A_297, %get3A_298] {strides = array<i32>} : memref<30x1024xf32, #tpu.memory_space<vmem>>, vector<1x16xf32>,
        %get3A_300 = vector.shape_cast %get3A_299 : vector<1x16xf32> to vector<16xf32>
        %get3A_301 = arith.constant 29 : i32
        %get3A_302 = arith.index_cast %get3A_301 : i32 to index
        %get3A_303 = arith.index_cast %mul3A_138 : i32 to index
        %get3A_304 = tpu.vector_load %arg7[%get3A_302, %get3A_303] {strides = array<i32>} : memref<30x1024xf32, #tpu.memory_space<vmem>>, vector<1x16xf32>,
        %get3A_305 = vector.shape_cast %get3A_304 : vector<1x16xf32> to vector<16xf32>
        %max3A_306 = arith.maximumf %get3A_295, %get3A_300 : vector<16xf32>
        %max3A_307 = arith.maximumf %max3A_306, %get3A_305 : vector<16xf32>
        %gt3A = arith.cmpf ogt, %max3A_171, %max3A_154 : vector<16xf32>
        %select_n3A = arith.select %gt3A, %max3A_171, %max3A_154 : vector<16xi1>, vector<16xf32>
        %select_n3A_308 = arith.select %gt3A, %broadcast_in_dim3A_3, %broadcast_in_dim3A_1 : vector<16xi1>, vector<16xi32>
        %gt3A_309 = arith.cmpf ogt, %max3A_205, %max3A_188 : vector<16xf32>
        %select_n3A_310 = arith.select %gt3A_309, %max3A_205, %max3A_188 : vector<16xi1>, vector<16xf32>
        %select_n3A_311 = arith.select %gt3A_309, %broadcast_in_dim3A_7, %broadcast_in_dim3A_5 : vector<16xi1>, vector<16xi32>
        %gt3A_312 = arith.cmpf ogt, %max3A_239, %max3A_222 : vector<16xf32>
        %select_n3A_313 = arith.select %gt3A_312, %max3A_239, %max3A_222 : vector<16xi1>, vector<16xf32>
        %select_n3A_314 = arith.select %gt3A_312, %broadcast_in_dim3A_11, %broadcast_in_dim3A_9 : vector<16xi1>, vector<16xi32>
        %gt3A_315 = arith.cmpf ogt, %max3A_273, %max3A_256 : vector<16xf32>
        %select_n3A_316 = arith.select %gt3A_315, %max3A_273, %max3A_256 : vector<16xi1>, vector<16xf32>
        %select_n3A_317 = arith.select %gt3A_315, %broadcast_in_dim3A_15, %broadcast_in_dim3A_13 : vector<16xi1>, vector<16xi32>
        %gt3A_318 = arith.cmpf ogt, %max3A_307, %max3A_290 : vector<16xf32>
        %select_n3A_319 = arith.select %gt3A_318, %max3A_307, %max3A_290 : vector<16xi1>, vector<16xf32>
        %select_n3A_320 = arith.select %gt3A_318, %broadcast_in_dim3A_19, %broadcast_in_dim3A_17 : vector<16xi1>, vector<16xi32>
        %gt3A_321 = arith.cmpf ogt, %select_n3A_310, %select_n3A : vector<16xf32>
        %select_n3A_322 = arith.select %gt3A_321, %select_n3A_310, %select_n3A : vector<16xi1>, vector<16xf32>
        %select_n3A_323 = arith.select %gt3A_321, %select_n3A_311, %select_n3A_308 : vector<16xi1>, vector<16xi32>
        %gt3A_324 = arith.cmpf ogt, %select_n3A_316, %select_n3A_313 : vector<16xf32>
        %select_n3A_325 = arith.select %gt3A_324, %select_n3A_316, %select_n3A_313 : vector<16xi1>, vector<16xf32>
        %select_n3A_326 = arith.select %gt3A_324, %select_n3A_317, %select_n3A_314 : vector<16xi1>, vector<16xi32>
        %gt3A_327 = arith.cmpf ogt, %select_n3A_325, %select_n3A_322 : vector<16xf32>
        %select_n3A_328 = arith.select %gt3A_327, %select_n3A_325, %select_n3A_322 : vector<16xi1>, vector<16xf32>
        %select_n3A_329 = arith.select %gt3A_327, %select_n3A_326, %select_n3A_323 : vector<16xi1>, vector<16xi32>
        %gt3A_330 = arith.cmpf ogt, %select_n3A_319, %select_n3A_328 : vector<16xf32>
        %select_n3A_331 = arith.select %gt3A_330, %select_n3A_319, %select_n3A_328 : vector<16xi1>, vector<16xf32>
        %select_n3A_332 = arith.select %gt3A_330, %select_n3A_320, %select_n3A_329 : vector<16xi1>, vector<16xi32>
        %get3A_333 = arith.constant 0 : i32
        %get3A_334 = arith.index_cast %get3A_333 : i32 to index
        %get3A_335 = arith.index_cast %mul3A_138 : i32 to index
        %get3A_336 = tpu.vector_load %arg9[%get3A_334, %get3A_335] {strides = array<i32>} : memref<10x1024xf32, #tpu.memory_space<vmem>>, vector<1x16xf32>,
        %get3A_337 = vector.shape_cast %get3A_336 : vector<1x16xf32> to vector<16xf32>
        %get3A_338 = arith.constant 1 : i32
        %get3A_339 = arith.index_cast %get3A_338 : i32 to index
        %get3A_340 = arith.index_cast %mul3A_138 : i32 to index
        %get3A_341 = tpu.vector_load %arg9[%get3A_339, %get3A_340] {strides = array<i32>} : memref<10x1024xf32, #tpu.memory_space<vmem>>, vector<1x16xf32>,
        %get3A_342 = vector.shape_cast %get3A_341 : vector<1x16xf32> to vector<16xf32>
        %get3A_343 = arith.constant 2 : i32
        %get3A_344 = arith.index_cast %get3A_343 : i32 to index
        %get3A_345 = arith.index_cast %mul3A_138 : i32 to index
        %get3A_346 = tpu.vector_load %arg9[%get3A_344, %get3A_345] {strides = array<i32>} : memref<10x1024xf32, #tpu.memory_space<vmem>>, vector<1x16xf32>,
        %get3A_347 = vector.shape_cast %get3A_346 : vector<1x16xf32> to vector<16xf32>
        %get3A_348 = arith.constant 3 : i32
        %get3A_349 = arith.index_cast %get3A_348 : i32 to index
        %get3A_350 = arith.index_cast %mul3A_138 : i32 to index
        %get3A_351 = tpu.vector_load %arg9[%get3A_349, %get3A_350] {strides = array<i32>} : memref<10x1024xf32, #tpu.memory_space<vmem>>, vector<1x16xf32>,
        %get3A_352 = vector.shape_cast %get3A_351 : vector<1x16xf32> to vector<16xf32>
        %get3A_353 = arith.constant 4 : i32
        %get3A_354 = arith.index_cast %get3A_353 : i32 to index
        %get3A_355 = arith.index_cast %mul3A_138 : i32 to index
        %get3A_356 = tpu.vector_load %arg9[%get3A_354, %get3A_355] {strides = array<i32>} : memref<10x1024xf32, #tpu.memory_space<vmem>>, vector<1x16xf32>,
        %get3A_357 = vector.shape_cast %get3A_356 : vector<1x16xf32> to vector<16xf32>
        %get3A_358 = arith.constant 5 : i32
        %get3A_359 = arith.index_cast %get3A_358 : i32 to index
        %get3A_360 = arith.index_cast %mul3A_138 : i32 to index
        %get3A_361 = tpu.vector_load %arg9[%get3A_359, %get3A_360] {strides = array<i32>} : memref<10x1024xf32, #tpu.memory_space<vmem>>, vector<1x16xf32>,
        %get3A_362 = vector.shape_cast %get3A_361 : vector<1x16xf32> to vector<16xf32>
        %get3A_363 = arith.constant 6 : i32
        %get3A_364 = arith.index_cast %get3A_363 : i32 to index
        %get3A_365 = arith.index_cast %mul3A_138 : i32 to index
        %get3A_366 = tpu.vector_load %arg9[%get3A_364, %get3A_365] {strides = array<i32>} : memref<10x1024xf32, #tpu.memory_space<vmem>>, vector<1x16xf32>,
        %get3A_367 = vector.shape_cast %get3A_366 : vector<1x16xf32> to vector<16xf32>
        %get3A_368 = arith.constant 7 : i32
        %get3A_369 = arith.index_cast %get3A_368 : i32 to index
        %get3A_370 = arith.index_cast %mul3A_138 : i32 to index
        %get3A_371 = tpu.vector_load %arg9[%get3A_369, %get3A_370] {strides = array<i32>} : memref<10x1024xf32, #tpu.memory_space<vmem>>, vector<1x16xf32>,
        %get3A_372 = vector.shape_cast %get3A_371 : vector<1x16xf32> to vector<16xf32>
        %get3A_373 = arith.constant 8 : i32
        %get3A_374 = arith.index_cast %get3A_373 : i32 to index
        %get3A_375 = arith.index_cast %mul3A_138 : i32 to index
        %get3A_376 = tpu.vector_load %arg9[%get3A_374, %get3A_375] {strides = array<i32>} : memref<10x1024xf32, #tpu.memory_space<vmem>>, vector<1x16xf32>,
        %get3A_377 = vector.shape_cast %get3A_376 : vector<1x16xf32> to vector<16xf32>
        %get3A_378 = arith.constant 9 : i32
        %get3A_379 = arith.index_cast %get3A_378 : i32 to index
        %get3A_380 = arith.index_cast %mul3A_138 : i32 to index
        %get3A_381 = tpu.vector_load %arg9[%get3A_379, %get3A_380] {strides = array<i32>} : memref<10x1024xf32, #tpu.memory_space<vmem>>, vector<1x16xf32>,
        %get3A_382 = vector.shape_cast %get3A_381 : vector<1x16xf32> to vector<16xf32>
        %gt3A_383 = arith.cmpf ogt, %get3A_342, %get3A_337 : vector<16xf32>
        %select_n3A_384 = arith.select %gt3A_383, %get3A_342, %get3A_337 : vector<16xi1>, vector<16xf32>
        %select_n3A_385 = arith.select %gt3A_383, %broadcast_in_dim3A_3, %broadcast_in_dim3A_1 : vector<16xi1>, vector<16xi32>
        %gt3A_386 = arith.cmpf ogt, %get3A_352, %get3A_347 : vector<16xf32>
        %select_n3A_387 = arith.select %gt3A_386, %get3A_352, %get3A_347 : vector<16xi1>, vector<16xf32>
        %select_n3A_388 = arith.select %gt3A_386, %broadcast_in_dim3A_7, %broadcast_in_dim3A_5 : vector<16xi1>, vector<16xi32>
        %gt3A_389 = arith.cmpf ogt, %get3A_362, %get3A_357 : vector<16xf32>
        %select_n3A_390 = arith.select %gt3A_389, %get3A_362, %get3A_357 : vector<16xi1>, vector<16xf32>
        %select_n3A_391 = arith.select %gt3A_389, %broadcast_in_dim3A_11, %broadcast_in_dim3A_9 : vector<16xi1>, vector<16xi32>
        %gt3A_392 = arith.cmpf ogt, %get3A_372, %get3A_367 : vector<16xf32>
        %select_n3A_393 = arith.select %gt3A_392, %get3A_372, %get3A_367 : vector<16xi1>, vector<16xf32>
        %select_n3A_394 = arith.select %gt3A_392, %broadcast_in_dim3A_15, %broadcast_in_dim3A_13 : vector<16xi1>, vector<16xi32>
        %gt3A_395 = arith.cmpf ogt, %get3A_382, %get3A_377 : vector<16xf32>
        %select_n3A_396 = arith.select %gt3A_395, %get3A_382, %get3A_377 : vector<16xi1>, vector<16xf32>
        %select_n3A_397 = arith.select %gt3A_395, %broadcast_in_dim3A_19, %broadcast_in_dim3A_17 : vector<16xi1>, vector<16xi32>
        %gt3A_398 = arith.cmpf ogt, %select_n3A_387, %select_n3A_384 : vector<16xf32>
        %select_n3A_399 = arith.select %gt3A_398, %select_n3A_387, %select_n3A_384 : vector<16xi1>, vector<16xf32>
        %select_n3A_400 = arith.select %gt3A_398, %select_n3A_388, %select_n3A_385 : vector<16xi1>, vector<16xi32>
        %gt3A_401 = arith.cmpf ogt, %select_n3A_393, %select_n3A_390 : vector<16xf32>
        %select_n3A_402 = arith.select %gt3A_401, %select_n3A_393, %select_n3A_390 : vector<16xi1>, vector<16xf32>
        %select_n3A_403 = arith.select %gt3A_401, %select_n3A_394, %select_n3A_391 : vector<16xi1>, vector<16xi32>
        %gt3A_404 = arith.cmpf ogt, %select_n3A_402, %select_n3A_399 : vector<16xf32>
        %select_n3A_405 = arith.select %gt3A_404, %select_n3A_402, %select_n3A_399 : vector<16xi1>, vector<16xf32>
        %select_n3A_406 = arith.select %gt3A_404, %select_n3A_403, %select_n3A_400 : vector<16xi1>, vector<16xi32>
        %gt3A_407 = arith.cmpf ogt, %select_n3A_396, %select_n3A_405 : vector<16xf32>
        %select_n3A_408 = arith.select %gt3A_407, %select_n3A_396, %select_n3A_405 : vector<16xi1>, vector<16xf32>
        %select_n3A_409 = arith.select %gt3A_407, %select_n3A_397, %select_n3A_406 : vector<16xi1>, vector<16xi32>
        %ne3A = arith.cmpi ne, %select_n3A_332, %select_n3A_409 : vector<16xi32>
        %jit3A = arith.constant 1.000000e+00 : f32
        %jit3A_410 = arith.constant 0.000000e+00 : f32
        %broadcast_in_dim3A_411 = vector.broadcast %jit3A : f32 to vector<16xf32>
        %broadcast_in_dim3A_412 = vector.broadcast %jit3A_410 : f32 to vector<16xf32>
        %select_n3A_413 = arith.select %ne3A, %broadcast_in_dim3A_411, %broadcast_in_dim3A_412 : vector<16xi1>, vector<16xf32>
        %add3A_414 = arith.addf %scan3A_136, %select_n3A_413 : vector<16xf32>
        %add3A_415 = arith.constant 16 : i32
        %add3A_416 = arith.addi %mul3A_138, %add3A_415 : i32
        %get3A_417 = arith.constant 0 : i32
        %get3A_418 = arith.index_cast %get3A_417 : i32 to index
        %get3A_419 = arith.index_cast %add3A_416 : i32 to index
        %get3A_420 = tpu.vector_load %arg7[%get3A_418, %get3A_419] {strides = array<i32>} : memref<30x1024xf32, #tpu.memory_space<vmem>>, vector<1x16xf32>,
        %get3A_421 = vector.shape_cast %get3A_420 : vector<1x16xf32> to vector<16xf32>
        %get3A_422 = arith.constant 1 : i32
        %get3A_423 = arith.index_cast %get3A_422 : i32 to index
        %get3A_424 = arith.index_cast %add3A_416 : i32 to index
        %get3A_425 = tpu.vector_load %arg7[%get3A_423, %get3A_424] {strides = array<i32>} : memref<30x1024xf32, #tpu.memory_space<vmem>>, vector<1x16xf32>,
        %get3A_426 = vector.shape_cast %get3A_425 : vector<1x16xf32> to vector<16xf32>
        %get3A_427 = arith.constant 2 : i32
        %get3A_428 = arith.index_cast %get3A_427 : i32 to index
        %get3A_429 = arith.index_cast %add3A_416 : i32 to index
        %get3A_430 = tpu.vector_load %arg7[%get3A_428, %get3A_429] {strides = array<i32>} : memref<30x1024xf32, #tpu.memory_space<vmem>>, vector<1x16xf32>,
        %get3A_431 = vector.shape_cast %get3A_430 : vector<1x16xf32> to vector<16xf32>
        %max3A_432 = arith.maximumf %get3A_421, %get3A_426 : vector<16xf32>
        %max3A_433 = arith.maximumf %max3A_432, %get3A_431 : vector<16xf32>
        %get3A_434 = arith.constant 3 : i32
        %get3A_435 = arith.index_cast %get3A_434 : i32 to index
        %get3A_436 = arith.index_cast %add3A_416 : i32 to index
        %get3A_437 = tpu.vector_load %arg7[%get3A_435, %get3A_436] {strides = array<i32>} : memref<30x1024xf32, #tpu.memory_space<vmem>>, vector<1x16xf32>,
        %get3A_438 = vector.shape_cast %get3A_437 : vector<1x16xf32> to vector<16xf32>
        %get3A_439 = arith.constant 4 : i32
        %get3A_440 = arith.index_cast %get3A_439 : i32 to index
        %get3A_441 = arith.index_cast %add3A_416 : i32 to index
        %get3A_442 = tpu.vector_load %arg7[%get3A_440, %get3A_441] {strides = array<i32>} : memref<30x1024xf32, #tpu.memory_space<vmem>>, vector<1x16xf32>,
        %get3A_443 = vector.shape_cast %get3A_442 : vector<1x16xf32> to vector<16xf32>
        %get3A_444 = arith.constant 5 : i32
        %get3A_445 = arith.index_cast %get3A_444 : i32 to index
        %get3A_446 = arith.index_cast %add3A_416 : i32 to index
        %get3A_447 = tpu.vector_load %arg7[%get3A_445, %get3A_446] {strides = array<i32>} : memref<30x1024xf32, #tpu.memory_space<vmem>>, vector<1x16xf32>,
        %get3A_448 = vector.shape_cast %get3A_447 : vector<1x16xf32> to vector<16xf32>
        %max3A_449 = arith.maximumf %get3A_438, %get3A_443 : vector<16xf32>
        %max3A_450 = arith.maximumf %max3A_449, %get3A_448 : vector<16xf32>
        %get3A_451 = arith.constant 6 : i32
        %get3A_452 = arith.index_cast %get3A_451 : i32 to index
        %get3A_453 = arith.index_cast %add3A_416 : i32 to index
        %get3A_454 = tpu.vector_load %arg7[%get3A_452, %get3A_453] {strides = array<i32>} : memref<30x1024xf32, #tpu.memory_space<vmem>>, vector<1x16xf32>,
        %get3A_455 = vector.shape_cast %get3A_454 : vector<1x16xf32> to vector<16xf32>
        %get3A_456 = arith.constant 7 : i32
        %get3A_457 = arith.index_cast %get3A_456 : i32 to index
        %get3A_458 = arith.index_cast %add3A_416 : i32 to index
        %get3A_459 = tpu.vector_load %arg7[%get3A_457, %get3A_458] {strides = array<i32>} : memref<30x1024xf32, #tpu.memory_space<vmem>>, vector<1x16xf32>,
        %get3A_460 = vector.shape_cast %get3A_459 : vector<1x16xf32> to vector<16xf32>
        %get3A_461 = arith.constant 8 : i32
        %get3A_462 = arith.index_cast %get3A_461 : i32 to index
        %get3A_463 = arith.index_cast %add3A_416 : i32 to index
        %get3A_464 = tpu.vector_load %arg7[%get3A_462, %get3A_463] {strides = array<i32>} : memref<30x1024xf32, #tpu.memory_space<vmem>>, vector<1x16xf32>,
        %get3A_465 = vector.shape_cast %get3A_464 : vector<1x16xf32> to vector<16xf32>
        %max3A_466 = arith.maximumf %get3A_455, %get3A_460 : vector<16xf32>
        %max3A_467 = arith.maximumf %max3A_466, %get3A_465 : vector<16xf32>
        %get3A_468 = arith.constant 9 : i32
        %get3A_469 = arith.index_cast %get3A_468 : i32 to index
        %get3A_470 = arith.index_cast %add3A_416 : i32 to index
        %get3A_471 = tpu.vector_load %arg7[%get3A_469, %get3A_470] {strides = array<i32>} : memref<30x1024xf32, #tpu.memory_space<vmem>>, vector<1x16xf32>,
        %get3A_472 = vector.shape_cast %get3A_471 : vector<1x16xf32> to vector<16xf32>
        %get3A_473 = arith.constant 10 : i32
        %get3A_474 = arith.index_cast %get3A_473 : i32 to index
        %get3A_475 = arith.index_cast %add3A_416 : i32 to index
        %get3A_476 = tpu.vector_load %arg7[%get3A_474, %get3A_475] {strides = array<i32>} : memref<30x1024xf32, #tpu.memory_space<vmem>>, vector<1x16xf32>,
        %get3A_477 = vector.shape_cast %get3A_476 : vector<1x16xf32> to vector<16xf32>
        %get3A_478 = arith.constant 11 : i32
        %get3A_479 = arith.index_cast %get3A_478 : i32 to index
        %get3A_480 = arith.index_cast %add3A_416 : i32 to index
        %get3A_481 = tpu.vector_load %arg7[%get3A_479, %get3A_480] {strides = array<i32>} : memref<30x1024xf32, #tpu.memory_space<vmem>>, vector<1x16xf32>,
        %get3A_482 = vector.shape_cast %get3A_481 : vector<1x16xf32> to vector<16xf32>
        %max3A_483 = arith.maximumf %get3A_472, %get3A_477 : vector<16xf32>
        %max3A_484 = arith.maximumf %max3A_483, %get3A_482 : vector<16xf32>
        %get3A_485 = arith.constant 12 : i32
        %get3A_486 = arith.index_cast %get3A_485 : i32 to index
        %get3A_487 = arith.index_cast %add3A_416 : i32 to index
        %get3A_488 = tpu.vector_load %arg7[%get3A_486, %get3A_487] {strides = array<i32>} : memref<30x1024xf32, #tpu.memory_space<vmem>>, vector<1x16xf32>,
        %get3A_489 = vector.shape_cast %get3A_488 : vector<1x16xf32> to vector<16xf32>
        %get3A_490 = arith.constant 13 : i32
        %get3A_491 = arith.index_cast %get3A_490 : i32 to index
        %get3A_492 = arith.index_cast %add3A_416 : i32 to index
        %get3A_493 = tpu.vector_load %arg7[%get3A_491, %get3A_492] {strides = array<i32>} : memref<30x1024xf32, #tpu.memory_space<vmem>>, vector<1x16xf32>,
        %get3A_494 = vector.shape_cast %get3A_493 : vector<1x16xf32> to vector<16xf32>
        %get3A_495 = arith.constant 14 : i32
        %get3A_496 = arith.index_cast %get3A_495 : i32 to index
        %get3A_497 = arith.index_cast %add3A_416 : i32 to index
        %get3A_498 = tpu.vector_load %arg7[%get3A_496, %get3A_497] {strides = array<i32>} : memref<30x1024xf32, #tpu.memory_space<vmem>>, vector<1x16xf32>,
        %get3A_499 = vector.shape_cast %get3A_498 : vector<1x16xf32> to vector<16xf32>
        %max3A_500 = arith.maximumf %get3A_489, %get3A_494 : vector<16xf32>
        %max3A_501 = arith.maximumf %max3A_500, %get3A_499 : vector<16xf32>
        %get3A_502 = arith.constant 15 : i32
        %get3A_503 = arith.index_cast %get3A_502 : i32 to index
        %get3A_504 = arith.index_cast %add3A_416 : i32 to index
        %get3A_505 = tpu.vector_load %arg7[%get3A_503, %get3A_504] {strides = array<i32>} : memref<30x1024xf32, #tpu.memory_space<vmem>>, vector<1x16xf32>,
        %get3A_506 = vector.shape_cast %get3A_505 : vector<1x16xf32> to vector<16xf32>
        %get3A_507 = arith.constant 16 : i32
        %get3A_508 = arith.index_cast %get3A_507 : i32 to index
        %get3A_509 = arith.index_cast %add3A_416 : i32 to index
        %get3A_510 = tpu.vector_load %arg7[%get3A_508, %get3A_509] {strides = array<i32>} : memref<30x1024xf32, #tpu.memory_space<vmem>>, vector<1x16xf32>,
        %get3A_511 = vector.shape_cast %get3A_510 : vector<1x16xf32> to vector<16xf32>
        %get3A_512 = arith.constant 17 : i32
        %get3A_513 = arith.index_cast %get3A_512 : i32 to index
        %get3A_514 = arith.index_cast %add3A_416 : i32 to index
        %get3A_515 = tpu.vector_load %arg7[%get3A_513, %get3A_514] {strides = array<i32>} : memref<30x1024xf32, #tpu.memory_space<vmem>>, vector<1x16xf32>,
        %get3A_516 = vector.shape_cast %get3A_515 : vector<1x16xf32> to vector<16xf32>
        %max3A_517 = arith.maximumf %get3A_506, %get3A_511 : vector<16xf32>
        %max3A_518 = arith.maximumf %max3A_517, %get3A_516 : vector<16xf32>
        %get3A_519 = arith.constant 18 : i32
        %get3A_520 = arith.index_cast %get3A_519 : i32 to index
        %get3A_521 = arith.index_cast %add3A_416 : i32 to index
        %get3A_522 = tpu.vector_load %arg7[%get3A_520, %get3A_521] {strides = array<i32>} : memref<30x1024xf32, #tpu.memory_space<vmem>>, vector<1x16xf32>,
        %get3A_523 = vector.shape_cast %get3A_522 : vector<1x16xf32> to vector<16xf32>
        %get3A_524 = arith.constant 19 : i32
        %get3A_525 = arith.index_cast %get3A_524 : i32 to index
        %get3A_526 = arith.index_cast %add3A_416 : i32 to index
        %get3A_527 = tpu.vector_load %arg7[%get3A_525, %get3A_526] {strides = array<i32>} : memref<30x1024xf32, #tpu.memory_space<vmem>>, vector<1x16xf32>,
        %get3A_528 = vector.shape_cast %get3A_527 : vector<1x16xf32> to vector<16xf32>
        %get3A_529 = arith.constant 20 : i32
        %get3A_530 = arith.index_cast %get3A_529 : i32 to index
        %get3A_531 = arith.index_cast %add3A_416 : i32 to index
        %get3A_532 = tpu.vector_load %arg7[%get3A_530, %get3A_531] {strides = array<i32>} : memref<30x1024xf32, #tpu.memory_space<vmem>>, vector<1x16xf32>,
        %get3A_533 = vector.shape_cast %get3A_532 : vector<1x16xf32> to vector<16xf32>
        %max3A_534 = arith.maximumf %get3A_523, %get3A_528 : vector<16xf32>
        %max3A_535 = arith.maximumf %max3A_534, %get3A_533 : vector<16xf32>
        %get3A_536 = arith.constant 21 : i32
        %get3A_537 = arith.index_cast %get3A_536 : i32 to index
        %get3A_538 = arith.index_cast %add3A_416 : i32 to index
        %get3A_539 = tpu.vector_load %arg7[%get3A_537, %get3A_538] {strides = array<i32>} : memref<30x1024xf32, #tpu.memory_space<vmem>>, vector<1x16xf32>,
        %get3A_540 = vector.shape_cast %get3A_539 : vector<1x16xf32> to vector<16xf32>
        %get3A_541 = arith.constant 22 : i32
        %get3A_542 = arith.index_cast %get3A_541 : i32 to index
        %get3A_543 = arith.index_cast %add3A_416 : i32 to index
        %get3A_544 = tpu.vector_load %arg7[%get3A_542, %get3A_543] {strides = array<i32>} : memref<30x1024xf32, #tpu.memory_space<vmem>>, vector<1x16xf32>,
        %get3A_545 = vector.shape_cast %get3A_544 : vector<1x16xf32> to vector<16xf32>
        %get3A_546 = arith.constant 23 : i32
        %get3A_547 = arith.index_cast %get3A_546 : i32 to index
        %get3A_548 = arith.index_cast %add3A_416 : i32 to index
        %get3A_549 = tpu.vector_load %arg7[%get3A_547, %get3A_548] {strides = array<i32>} : memref<30x1024xf32, #tpu.memory_space<vmem>>, vector<1x16xf32>,
        %get3A_550 = vector.shape_cast %get3A_549 : vector<1x16xf32> to vector<16xf32>
        %max3A_551 = arith.maximumf %get3A_540, %get3A_545 : vector<16xf32>
        %max3A_552 = arith.maximumf %max3A_551, %get3A_550 : vector<16xf32>
        %get3A_553 = arith.constant 24 : i32
        %get3A_554 = arith.index_cast %get3A_553 : i32 to index
        %get3A_555 = arith.index_cast %add3A_416 : i32 to index
        %get3A_556 = tpu.vector_load %arg7[%get3A_554, %get3A_555] {strides = array<i32>} : memref<30x1024xf32, #tpu.memory_space<vmem>>, vector<1x16xf32>,
        %get3A_557 = vector.shape_cast %get3A_556 : vector<1x16xf32> to vector<16xf32>
        %get3A_558 = arith.constant 25 : i32
        %get3A_559 = arith.index_cast %get3A_558 : i32 to index
        %get3A_560 = arith.index_cast %add3A_416 : i32 to index
        %get3A_561 = tpu.vector_load %arg7[%get3A_559, %get3A_560] {strides = array<i32>} : memref<30x1024xf32, #tpu.memory_space<vmem>>, vector<1x16xf32>,
        %get3A_562 = vector.shape_cast %get3A_561 : vector<1x16xf32> to vector<16xf32>
        %get3A_563 = arith.constant 26 : i32
        %get3A_564 = arith.index_cast %get3A_563 : i32 to index
        %get3A_565 = arith.index_cast %add3A_416 : i32 to index
        %get3A_566 = tpu.vector_load %arg7[%get3A_564, %get3A_565] {strides = array<i32>} : memref<30x1024xf32, #tpu.memory_space<vmem>>, vector<1x16xf32>,
        %get3A_567 = vector.shape_cast %get3A_566 : vector<1x16xf32> to vector<16xf32>
        %max3A_568 = arith.maximumf %get3A_557, %get3A_562 : vector<16xf32>
        %max3A_569 = arith.maximumf %max3A_568, %get3A_567 : vector<16xf32>
        %get3A_570 = arith.constant 27 : i32
        %get3A_571 = arith.index_cast %get3A_570 : i32 to index
        %get3A_572 = arith.index_cast %add3A_416 : i32 to index
        %get3A_573 = tpu.vector_load %arg7[%get3A_571, %get3A_572] {strides = array<i32>} : memref<30x1024xf32, #tpu.memory_space<vmem>>, vector<1x16xf32>,
        %get3A_574 = vector.shape_cast %get3A_573 : vector<1x16xf32> to vector<16xf32>
        %get3A_575 = arith.constant 28 : i32
        %get3A_576 = arith.index_cast %get3A_575 : i32 to index
        %get3A_577 = arith.index_cast %add3A_416 : i32 to index
        %get3A_578 = tpu.vector_load %arg7[%get3A_576, %get3A_577] {strides = array<i32>} : memref<30x1024xf32, #tpu.memory_space<vmem>>, vector<1x16xf32>,
        %get3A_579 = vector.shape_cast %get3A_578 : vector<1x16xf32> to vector<16xf32>
        %get3A_580 = arith.constant 29 : i32
        %get3A_581 = arith.index_cast %get3A_580 : i32 to index
        %get3A_582 = arith.index_cast %add3A_416 : i32 to index
        %get3A_583 = tpu.vector_load %arg7[%get3A_581, %get3A_582] {strides = array<i32>} : memref<30x1024xf32, #tpu.memory_space<vmem>>, vector<1x16xf32>,
        %get3A_584 = vector.shape_cast %get3A_583 : vector<1x16xf32> to vector<16xf32>
        %max3A_585 = arith.maximumf %get3A_574, %get3A_579 : vector<16xf32>
        %max3A_586 = arith.maximumf %max3A_585, %get3A_584 : vector<16xf32>
        %gt3A_587 = arith.cmpf ogt, %max3A_450, %max3A_433 : vector<16xf32>
        %select_n3A_588 = arith.select %gt3A_587, %max3A_450, %max3A_433 : vector<16xi1>, vector<16xf32>
        %select_n3A_589 = arith.select %gt3A_587, %broadcast_in_dim3A_3, %broadcast_in_dim3A_1 : vector<16xi1>, vector<16xi32>
        %gt3A_590 = arith.cmpf ogt, %max3A_484, %max3A_467 : vector<16xf32>
        %select_n3A_591 = arith.select %gt3A_590, %max3A_484, %max3A_467 : vector<16xi1>, vector<16xf32>
        %select_n3A_592 = arith.select %gt3A_590, %broadcast_in_dim3A_7, %broadcast_in_dim3A_5 : vector<16xi1>, vector<16xi32>
        %gt3A_593 = arith.cmpf ogt, %max3A_518, %max3A_501 : vector<16xf32>
        %select_n3A_594 = arith.select %gt3A_593, %max3A_518, %max3A_501 : vector<16xi1>, vector<16xf32>
        %select_n3A_595 = arith.select %gt3A_593, %broadcast_in_dim3A_11, %broadcast_in_dim3A_9 : vector<16xi1>, vector<16xi32>
        %gt3A_596 = arith.cmpf ogt, %max3A_552, %max3A_535 : vector<16xf32>
        %select_n3A_597 = arith.select %gt3A_596, %max3A_552, %max3A_535 : vector<16xi1>, vector<16xf32>
        %select_n3A_598 = arith.select %gt3A_596, %broadcast_in_dim3A_15, %broadcast_in_dim3A_13 : vector<16xi1>, vector<16xi32>
        %gt3A_599 = arith.cmpf ogt, %max3A_586, %max3A_569 : vector<16xf32>
        %select_n3A_600 = arith.select %gt3A_599, %max3A_586, %max3A_569 : vector<16xi1>, vector<16xf32>
        %select_n3A_601 = arith.select %gt3A_599, %broadcast_in_dim3A_19, %broadcast_in_dim3A_17 : vector<16xi1>, vector<16xi32>
        %gt3A_602 = arith.cmpf ogt, %select_n3A_591, %select_n3A_588 : vector<16xf32>
        %select_n3A_603 = arith.select %gt3A_602, %select_n3A_591, %select_n3A_588 : vector<16xi1>, vector<16xf32>
        %select_n3A_604 = arith.select %gt3A_602, %select_n3A_592, %select_n3A_589 : vector<16xi1>, vector<16xi32>
        %gt3A_605 = arith.cmpf ogt, %select_n3A_597, %select_n3A_594 : vector<16xf32>
        %select_n3A_606 = arith.select %gt3A_605, %select_n3A_597, %select_n3A_594 : vector<16xi1>, vector<16xf32>
        %select_n3A_607 = arith.select %gt3A_605, %select_n3A_598, %select_n3A_595 : vector<16xi1>, vector<16xi32>
        %gt3A_608 = arith.cmpf ogt, %select_n3A_606, %select_n3A_603 : vector<16xf32>
        %select_n3A_609 = arith.select %gt3A_608, %select_n3A_606, %select_n3A_603 : vector<16xi1>, vector<16xf32>
        %select_n3A_610 = arith.select %gt3A_608, %select_n3A_607, %select_n3A_604 : vector<16xi1>, vector<16xi32>
        %gt3A_611 = arith.cmpf ogt, %select_n3A_600, %select_n3A_609 : vector<16xf32>
        %select_n3A_612 = arith.select %gt3A_611, %select_n3A_600, %select_n3A_609 : vector<16xi1>, vector<16xf32>
        %select_n3A_613 = arith.select %gt3A_611, %select_n3A_601, %select_n3A_610 : vector<16xi1>, vector<16xi32>
        %get3A_614 = arith.constant 0 : i32
        %get3A_615 = arith.index_cast %get3A_614 : i32 to index
        %get3A_616 = arith.index_cast %add3A_416 : i32 to index
        %get3A_617 = tpu.vector_load %arg9[%get3A_615, %get3A_616] {strides = array<i32>} : memref<10x1024xf32, #tpu.memory_space<vmem>>, vector<1x16xf32>,
        %get3A_618 = vector.shape_cast %get3A_617 : vector<1x16xf32> to vector<16xf32>
        %get3A_619 = arith.constant 1 : i32
        %get3A_620 = arith.index_cast %get3A_619 : i32 to index
        %get3A_621 = arith.index_cast %add3A_416 : i32 to index
        %get3A_622 = tpu.vector_load %arg9[%get3A_620, %get3A_621] {strides = array<i32>} : memref<10x1024xf32, #tpu.memory_space<vmem>>, vector<1x16xf32>,
        %get3A_623 = vector.shape_cast %get3A_622 : vector<1x16xf32> to vector<16xf32>
        %get3A_624 = arith.constant 2 : i32
        %get3A_625 = arith.index_cast %get3A_624 : i32 to index
        %get3A_626 = arith.index_cast %add3A_416 : i32 to index
        %get3A_627 = tpu.vector_load %arg9[%get3A_625, %get3A_626] {strides = array<i32>} : memref<10x1024xf32, #tpu.memory_space<vmem>>, vector<1x16xf32>,
        %get3A_628 = vector.shape_cast %get3A_627 : vector<1x16xf32> to vector<16xf32>
        %get3A_629 = arith.constant 3 : i32
        %get3A_630 = arith.index_cast %get3A_629 : i32 to index
        %get3A_631 = arith.index_cast %add3A_416 : i32 to index
        %get3A_632 = tpu.vector_load %arg9[%get3A_630, %get3A_631] {strides = array<i32>} : memref<10x1024xf32, #tpu.memory_space<vmem>>, vector<1x16xf32>,
        %get3A_633 = vector.shape_cast %get3A_632 : vector<1x16xf32> to vector<16xf32>
        %get3A_634 = arith.constant 4 : i32
        %get3A_635 = arith.index_cast %get3A_634 : i32 to index
        %get3A_636 = arith.index_cast %add3A_416 : i32 to index
        %get3A_637 = tpu.vector_load %arg9[%get3A_635, %get3A_636] {strides = array<i32>} : memref<10x1024xf32, #tpu.memory_space<vmem>>, vector<1x16xf32>,
        %get3A_638 = vector.shape_cast %get3A_637 : vector<1x16xf32> to vector<16xf32>
        %get3A_639 = arith.constant 5 : i32
        %get3A_640 = arith.index_cast %get3A_639 : i32 to index
        %get3A_641 = arith.index_cast %add3A_416 : i32 to index
        %get3A_642 = tpu.vector_load %arg9[%get3A_640, %get3A_641] {strides = array<i32>} : memref<10x1024xf32, #tpu.memory_space<vmem>>, vector<1x16xf32>,
        %get3A_643 = vector.shape_cast %get3A_642 : vector<1x16xf32> to vector<16xf32>
        %get3A_644 = arith.constant 6 : i32
        %get3A_645 = arith.index_cast %get3A_644 : i32 to index
        %get3A_646 = arith.index_cast %add3A_416 : i32 to index
        %get3A_647 = tpu.vector_load %arg9[%get3A_645, %get3A_646] {strides = array<i32>} : memref<10x1024xf32, #tpu.memory_space<vmem>>, vector<1x16xf32>,
        %get3A_648 = vector.shape_cast %get3A_647 : vector<1x16xf32> to vector<16xf32>
        %get3A_649 = arith.constant 7 : i32
        %get3A_650 = arith.index_cast %get3A_649 : i32 to index
        %get3A_651 = arith.index_cast %add3A_416 : i32 to index
        %get3A_652 = tpu.vector_load %arg9[%get3A_650, %get3A_651] {strides = array<i32>} : memref<10x1024xf32, #tpu.memory_space<vmem>>, vector<1x16xf32>,
        %get3A_653 = vector.shape_cast %get3A_652 : vector<1x16xf32> to vector<16xf32>
        %get3A_654 = arith.constant 8 : i32
        %get3A_655 = arith.index_cast %get3A_654 : i32 to index
        %get3A_656 = arith.index_cast %add3A_416 : i32 to index
        %get3A_657 = tpu.vector_load %arg9[%get3A_655, %get3A_656] {strides = array<i32>} : memref<10x1024xf32, #tpu.memory_space<vmem>>, vector<1x16xf32>,
        %get3A_658 = vector.shape_cast %get3A_657 : vector<1x16xf32> to vector<16xf32>
        %get3A_659 = arith.constant 9 : i32
        %get3A_660 = arith.index_cast %get3A_659 : i32 to index
        %get3A_661 = arith.index_cast %add3A_416 : i32 to index
        %get3A_662 = tpu.vector_load %arg9[%get3A_660, %get3A_661] {strides = array<i32>} : memref<10x1024xf32, #tpu.memory_space<vmem>>, vector<1x16xf32>,
        %get3A_663 = vector.shape_cast %get3A_662 : vector<1x16xf32> to vector<16xf32>
        %gt3A_664 = arith.cmpf ogt, %get3A_623, %get3A_618 : vector<16xf32>
        %select_n3A_665 = arith.select %gt3A_664, %get3A_623, %get3A_618 : vector<16xi1>, vector<16xf32>
        %select_n3A_666 = arith.select %gt3A_664, %broadcast_in_dim3A_3, %broadcast_in_dim3A_1 : vector<16xi1>, vector<16xi32>
        %gt3A_667 = arith.cmpf ogt, %get3A_633, %get3A_628 : vector<16xf32>
        %select_n3A_668 = arith.select %gt3A_667, %get3A_633, %get3A_628 : vector<16xi1>, vector<16xf32>
        %select_n3A_669 = arith.select %gt3A_667, %broadcast_in_dim3A_7, %broadcast_in_dim3A_5 : vector<16xi1>, vector<16xi32>
        %gt3A_670 = arith.cmpf ogt, %get3A_643, %get3A_638 : vector<16xf32>
        %select_n3A_671 = arith.select %gt3A_670, %get3A_643, %get3A_638 : vector<16xi1>, vector<16xf32>
        %select_n3A_672 = arith.select %gt3A_670, %broadcast_in_dim3A_11, %broadcast_in_dim3A_9 : vector<16xi1>, vector<16xi32>
        %gt3A_673 = arith.cmpf ogt, %get3A_653, %get3A_648 : vector<16xf32>
        %select_n3A_674 = arith.select %gt3A_673, %get3A_653, %get3A_648 : vector<16xi1>, vector<16xf32>
        %select_n3A_675 = arith.select %gt3A_673, %broadcast_in_dim3A_15, %broadcast_in_dim3A_13 : vector<16xi1>, vector<16xi32>
        %gt3A_676 = arith.cmpf ogt, %get3A_663, %get3A_658 : vector<16xf32>
        %select_n3A_677 = arith.select %gt3A_676, %get3A_663, %get3A_658 : vector<16xi1>, vector<16xf32>
        %select_n3A_678 = arith.select %gt3A_676, %broadcast_in_dim3A_19, %broadcast_in_dim3A_17 : vector<16xi1>, vector<16xi32>
        %gt3A_679 = arith.cmpf ogt, %select_n3A_668, %select_n3A_665 : vector<16xf32>
        %select_n3A_680 = arith.select %gt3A_679, %select_n3A_668, %select_n3A_665 : vector<16xi1>, vector<16xf32>
        %select_n3A_681 = arith.select %gt3A_679, %select_n3A_669, %select_n3A_666 : vector<16xi1>, vector<16xi32>
        %gt3A_682 = arith.cmpf ogt, %select_n3A_674, %select_n3A_671 : vector<16xf32>
        %select_n3A_683 = arith.select %gt3A_682, %select_n3A_674, %select_n3A_671 : vector<16xi1>, vector<16xf32>
        %select_n3A_684 = arith.select %gt3A_682, %select_n3A_675, %select_n3A_672 : vector<16xi1>, vector<16xi32>
        %gt3A_685 = arith.cmpf ogt, %select_n3A_683, %select_n3A_680 : vector<16xf32>
        %select_n3A_686 = arith.select %gt3A_685, %select_n3A_683, %select_n3A_680 : vector<16xi1>, vector<16xf32>
        %select_n3A_687 = arith.select %gt3A_685, %select_n3A_684, %select_n3A_681 : vector<16xi1>, vector<16xi32>
        %gt3A_688 = arith.cmpf ogt, %select_n3A_677, %select_n3A_686 : vector<16xf32>
        %select_n3A_689 = arith.select %gt3A_688, %select_n3A_677, %select_n3A_686 : vector<16xi1>, vector<16xf32>
        %select_n3A_690 = arith.select %gt3A_688, %select_n3A_678, %select_n3A_687 : vector<16xi1>, vector<16xi32>
        %ne3A_691 = arith.cmpi ne, %select_n3A_613, %select_n3A_690 : vector<16xi32>
        %jit3A_692 = arith.constant 1.000000e+00 : f32
        %jit3A_693 = arith.constant 0.000000e+00 : f32
        %broadcast_in_dim3A_694 = vector.broadcast %jit3A_692 : f32 to vector<16xf32>
        %broadcast_in_dim3A_695 = vector.broadcast %jit3A_693 : f32 to vector<16xf32>
        %select_n3A_696 = arith.select %ne3A_691, %broadcast_in_dim3A_694, %broadcast_in_dim3A_695 : vector<16xi1>, vector<16xf32>
        %add3A_697 = arith.addf %add3A_414, %select_n3A_696 : vector<16xf32>
        scf.yield %add3A_697 : vector<16xf32>
      }
      %scan3A_127 = arith.constant 32 : i32
      %add3A_128 = arith.constant 2 : i32
      %add3A_129 = arith.addi %add3A_103, %add3A_128 : i32
      %lt3A_130 = arith.constant 8 : i32
      %lt3A_131 = arith.cmpi slt, %add3A_129, %lt3A_130 : i32
      %convert_element_type3A_132 = arith.extui %lt3A_131 : i1 to i32
      %cond3A_133 = arith.constant 0 : i32
      %cond3A_134 = arith.cmpi ne, %convert_element_type3A_132, %cond3A_133 : i32
      scf.if %cond3A_134 {
        %add3A_135 = arith.constant 2 : i32
        %add3A_136 = arith.addi %add3A_103, %add3A_135 : i32
        %jit3A = arith.constant 2 : i32
        %div3A = arith.divsi %add3A_136, %jit3A : i32
        %sign3A = arith.constant 0 : i32
        %sign3A_137 = arith.cmpi sgt, %add3A_136, %sign3A : i32
        %sign3A_138 = arith.extui %sign3A_137 : i1 to i32
        %sign3A_139 = arith.constant 0 : i32
        %sign3A_140 = arith.cmpi slt, %add3A_136, %sign3A_139 : i32
        %sign3A_141 = arith.extui %sign3A_140 : i1 to i32
        %sign3A_142 = arith.subi %sign3A_138, %sign3A_141 : i32
        %sign3A_143 = arith.constant 0 : i32
        %sign3A_144 = arith.cmpi sgt, %jit3A, %sign3A_143 : i32
        %sign3A_145 = arith.extui %sign3A_144 : i1 to i32
        %sign3A_146 = arith.constant 0 : i32
        %sign3A_147 = arith.cmpi slt, %jit3A, %sign3A_146 : i32
        %sign3A_148 = arith.extui %sign3A_147 : i1 to i32
        %sign3A_149 = arith.subi %sign3A_145, %sign3A_148 : i32
        %ne3A = arith.cmpi ne, %sign3A_142, %sign3A_149 : i32
        %rem3A = arith.remsi %add3A_136, %jit3A : i32
        %ne3A_150 = arith.constant 0 : i32
        %ne3A_151 = arith.cmpi ne, %rem3A, %ne3A_150 : i32
        %and3A = arith.andi %ne3A, %ne3A_151 : i1
        %sub3A = arith.constant 1 : i32
        %sub3A_152 = arith.subi %div3A, %sub3A : i32
        %select_n3A = arith.select %and3A, %sub3A_152, %div3A : i32
        %jit3A_153 = arith.constant 2 : i32
        %eq3A = arith.constant 0 : i32
        %eq3A_154 = arith.cmpi eq, %jit3A_153, %eq3A : i32
        %jit3A_155 = arith.constant 1 : i32
        %select_n3A_156 = arith.select %eq3A_154, %jit3A_155, %jit3A_153 : i32
        %rem3A_157 = arith.remsi %add3A_136, %select_n3A_156 : i32
        %ne3A_158 = arith.constant 0 : i32
        %ne3A_159 = arith.cmpi ne, %rem3A_157, %ne3A_158 : i32
        %lt3A_160 = arith.constant 0 : i32
        %lt3A_161 = arith.cmpi slt, %rem3A_157, %lt3A_160 : i32
        %lt3A_162 = arith.constant 0 : i32
        %lt3A_163 = arith.cmpi slt, %select_n3A_156, %lt3A_162 : i32
        %ne3A_164 = arith.xori %lt3A_161, %lt3A_163 : i1
        %and3A_165 = arith.andi %ne3A_164, %ne3A_159 : i1
        %add3A_166 = arith.addi %rem3A_157, %select_n3A_156 : i32
        %select_n3A_167 = arith.select %and3A_165, %add3A_166, %rem3A_157 : i32
        %mul3A_168 = arith.constant 2048 : i32
        %mul3A_169 = arith.muli %add3A, %mul3A_168 : i32
        %mul3A_170 = arith.constant 1024 : i32
        %mul3A_171 = arith.muli %select_n3A_167, %mul3A_170 : i32
        %add3A_172 = arith.addi %mul3A_169, %mul3A_171 : i32
        %dma_start3A_173 = arith.constant 0 : i32
        %dma_start3A_174 = tpu.memref_slice %arg3[%select_n3A, %dma_start3A_173, %add3A_172] : memref<4x30x262144xf32, #tpu.memory_space<hbm>> -> memref<1x30x1024xf32, #tpu.memory_space<hbm>>
        %dma_start3A_175 = tpu.memref_squeeze %dma_start3A_174 : memref<1x30x1024xf32, #tpu.memory_space<hbm>> -> memref<30x1024xf32, #tpu.memory_space<hbm>>
        %dma_start3A_176 = arith.constant 0 : i32
        %dma_start3A_177 = tpu.memref_slice %arg3[%select_n3A, %dma_start3A_176, %add3A_172] : memref<4x30x262144xf32, #tpu.memory_space<hbm>> -> memref<1x30x1024xf32, #tpu.memory_space<hbm>>
        %dma_start3A_178 = tpu.memref_squeeze %dma_start3A_177 : memref<1x30x1024xf32, #tpu.memory_space<hbm>> -> memref<30x1024xf32, #tpu.memory_space<hbm>>
        tpu.enqueue_dma source(%dma_start3A_178 : memref<30x1024xf32, #tpu.memory_space<hbm>>) target(%arg7 : memref<30x1024xf32, #tpu.memory_space<vmem>>) target_semaphore(%arg13 : memref<!tpu.dma_semaphore, #tpu.memory_space<semaphore_mem>>)
        %dma_start3A_179 = arith.constant 0 : i32
        %dma_start3A_180 = tpu.memref_slice %arg2[%select_n3A, %dma_start3A_179, %add3A_172] : memref<4x10x262144xf32, #tpu.memory_space<hbm>> -> memref<1x10x1024xf32, #tpu.memory_space<hbm>>
        %dma_start3A_181 = tpu.memref_squeeze %dma_start3A_180 : memref<1x10x1024xf32, #tpu.memory_space<hbm>> -> memref<10x1024xf32, #tpu.memory_space<hbm>>
        %dma_start3A_182 = arith.constant 0 : i32
        %dma_start3A_183 = tpu.memref_slice %arg2[%select_n3A, %dma_start3A_182, %add3A_172] : memref<4x10x262144xf32, #tpu.memory_space<hbm>> -> memref<1x10x1024xf32, #tpu.memory_space<hbm>>
        %dma_start3A_184 = tpu.memref_squeeze %dma_start3A_183 : memref<1x10x1024xf32, #tpu.memory_space<hbm>> -> memref<10x1024xf32, #tpu.memory_space<hbm>>
        tpu.enqueue_dma source(%dma_start3A_184 : memref<10x1024xf32, #tpu.memory_space<hbm>>) target(%arg9 : memref<10x1024xf32, #tpu.memory_space<vmem>>) target_semaphore(%arg13 : memref<!tpu.dma_semaphore, #tpu.memory_space<semaphore_mem>>)
      } else {
      }
      scf.yield %scan3A_126 : vector<16xf32>
    }
    %scan3A_61 = arith.constant 4 : i32
    %get3A = arith.constant 0 : index
    %get3A_62 = tpu.vector_load %arg10[%get3A] {strides = array<i32>} : memref<16xf32, #tpu.memory_space<vmem>>, vector<16xf32>,
    %get3A_63 = vector.shape_cast %get3A_62 : vector<16xf32> to vector<16xf32>
    %mul3A_64 = arith.mulf %scan3A_60, %get3A_63 : vector<16xf32>
    %mul3A_65 = arith.constant 9.53674316E-7 : f32
    %mul3A_66 = vector.broadcast %mul3A_65 : f32 to vector<16xf32>
    %mul3A_67 = arith.mulf %mul3A_64, %mul3A_66 : vector<16xf32>
    %swap3A = arith.constant 0 : index
    %swap3A_68 = tpu.vector_load %arg11[%swap3A] {strides = array<i32>} : memref<16xf32, #tpu.memory_space<vmem>>, vector<16xf32>,
    %swap3A_69 = vector.shape_cast %swap3A_68 : vector<16xf32> to vector<16xf32>
    %swap3A_70 = vector.shape_cast %mul3A_67 : vector<16xf32> to vector<16xf32>
    tpu.vector_store %arg11[%swap3A], %swap3A_70 {strides = array<i32>} : memref<16xf32, #tpu.memory_space<vmem>>, vector<16xf32>,
    "tpu.region"() ({
      %run_scoped3A = tpu.sem_alloc : memref<!tpu.dma_semaphore, #tpu.memory_space<semaphore_mem>>
      %dma_start3A_71 = arith.constant 0 : i32
      %dma_start3A_72 = tpu.memref_slice %arg5[%add3A, %dma_start3A_71] : memref<32x16xf32, #tpu.memory_space<hbm>> -> memref<1x16xf32, #tpu.memory_space<hbm>>
      %dma_start3A_73 = tpu.memref_squeeze %dma_start3A_72 : memref<1x16xf32, #tpu.memory_space<hbm>> -> memref<16xf32, #tpu.memory_space<hbm>>
      %dma_start3A_74 = arith.constant 0 : i32
      %dma_start3A_75 = tpu.memref_slice %arg5[%add3A, %dma_start3A_74] : memref<32x16xf32, #tpu.memory_space<hbm>> -> memref<1x16xf32, #tpu.memory_space<hbm>>
      %dma_start3A_76 = tpu.memref_squeeze %dma_start3A_75 : memref<1x16xf32, #tpu.memory_space<hbm>> -> memref<16xf32, #tpu.memory_space<hbm>>
      tpu.enqueue_dma source(%arg11 : memref<16xf32, #tpu.memory_space<vmem>>) target(%dma_start3A_76 : memref<16xf32, #tpu.memory_space<hbm>>) target_semaphore(%run_scoped3A : memref<!tpu.dma_semaphore, #tpu.memory_space<semaphore_mem>>)
      %dma_wait3A = arith.constant 0 : i32
      %dma_wait3A_77 = tpu.memref_slice %arg5[%add3A, %dma_wait3A] : memref<32x16xf32, #tpu.memory_space<hbm>> -> memref<1x16xf32, #tpu.memory_space<hbm>>
      %dma_wait3A_78 = tpu.memref_squeeze %dma_wait3A_77 : memref<1x16xf32, #tpu.memory_space<hbm>> -> memref<16xf32, #tpu.memory_space<hbm>>
      %dma_wait3A_79 = arith.constant 0 : i32
      %dma_wait3A_80 = tpu.memref_slice %arg5[%add3A, %dma_wait3A_79] : memref<32x16xf32, #tpu.memory_space<hbm>> -> memref<1x16xf32, #tpu.memory_space<hbm>>
      %dma_wait3A_81 = tpu.memref_squeeze %dma_wait3A_80 : memref<1x16xf32, #tpu.memory_space<hbm>> -> memref<16xf32, #tpu.memory_space<hbm>>
      tpu.wait_dma2 semaphore(%run_scoped3A : memref<!tpu.dma_semaphore, #tpu.memory_space<semaphore_mem>>) src(%arg11 : memref<16xf32, #tpu.memory_space<vmem>>) dst(%dma_wait3A_81 : memref<16xf32, #tpu.memory_space<hbm>>)
      tpu.yield
    }) : () -> ()
    return
  }
}

module attributes {stable_mosaic.version = 14 : i64} {
  func.func @_tc_body(%arg0: i32, %arg1: i32, %arg2: memref<30xi32, #tpu.memory_space<smem>>, %arg3: memref<1xf32, #tpu.memory_space<smem>>, %arg4: memref<1x10x64x512xf32, #tpu.memory_space<vmem>>, %arg5: memref<1x30x64x512xf32, #tpu.memory_space<vmem>>, %arg6: memref<1x1xf32, #tpu.memory_space<smem>>) attributes {dimension_semantics = [#tpu.dimension_semantics<arbitrary>, #tpu.dimension_semantics<arbitrary>], iteration_bounds = array<i64: 4, 6>, scalar_prefetch = 0 : i64, scratch_operands = 0 : i64, tpu.core_type = #tpu.core_type<tc>, window_params = [{transform_indices = @transform_0, window_bounds = array<i64: 30>}, {transform_indices = @transform_1, window_bounds = array<i64: 1>}, {transform_indices = @transform_2, window_bounds = array<i64: 1, 10, 64, 512>}, {transform_indices = @transform_3, window_bounds = array<i64: 1, 30, 64, 512>}, {transform_indices = @transform_4, window_bounds = array<i64: 1, 1>}]} {
    %eq3A = arith.constant 0 : i32
    %eq3A_0 = arith.cmpi eq, %arg0, %eq3A : i32
    %eq3A_1 = arith.constant 0 : i32
    %eq3A_2 = arith.cmpi eq, %arg1, %eq3A_1 : i32
    %and3A = arith.andi %eq3A_0, %eq3A_2 : i1
    %convert_element_type3A = arith.extui %and3A : i1 to i32
    %cond3A = arith.constant 0 : i32
    %cond3A_3 = arith.cmpi ne, %convert_element_type3A, %cond3A : i32
    scf.if %cond3A_3 {
      %swap3A_480 = arith.constant 0.000000e+00 : f32
      %swap3A_481 = arith.constant 0 : index
      %swap3A_482 = arith.constant 0 : index
      %swap3A_483 = memref.load %arg6[%swap3A_481, %swap3A_482] : memref<1x1xf32, #tpu.memory_space<smem>>
      memref.store %swap3A_480, %arg6[%swap3A_481, %swap3A_482] : memref<1x1xf32, #tpu.memory_space<smem>>
    } else {
    }
    %get3A = arith.constant 0 : index
    %get3A_4 = arith.constant 0 : index
    %get3A_5 = arith.constant 0 : index
    %get3A_6 = arith.constant 0 : index
    %get3A_7 = vector.load %arg5[%get3A, %get3A_4, %get3A_5, %get3A_6] : memref<1x30x64x512xf32, #tpu.memory_space<vmem>>, vector<1x1x64x512xf32>
    %get3A_8 = vector.shape_cast %get3A_7 : vector<1x1x64x512xf32> to vector<64x512xf32>
    %get3A_9 = arith.constant 0 : index
    %get3A_10 = memref.load %arg2[%get3A_9] : memref<30xi32, #tpu.memory_space<smem>>
    %broadcast_in_dim3A = vector.broadcast %get3A_10 : i32 to vector<64x512xi32>
    %get3A_11 = arith.constant 0 : index
    %get3A_12 = arith.constant 1 : index
    %get3A_13 = arith.constant 0 : index
    %get3A_14 = arith.constant 0 : index
    %get3A_15 = vector.load %arg5[%get3A_11, %get3A_12, %get3A_13, %get3A_14] : memref<1x30x64x512xf32, #tpu.memory_space<vmem>>, vector<1x1x64x512xf32>
    %get3A_16 = vector.shape_cast %get3A_15 : vector<1x1x64x512xf32> to vector<64x512xf32>
    %gt3A = arith.cmpf ogt, %get3A_16, %get3A_8 : vector<64x512xf32>
    %select_n3A = arith.select %gt3A, %get3A_16, %get3A_8 : vector<64x512xi1>, vector<64x512xf32>
    %get3A_17 = arith.constant 1 : index
    %get3A_18 = memref.load %arg2[%get3A_17] : memref<30xi32, #tpu.memory_space<smem>>
    %broadcast_in_dim3A_19 = vector.broadcast %get3A_18 : i32 to vector<64x512xi32>
    %select_n3A_20 = arith.select %gt3A, %broadcast_in_dim3A_19, %broadcast_in_dim3A : vector<64x512xi1>, vector<64x512xi32>
    %get3A_21 = arith.constant 0 : index
    %get3A_22 = arith.constant 2 : index
    %get3A_23 = arith.constant 0 : index
    %get3A_24 = arith.constant 0 : index
    %get3A_25 = vector.load %arg5[%get3A_21, %get3A_22, %get3A_23, %get3A_24] : memref<1x30x64x512xf32, #tpu.memory_space<vmem>>, vector<1x1x64x512xf32>
    %get3A_26 = vector.shape_cast %get3A_25 : vector<1x1x64x512xf32> to vector<64x512xf32>
    %gt3A_27 = arith.cmpf ogt, %get3A_26, %select_n3A : vector<64x512xf32>
    %select_n3A_28 = arith.select %gt3A_27, %get3A_26, %select_n3A : vector<64x512xi1>, vector<64x512xf32>
    %get3A_29 = arith.constant 2 : index
    %get3A_30 = memref.load %arg2[%get3A_29] : memref<30xi32, #tpu.memory_space<smem>>
    %broadcast_in_dim3A_31 = vector.broadcast %get3A_30 : i32 to vector<64x512xi32>
    %select_n3A_32 = arith.select %gt3A_27, %broadcast_in_dim3A_31, %select_n3A_20 : vector<64x512xi1>, vector<64x512xi32>
    %get3A_33 = arith.constant 0 : index
    %get3A_34 = arith.constant 3 : index
    %get3A_35 = arith.constant 0 : index
    %get3A_36 = arith.constant 0 : index
    %get3A_37 = vector.load %arg5[%get3A_33, %get3A_34, %get3A_35, %get3A_36] : memref<1x30x64x512xf32, #tpu.memory_space<vmem>>, vector<1x1x64x512xf32>
    %get3A_38 = vector.shape_cast %get3A_37 : vector<1x1x64x512xf32> to vector<64x512xf32>
    %gt3A_39 = arith.cmpf ogt, %get3A_38, %select_n3A_28 : vector<64x512xf32>
    %select_n3A_40 = arith.select %gt3A_39, %get3A_38, %select_n3A_28 : vector<64x512xi1>, vector<64x512xf32>
    %get3A_41 = arith.constant 3 : index
    %get3A_42 = memref.load %arg2[%get3A_41] : memref<30xi32, #tpu.memory_space<smem>>
    %broadcast_in_dim3A_43 = vector.broadcast %get3A_42 : i32 to vector<64x512xi32>
    %select_n3A_44 = arith.select %gt3A_39, %broadcast_in_dim3A_43, %select_n3A_32 : vector<64x512xi1>, vector<64x512xi32>
    %get3A_45 = arith.constant 0 : index
    %get3A_46 = arith.constant 4 : index
    %get3A_47 = arith.constant 0 : index
    %get3A_48 = arith.constant 0 : index
    %get3A_49 = vector.load %arg5[%get3A_45, %get3A_46, %get3A_47, %get3A_48] : memref<1x30x64x512xf32, #tpu.memory_space<vmem>>, vector<1x1x64x512xf32>
    %get3A_50 = vector.shape_cast %get3A_49 : vector<1x1x64x512xf32> to vector<64x512xf32>
    %gt3A_51 = arith.cmpf ogt, %get3A_50, %select_n3A_40 : vector<64x512xf32>
    %select_n3A_52 = arith.select %gt3A_51, %get3A_50, %select_n3A_40 : vector<64x512xi1>, vector<64x512xf32>
    %get3A_53 = arith.constant 4 : index
    %get3A_54 = memref.load %arg2[%get3A_53] : memref<30xi32, #tpu.memory_space<smem>>
    %broadcast_in_dim3A_55 = vector.broadcast %get3A_54 : i32 to vector<64x512xi32>
    %select_n3A_56 = arith.select %gt3A_51, %broadcast_in_dim3A_55, %select_n3A_44 : vector<64x512xi1>, vector<64x512xi32>
    %get3A_57 = arith.constant 0 : index
    %get3A_58 = arith.constant 5 : index
    %get3A_59 = arith.constant 0 : index
    %get3A_60 = arith.constant 0 : index
    %get3A_61 = vector.load %arg5[%get3A_57, %get3A_58, %get3A_59, %get3A_60] : memref<1x30x64x512xf32, #tpu.memory_space<vmem>>, vector<1x1x64x512xf32>
    %get3A_62 = vector.shape_cast %get3A_61 : vector<1x1x64x512xf32> to vector<64x512xf32>
    %gt3A_63 = arith.cmpf ogt, %get3A_62, %select_n3A_52 : vector<64x512xf32>
    %select_n3A_64 = arith.select %gt3A_63, %get3A_62, %select_n3A_52 : vector<64x512xi1>, vector<64x512xf32>
    %get3A_65 = arith.constant 5 : index
    %get3A_66 = memref.load %arg2[%get3A_65] : memref<30xi32, #tpu.memory_space<smem>>
    %broadcast_in_dim3A_67 = vector.broadcast %get3A_66 : i32 to vector<64x512xi32>
    %select_n3A_68 = arith.select %gt3A_63, %broadcast_in_dim3A_67, %select_n3A_56 : vector<64x512xi1>, vector<64x512xi32>
    %get3A_69 = arith.constant 0 : index
    %get3A_70 = arith.constant 6 : index
    %get3A_71 = arith.constant 0 : index
    %get3A_72 = arith.constant 0 : index
    %get3A_73 = vector.load %arg5[%get3A_69, %get3A_70, %get3A_71, %get3A_72] : memref<1x30x64x512xf32, #tpu.memory_space<vmem>>, vector<1x1x64x512xf32>
    %get3A_74 = vector.shape_cast %get3A_73 : vector<1x1x64x512xf32> to vector<64x512xf32>
    %gt3A_75 = arith.cmpf ogt, %get3A_74, %select_n3A_64 : vector<64x512xf32>
    %select_n3A_76 = arith.select %gt3A_75, %get3A_74, %select_n3A_64 : vector<64x512xi1>, vector<64x512xf32>
    %get3A_77 = arith.constant 6 : index
    %get3A_78 = memref.load %arg2[%get3A_77] : memref<30xi32, #tpu.memory_space<smem>>
    %broadcast_in_dim3A_79 = vector.broadcast %get3A_78 : i32 to vector<64x512xi32>
    %select_n3A_80 = arith.select %gt3A_75, %broadcast_in_dim3A_79, %select_n3A_68 : vector<64x512xi1>, vector<64x512xi32>
    %get3A_81 = arith.constant 0 : index
    %get3A_82 = arith.constant 7 : index
    %get3A_83 = arith.constant 0 : index
    %get3A_84 = arith.constant 0 : index
    %get3A_85 = vector.load %arg5[%get3A_81, %get3A_82, %get3A_83, %get3A_84] : memref<1x30x64x512xf32, #tpu.memory_space<vmem>>, vector<1x1x64x512xf32>
    %get3A_86 = vector.shape_cast %get3A_85 : vector<1x1x64x512xf32> to vector<64x512xf32>
    %gt3A_87 = arith.cmpf ogt, %get3A_86, %select_n3A_76 : vector<64x512xf32>
    %select_n3A_88 = arith.select %gt3A_87, %get3A_86, %select_n3A_76 : vector<64x512xi1>, vector<64x512xf32>
    %get3A_89 = arith.constant 7 : index
    %get3A_90 = memref.load %arg2[%get3A_89] : memref<30xi32, #tpu.memory_space<smem>>
    %broadcast_in_dim3A_91 = vector.broadcast %get3A_90 : i32 to vector<64x512xi32>
    %select_n3A_92 = arith.select %gt3A_87, %broadcast_in_dim3A_91, %select_n3A_80 : vector<64x512xi1>, vector<64x512xi32>
    %get3A_93 = arith.constant 0 : index
    %get3A_94 = arith.constant 8 : index
    %get3A_95 = arith.constant 0 : index
    %get3A_96 = arith.constant 0 : index
    %get3A_97 = vector.load %arg5[%get3A_93, %get3A_94, %get3A_95, %get3A_96] : memref<1x30x64x512xf32, #tpu.memory_space<vmem>>, vector<1x1x64x512xf32>
    %get3A_98 = vector.shape_cast %get3A_97 : vector<1x1x64x512xf32> to vector<64x512xf32>
    %gt3A_99 = arith.cmpf ogt, %get3A_98, %select_n3A_88 : vector<64x512xf32>
    %select_n3A_100 = arith.select %gt3A_99, %get3A_98, %select_n3A_88 : vector<64x512xi1>, vector<64x512xf32>
    %get3A_101 = arith.constant 8 : index
    %get3A_102 = memref.load %arg2[%get3A_101] : memref<30xi32, #tpu.memory_space<smem>>
    %broadcast_in_dim3A_103 = vector.broadcast %get3A_102 : i32 to vector<64x512xi32>
    %select_n3A_104 = arith.select %gt3A_99, %broadcast_in_dim3A_103, %select_n3A_92 : vector<64x512xi1>, vector<64x512xi32>
    %get3A_105 = arith.constant 0 : index
    %get3A_106 = arith.constant 9 : index
    %get3A_107 = arith.constant 0 : index
    %get3A_108 = arith.constant 0 : index
    %get3A_109 = vector.load %arg5[%get3A_105, %get3A_106, %get3A_107, %get3A_108] : memref<1x30x64x512xf32, #tpu.memory_space<vmem>>, vector<1x1x64x512xf32>
    %get3A_110 = vector.shape_cast %get3A_109 : vector<1x1x64x512xf32> to vector<64x512xf32>
    %gt3A_111 = arith.cmpf ogt, %get3A_110, %select_n3A_100 : vector<64x512xf32>
    %select_n3A_112 = arith.select %gt3A_111, %get3A_110, %select_n3A_100 : vector<64x512xi1>, vector<64x512xf32>
    %get3A_113 = arith.constant 9 : index
    %get3A_114 = memref.load %arg2[%get3A_113] : memref<30xi32, #tpu.memory_space<smem>>
    %broadcast_in_dim3A_115 = vector.broadcast %get3A_114 : i32 to vector<64x512xi32>
    %select_n3A_116 = arith.select %gt3A_111, %broadcast_in_dim3A_115, %select_n3A_104 : vector<64x512xi1>, vector<64x512xi32>
    %get3A_117 = arith.constant 0 : index
    %get3A_118 = arith.constant 10 : index
    %get3A_119 = arith.constant 0 : index
    %get3A_120 = arith.constant 0 : index
    %get3A_121 = vector.load %arg5[%get3A_117, %get3A_118, %get3A_119, %get3A_120] : memref<1x30x64x512xf32, #tpu.memory_space<vmem>>, vector<1x1x64x512xf32>
    %get3A_122 = vector.shape_cast %get3A_121 : vector<1x1x64x512xf32> to vector<64x512xf32>
    %gt3A_123 = arith.cmpf ogt, %get3A_122, %select_n3A_112 : vector<64x512xf32>
    %select_n3A_124 = arith.select %gt3A_123, %get3A_122, %select_n3A_112 : vector<64x512xi1>, vector<64x512xf32>
    %get3A_125 = arith.constant 10 : index
    %get3A_126 = memref.load %arg2[%get3A_125] : memref<30xi32, #tpu.memory_space<smem>>
    %broadcast_in_dim3A_127 = vector.broadcast %get3A_126 : i32 to vector<64x512xi32>
    %select_n3A_128 = arith.select %gt3A_123, %broadcast_in_dim3A_127, %select_n3A_116 : vector<64x512xi1>, vector<64x512xi32>
    %get3A_129 = arith.constant 0 : index
    %get3A_130 = arith.constant 11 : index
    %get3A_131 = arith.constant 0 : index
    %get3A_132 = arith.constant 0 : index
    %get3A_133 = vector.load %arg5[%get3A_129, %get3A_130, %get3A_131, %get3A_132] : memref<1x30x64x512xf32, #tpu.memory_space<vmem>>, vector<1x1x64x512xf32>
    %get3A_134 = vector.shape_cast %get3A_133 : vector<1x1x64x512xf32> to vector<64x512xf32>
    %gt3A_135 = arith.cmpf ogt, %get3A_134, %select_n3A_124 : vector<64x512xf32>
    %select_n3A_136 = arith.select %gt3A_135, %get3A_134, %select_n3A_124 : vector<64x512xi1>, vector<64x512xf32>
    %get3A_137 = arith.constant 11 : index
    %get3A_138 = memref.load %arg2[%get3A_137] : memref<30xi32, #tpu.memory_space<smem>>
    %broadcast_in_dim3A_139 = vector.broadcast %get3A_138 : i32 to vector<64x512xi32>
    %select_n3A_140 = arith.select %gt3A_135, %broadcast_in_dim3A_139, %select_n3A_128 : vector<64x512xi1>, vector<64x512xi32>
    %get3A_141 = arith.constant 0 : index
    %get3A_142 = arith.constant 12 : index
    %get3A_143 = arith.constant 0 : index
    %get3A_144 = arith.constant 0 : index
    %get3A_145 = vector.load %arg5[%get3A_141, %get3A_142, %get3A_143, %get3A_144] : memref<1x30x64x512xf32, #tpu.memory_space<vmem>>, vector<1x1x64x512xf32>
    %get3A_146 = vector.shape_cast %get3A_145 : vector<1x1x64x512xf32> to vector<64x512xf32>
    %gt3A_147 = arith.cmpf ogt, %get3A_146, %select_n3A_136 : vector<64x512xf32>
    %select_n3A_148 = arith.select %gt3A_147, %get3A_146, %select_n3A_136 : vector<64x512xi1>, vector<64x512xf32>
    %get3A_149 = arith.constant 12 : index
    %get3A_150 = memref.load %arg2[%get3A_149] : memref<30xi32, #tpu.memory_space<smem>>
    %broadcast_in_dim3A_151 = vector.broadcast %get3A_150 : i32 to vector<64x512xi32>
    %select_n3A_152 = arith.select %gt3A_147, %broadcast_in_dim3A_151, %select_n3A_140 : vector<64x512xi1>, vector<64x512xi32>
    %get3A_153 = arith.constant 0 : index
    %get3A_154 = arith.constant 13 : index
    %get3A_155 = arith.constant 0 : index
    %get3A_156 = arith.constant 0 : index
    %get3A_157 = vector.load %arg5[%get3A_153, %get3A_154, %get3A_155, %get3A_156] : memref<1x30x64x512xf32, #tpu.memory_space<vmem>>, vector<1x1x64x512xf32>
    %get3A_158 = vector.shape_cast %get3A_157 : vector<1x1x64x512xf32> to vector<64x512xf32>
    %gt3A_159 = arith.cmpf ogt, %get3A_158, %select_n3A_148 : vector<64x512xf32>
    %select_n3A_160 = arith.select %gt3A_159, %get3A_158, %select_n3A_148 : vector<64x512xi1>, vector<64x512xf32>
    %get3A_161 = arith.constant 13 : index
    %get3A_162 = memref.load %arg2[%get3A_161] : memref<30xi32, #tpu.memory_space<smem>>
    %broadcast_in_dim3A_163 = vector.broadcast %get3A_162 : i32 to vector<64x512xi32>
    %select_n3A_164 = arith.select %gt3A_159, %broadcast_in_dim3A_163, %select_n3A_152 : vector<64x512xi1>, vector<64x512xi32>
    %get3A_165 = arith.constant 0 : index
    %get3A_166 = arith.constant 14 : index
    %get3A_167 = arith.constant 0 : index
    %get3A_168 = arith.constant 0 : index
    %get3A_169 = vector.load %arg5[%get3A_165, %get3A_166, %get3A_167, %get3A_168] : memref<1x30x64x512xf32, #tpu.memory_space<vmem>>, vector<1x1x64x512xf32>
    %get3A_170 = vector.shape_cast %get3A_169 : vector<1x1x64x512xf32> to vector<64x512xf32>
    %gt3A_171 = arith.cmpf ogt, %get3A_170, %select_n3A_160 : vector<64x512xf32>
    %select_n3A_172 = arith.select %gt3A_171, %get3A_170, %select_n3A_160 : vector<64x512xi1>, vector<64x512xf32>
    %get3A_173 = arith.constant 14 : index
    %get3A_174 = memref.load %arg2[%get3A_173] : memref<30xi32, #tpu.memory_space<smem>>
    %broadcast_in_dim3A_175 = vector.broadcast %get3A_174 : i32 to vector<64x512xi32>
    %select_n3A_176 = arith.select %gt3A_171, %broadcast_in_dim3A_175, %select_n3A_164 : vector<64x512xi1>, vector<64x512xi32>
    %get3A_177 = arith.constant 0 : index
    %get3A_178 = arith.constant 15 : index
    %get3A_179 = arith.constant 0 : index
    %get3A_180 = arith.constant 0 : index
    %get3A_181 = vector.load %arg5[%get3A_177, %get3A_178, %get3A_179, %get3A_180] : memref<1x30x64x512xf32, #tpu.memory_space<vmem>>, vector<1x1x64x512xf32>
    %get3A_182 = vector.shape_cast %get3A_181 : vector<1x1x64x512xf32> to vector<64x512xf32>
    %gt3A_183 = arith.cmpf ogt, %get3A_182, %select_n3A_172 : vector<64x512xf32>
    %select_n3A_184 = arith.select %gt3A_183, %get3A_182, %select_n3A_172 : vector<64x512xi1>, vector<64x512xf32>
    %get3A_185 = arith.constant 15 : index
    %get3A_186 = memref.load %arg2[%get3A_185] : memref<30xi32, #tpu.memory_space<smem>>
    %broadcast_in_dim3A_187 = vector.broadcast %get3A_186 : i32 to vector<64x512xi32>
    %select_n3A_188 = arith.select %gt3A_183, %broadcast_in_dim3A_187, %select_n3A_176 : vector<64x512xi1>, vector<64x512xi32>
    %get3A_189 = arith.constant 0 : index
    %get3A_190 = arith.constant 16 : index
    %get3A_191 = arith.constant 0 : index
    %get3A_192 = arith.constant 0 : index
    %get3A_193 = vector.load %arg5[%get3A_189, %get3A_190, %get3A_191, %get3A_192] : memref<1x30x64x512xf32, #tpu.memory_space<vmem>>, vector<1x1x64x512xf32>
    %get3A_194 = vector.shape_cast %get3A_193 : vector<1x1x64x512xf32> to vector<64x512xf32>
    %gt3A_195 = arith.cmpf ogt, %get3A_194, %select_n3A_184 : vector<64x512xf32>
    %select_n3A_196 = arith.select %gt3A_195, %get3A_194, %select_n3A_184 : vector<64x512xi1>, vector<64x512xf32>
    %get3A_197 = arith.constant 16 : index
    %get3A_198 = memref.load %arg2[%get3A_197] : memref<30xi32, #tpu.memory_space<smem>>
    %broadcast_in_dim3A_199 = vector.broadcast %get3A_198 : i32 to vector<64x512xi32>
    %select_n3A_200 = arith.select %gt3A_195, %broadcast_in_dim3A_199, %select_n3A_188 : vector<64x512xi1>, vector<64x512xi32>
    %get3A_201 = arith.constant 0 : index
    %get3A_202 = arith.constant 17 : index
    %get3A_203 = arith.constant 0 : index
    %get3A_204 = arith.constant 0 : index
    %get3A_205 = vector.load %arg5[%get3A_201, %get3A_202, %get3A_203, %get3A_204] : memref<1x30x64x512xf32, #tpu.memory_space<vmem>>, vector<1x1x64x512xf32>
    %get3A_206 = vector.shape_cast %get3A_205 : vector<1x1x64x512xf32> to vector<64x512xf32>
    %gt3A_207 = arith.cmpf ogt, %get3A_206, %select_n3A_196 : vector<64x512xf32>
    %select_n3A_208 = arith.select %gt3A_207, %get3A_206, %select_n3A_196 : vector<64x512xi1>, vector<64x512xf32>
    %get3A_209 = arith.constant 17 : index
    %get3A_210 = memref.load %arg2[%get3A_209] : memref<30xi32, #tpu.memory_space<smem>>
    %broadcast_in_dim3A_211 = vector.broadcast %get3A_210 : i32 to vector<64x512xi32>
    %select_n3A_212 = arith.select %gt3A_207, %broadcast_in_dim3A_211, %select_n3A_200 : vector<64x512xi1>, vector<64x512xi32>
    %get3A_213 = arith.constant 0 : index
    %get3A_214 = arith.constant 18 : index
    %get3A_215 = arith.constant 0 : index
    %get3A_216 = arith.constant 0 : index
    %get3A_217 = vector.load %arg5[%get3A_213, %get3A_214, %get3A_215, %get3A_216] : memref<1x30x64x512xf32, #tpu.memory_space<vmem>>, vector<1x1x64x512xf32>
    %get3A_218 = vector.shape_cast %get3A_217 : vector<1x1x64x512xf32> to vector<64x512xf32>
    %gt3A_219 = arith.cmpf ogt, %get3A_218, %select_n3A_208 : vector<64x512xf32>
    %select_n3A_220 = arith.select %gt3A_219, %get3A_218, %select_n3A_208 : vector<64x512xi1>, vector<64x512xf32>
    %get3A_221 = arith.constant 18 : index
    %get3A_222 = memref.load %arg2[%get3A_221] : memref<30xi32, #tpu.memory_space<smem>>
    %broadcast_in_dim3A_223 = vector.broadcast %get3A_222 : i32 to vector<64x512xi32>
    %select_n3A_224 = arith.select %gt3A_219, %broadcast_in_dim3A_223, %select_n3A_212 : vector<64x512xi1>, vector<64x512xi32>
    %get3A_225 = arith.constant 0 : index
    %get3A_226 = arith.constant 19 : index
    %get3A_227 = arith.constant 0 : index
    %get3A_228 = arith.constant 0 : index
    %get3A_229 = vector.load %arg5[%get3A_225, %get3A_226, %get3A_227, %get3A_228] : memref<1x30x64x512xf32, #tpu.memory_space<vmem>>, vector<1x1x64x512xf32>
    %get3A_230 = vector.shape_cast %get3A_229 : vector<1x1x64x512xf32> to vector<64x512xf32>
    %gt3A_231 = arith.cmpf ogt, %get3A_230, %select_n3A_220 : vector<64x512xf32>
    %select_n3A_232 = arith.select %gt3A_231, %get3A_230, %select_n3A_220 : vector<64x512xi1>, vector<64x512xf32>
    %get3A_233 = arith.constant 19 : index
    %get3A_234 = memref.load %arg2[%get3A_233] : memref<30xi32, #tpu.memory_space<smem>>
    %broadcast_in_dim3A_235 = vector.broadcast %get3A_234 : i32 to vector<64x512xi32>
    %select_n3A_236 = arith.select %gt3A_231, %broadcast_in_dim3A_235, %select_n3A_224 : vector<64x512xi1>, vector<64x512xi32>
    %get3A_237 = arith.constant 0 : index
    %get3A_238 = arith.constant 20 : index
    %get3A_239 = arith.constant 0 : index
    %get3A_240 = arith.constant 0 : index
    %get3A_241 = vector.load %arg5[%get3A_237, %get3A_238, %get3A_239, %get3A_240] : memref<1x30x64x512xf32, #tpu.memory_space<vmem>>, vector<1x1x64x512xf32>
    %get3A_242 = vector.shape_cast %get3A_241 : vector<1x1x64x512xf32> to vector<64x512xf32>
    %gt3A_243 = arith.cmpf ogt, %get3A_242, %select_n3A_232 : vector<64x512xf32>
    %select_n3A_244 = arith.select %gt3A_243, %get3A_242, %select_n3A_232 : vector<64x512xi1>, vector<64x512xf32>
    %get3A_245 = arith.constant 20 : index
    %get3A_246 = memref.load %arg2[%get3A_245] : memref<30xi32, #tpu.memory_space<smem>>
    %broadcast_in_dim3A_247 = vector.broadcast %get3A_246 : i32 to vector<64x512xi32>
    %select_n3A_248 = arith.select %gt3A_243, %broadcast_in_dim3A_247, %select_n3A_236 : vector<64x512xi1>, vector<64x512xi32>
    %get3A_249 = arith.constant 0 : index
    %get3A_250 = arith.constant 21 : index
    %get3A_251 = arith.constant 0 : index
    %get3A_252 = arith.constant 0 : index
    %get3A_253 = vector.load %arg5[%get3A_249, %get3A_250, %get3A_251, %get3A_252] : memref<1x30x64x512xf32, #tpu.memory_space<vmem>>, vector<1x1x64x512xf32>
    %get3A_254 = vector.shape_cast %get3A_253 : vector<1x1x64x512xf32> to vector<64x512xf32>
    %gt3A_255 = arith.cmpf ogt, %get3A_254, %select_n3A_244 : vector<64x512xf32>
    %select_n3A_256 = arith.select %gt3A_255, %get3A_254, %select_n3A_244 : vector<64x512xi1>, vector<64x512xf32>
    %get3A_257 = arith.constant 21 : index
    %get3A_258 = memref.load %arg2[%get3A_257] : memref<30xi32, #tpu.memory_space<smem>>
    %broadcast_in_dim3A_259 = vector.broadcast %get3A_258 : i32 to vector<64x512xi32>
    %select_n3A_260 = arith.select %gt3A_255, %broadcast_in_dim3A_259, %select_n3A_248 : vector<64x512xi1>, vector<64x512xi32>
    %get3A_261 = arith.constant 0 : index
    %get3A_262 = arith.constant 22 : index
    %get3A_263 = arith.constant 0 : index
    %get3A_264 = arith.constant 0 : index
    %get3A_265 = vector.load %arg5[%get3A_261, %get3A_262, %get3A_263, %get3A_264] : memref<1x30x64x512xf32, #tpu.memory_space<vmem>>, vector<1x1x64x512xf32>
    %get3A_266 = vector.shape_cast %get3A_265 : vector<1x1x64x512xf32> to vector<64x512xf32>
    %gt3A_267 = arith.cmpf ogt, %get3A_266, %select_n3A_256 : vector<64x512xf32>
    %select_n3A_268 = arith.select %gt3A_267, %get3A_266, %select_n3A_256 : vector<64x512xi1>, vector<64x512xf32>
    %get3A_269 = arith.constant 22 : index
    %get3A_270 = memref.load %arg2[%get3A_269] : memref<30xi32, #tpu.memory_space<smem>>
    %broadcast_in_dim3A_271 = vector.broadcast %get3A_270 : i32 to vector<64x512xi32>
    %select_n3A_272 = arith.select %gt3A_267, %broadcast_in_dim3A_271, %select_n3A_260 : vector<64x512xi1>, vector<64x512xi32>
    %get3A_273 = arith.constant 0 : index
    %get3A_274 = arith.constant 23 : index
    %get3A_275 = arith.constant 0 : index
    %get3A_276 = arith.constant 0 : index
    %get3A_277 = vector.load %arg5[%get3A_273, %get3A_274, %get3A_275, %get3A_276] : memref<1x30x64x512xf32, #tpu.memory_space<vmem>>, vector<1x1x64x512xf32>
    %get3A_278 = vector.shape_cast %get3A_277 : vector<1x1x64x512xf32> to vector<64x512xf32>
    %gt3A_279 = arith.cmpf ogt, %get3A_278, %select_n3A_268 : vector<64x512xf32>
    %select_n3A_280 = arith.select %gt3A_279, %get3A_278, %select_n3A_268 : vector<64x512xi1>, vector<64x512xf32>
    %get3A_281 = arith.constant 23 : index
    %get3A_282 = memref.load %arg2[%get3A_281] : memref<30xi32, #tpu.memory_space<smem>>
    %broadcast_in_dim3A_283 = vector.broadcast %get3A_282 : i32 to vector<64x512xi32>
    %select_n3A_284 = arith.select %gt3A_279, %broadcast_in_dim3A_283, %select_n3A_272 : vector<64x512xi1>, vector<64x512xi32>
    %get3A_285 = arith.constant 0 : index
    %get3A_286 = arith.constant 24 : index
    %get3A_287 = arith.constant 0 : index
    %get3A_288 = arith.constant 0 : index
    %get3A_289 = vector.load %arg5[%get3A_285, %get3A_286, %get3A_287, %get3A_288] : memref<1x30x64x512xf32, #tpu.memory_space<vmem>>, vector<1x1x64x512xf32>
    %get3A_290 = vector.shape_cast %get3A_289 : vector<1x1x64x512xf32> to vector<64x512xf32>
    %gt3A_291 = arith.cmpf ogt, %get3A_290, %select_n3A_280 : vector<64x512xf32>
    %select_n3A_292 = arith.select %gt3A_291, %get3A_290, %select_n3A_280 : vector<64x512xi1>, vector<64x512xf32>
    %get3A_293 = arith.constant 24 : index
    %get3A_294 = memref.load %arg2[%get3A_293] : memref<30xi32, #tpu.memory_space<smem>>
    %broadcast_in_dim3A_295 = vector.broadcast %get3A_294 : i32 to vector<64x512xi32>
    %select_n3A_296 = arith.select %gt3A_291, %broadcast_in_dim3A_295, %select_n3A_284 : vector<64x512xi1>, vector<64x512xi32>
    %get3A_297 = arith.constant 0 : index
    %get3A_298 = arith.constant 25 : index
    %get3A_299 = arith.constant 0 : index
    %get3A_300 = arith.constant 0 : index
    %get3A_301 = vector.load %arg5[%get3A_297, %get3A_298, %get3A_299, %get3A_300] : memref<1x30x64x512xf32, #tpu.memory_space<vmem>>, vector<1x1x64x512xf32>
    %get3A_302 = vector.shape_cast %get3A_301 : vector<1x1x64x512xf32> to vector<64x512xf32>
    %gt3A_303 = arith.cmpf ogt, %get3A_302, %select_n3A_292 : vector<64x512xf32>
    %select_n3A_304 = arith.select %gt3A_303, %get3A_302, %select_n3A_292 : vector<64x512xi1>, vector<64x512xf32>
    %get3A_305 = arith.constant 25 : index
    %get3A_306 = memref.load %arg2[%get3A_305] : memref<30xi32, #tpu.memory_space<smem>>
    %broadcast_in_dim3A_307 = vector.broadcast %get3A_306 : i32 to vector<64x512xi32>
    %select_n3A_308 = arith.select %gt3A_303, %broadcast_in_dim3A_307, %select_n3A_296 : vector<64x512xi1>, vector<64x512xi32>
    %get3A_309 = arith.constant 0 : index
    %get3A_310 = arith.constant 26 : index
    %get3A_311 = arith.constant 0 : index
    %get3A_312 = arith.constant 0 : index
    %get3A_313 = vector.load %arg5[%get3A_309, %get3A_310, %get3A_311, %get3A_312] : memref<1x30x64x512xf32, #tpu.memory_space<vmem>>, vector<1x1x64x512xf32>
    %get3A_314 = vector.shape_cast %get3A_313 : vector<1x1x64x512xf32> to vector<64x512xf32>
    %gt3A_315 = arith.cmpf ogt, %get3A_314, %select_n3A_304 : vector<64x512xf32>
    %select_n3A_316 = arith.select %gt3A_315, %get3A_314, %select_n3A_304 : vector<64x512xi1>, vector<64x512xf32>
    %get3A_317 = arith.constant 26 : index
    %get3A_318 = memref.load %arg2[%get3A_317] : memref<30xi32, #tpu.memory_space<smem>>
    %broadcast_in_dim3A_319 = vector.broadcast %get3A_318 : i32 to vector<64x512xi32>
    %select_n3A_320 = arith.select %gt3A_315, %broadcast_in_dim3A_319, %select_n3A_308 : vector<64x512xi1>, vector<64x512xi32>
    %get3A_321 = arith.constant 0 : index
    %get3A_322 = arith.constant 27 : index
    %get3A_323 = arith.constant 0 : index
    %get3A_324 = arith.constant 0 : index
    %get3A_325 = vector.load %arg5[%get3A_321, %get3A_322, %get3A_323, %get3A_324] : memref<1x30x64x512xf32, #tpu.memory_space<vmem>>, vector<1x1x64x512xf32>
    %get3A_326 = vector.shape_cast %get3A_325 : vector<1x1x64x512xf32> to vector<64x512xf32>
    %gt3A_327 = arith.cmpf ogt, %get3A_326, %select_n3A_316 : vector<64x512xf32>
    %select_n3A_328 = arith.select %gt3A_327, %get3A_326, %select_n3A_316 : vector<64x512xi1>, vector<64x512xf32>
    %get3A_329 = arith.constant 27 : index
    %get3A_330 = memref.load %arg2[%get3A_329] : memref<30xi32, #tpu.memory_space<smem>>
    %broadcast_in_dim3A_331 = vector.broadcast %get3A_330 : i32 to vector<64x512xi32>
    %select_n3A_332 = arith.select %gt3A_327, %broadcast_in_dim3A_331, %select_n3A_320 : vector<64x512xi1>, vector<64x512xi32>
    %get3A_333 = arith.constant 0 : index
    %get3A_334 = arith.constant 28 : index
    %get3A_335 = arith.constant 0 : index
    %get3A_336 = arith.constant 0 : index
    %get3A_337 = vector.load %arg5[%get3A_333, %get3A_334, %get3A_335, %get3A_336] : memref<1x30x64x512xf32, #tpu.memory_space<vmem>>, vector<1x1x64x512xf32>
    %get3A_338 = vector.shape_cast %get3A_337 : vector<1x1x64x512xf32> to vector<64x512xf32>
    %gt3A_339 = arith.cmpf ogt, %get3A_338, %select_n3A_328 : vector<64x512xf32>
    %select_n3A_340 = arith.select %gt3A_339, %get3A_338, %select_n3A_328 : vector<64x512xi1>, vector<64x512xf32>
    %get3A_341 = arith.constant 28 : index
    %get3A_342 = memref.load %arg2[%get3A_341] : memref<30xi32, #tpu.memory_space<smem>>
    %broadcast_in_dim3A_343 = vector.broadcast %get3A_342 : i32 to vector<64x512xi32>
    %select_n3A_344 = arith.select %gt3A_339, %broadcast_in_dim3A_343, %select_n3A_332 : vector<64x512xi1>, vector<64x512xi32>
    %get3A_345 = arith.constant 0 : index
    %get3A_346 = arith.constant 29 : index
    %get3A_347 = arith.constant 0 : index
    %get3A_348 = arith.constant 0 : index
    %get3A_349 = vector.load %arg5[%get3A_345, %get3A_346, %get3A_347, %get3A_348] : memref<1x30x64x512xf32, #tpu.memory_space<vmem>>, vector<1x1x64x512xf32>
    %get3A_350 = vector.shape_cast %get3A_349 : vector<1x1x64x512xf32> to vector<64x512xf32>
    %gt3A_351 = arith.cmpf ogt, %get3A_350, %select_n3A_340 : vector<64x512xf32>
    %get3A_352 = arith.constant 29 : index
    %get3A_353 = memref.load %arg2[%get3A_352] : memref<30xi32, #tpu.memory_space<smem>>
    %broadcast_in_dim3A_354 = vector.broadcast %get3A_353 : i32 to vector<64x512xi32>
    %select_n3A_355 = arith.select %gt3A_351, %broadcast_in_dim3A_354, %select_n3A_344 : vector<64x512xi1>, vector<64x512xi32>
    %get3A_356 = arith.constant 0 : index
    %get3A_357 = arith.constant 0 : index
    %get3A_358 = arith.constant 0 : index
    %get3A_359 = arith.constant 0 : index
    %get3A_360 = vector.load %arg4[%get3A_356, %get3A_357, %get3A_358, %get3A_359] : memref<1x10x64x512xf32, #tpu.memory_space<vmem>>, vector<1x1x64x512xf32>
    %get3A_361 = vector.shape_cast %get3A_360 : vector<1x1x64x512xf32> to vector<64x512xf32>
    %broadcast_in_dim3A_362 = arith.constant 0 : i32
    %broadcast_in_dim3A_363 = vector.broadcast %broadcast_in_dim3A_362 : i32 to vector<64x512xi32>
    %get3A_364 = arith.constant 0 : index
    %get3A_365 = arith.constant 1 : index
    %get3A_366 = arith.constant 0 : index
    %get3A_367 = arith.constant 0 : index
    %get3A_368 = vector.load %arg4[%get3A_364, %get3A_365, %get3A_366, %get3A_367] : memref<1x10x64x512xf32, #tpu.memory_space<vmem>>, vector<1x1x64x512xf32>
    %get3A_369 = vector.shape_cast %get3A_368 : vector<1x1x64x512xf32> to vector<64x512xf32>
    %gt3A_370 = arith.cmpf ogt, %get3A_369, %get3A_361 : vector<64x512xf32>
    %select_n3A_371 = arith.select %gt3A_370, %get3A_369, %get3A_361 : vector<64x512xi1>, vector<64x512xf32>
    %jit3A = arith.constant 1 : i32
    %broadcast_in_dim3A_372 = vector.broadcast %jit3A : i32 to vector<64x512xi32>
    %select_n3A_373 = arith.select %gt3A_370, %broadcast_in_dim3A_372, %broadcast_in_dim3A_363 : vector<64x512xi1>, vector<64x512xi32>
    %get3A_374 = arith.constant 0 : index
    %get3A_375 = arith.constant 2 : index
    %get3A_376 = arith.constant 0 : index
    %get3A_377 = arith.constant 0 : index
    %get3A_378 = vector.load %arg4[%get3A_374, %get3A_375, %get3A_376, %get3A_377] : memref<1x10x64x512xf32, #tpu.memory_space<vmem>>, vector<1x1x64x512xf32>
    %get3A_379 = vector.shape_cast %get3A_378 : vector<1x1x64x512xf32> to vector<64x512xf32>
    %gt3A_380 = arith.cmpf ogt, %get3A_379, %select_n3A_371 : vector<64x512xf32>
    %select_n3A_381 = arith.select %gt3A_380, %get3A_379, %select_n3A_371 : vector<64x512xi1>, vector<64x512xf32>
    %jit3A_382 = arith.constant 2 : i32
    %broadcast_in_dim3A_383 = vector.broadcast %jit3A_382 : i32 to vector<64x512xi32>
    %select_n3A_384 = arith.select %gt3A_380, %broadcast_in_dim3A_383, %select_n3A_373 : vector<64x512xi1>, vector<64x512xi32>
    %get3A_385 = arith.constant 0 : index
    %get3A_386 = arith.constant 3 : index
    %get3A_387 = arith.constant 0 : index
    %get3A_388 = arith.constant 0 : index
    %get3A_389 = vector.load %arg4[%get3A_385, %get3A_386, %get3A_387, %get3A_388] : memref<1x10x64x512xf32, #tpu.memory_space<vmem>>, vector<1x1x64x512xf32>
    %get3A_390 = vector.shape_cast %get3A_389 : vector<1x1x64x512xf32> to vector<64x512xf32>
    %gt3A_391 = arith.cmpf ogt, %get3A_390, %select_n3A_381 : vector<64x512xf32>
    %select_n3A_392 = arith.select %gt3A_391, %get3A_390, %select_n3A_381 : vector<64x512xi1>, vector<64x512xf32>
    %jit3A_393 = arith.constant 3 : i32
    %broadcast_in_dim3A_394 = vector.broadcast %jit3A_393 : i32 to vector<64x512xi32>
    %select_n3A_395 = arith.select %gt3A_391, %broadcast_in_dim3A_394, %select_n3A_384 : vector<64x512xi1>, vector<64x512xi32>
    %get3A_396 = arith.constant 0 : index
    %get3A_397 = arith.constant 4 : index
    %get3A_398 = arith.constant 0 : index
    %get3A_399 = arith.constant 0 : index
    %get3A_400 = vector.load %arg4[%get3A_396, %get3A_397, %get3A_398, %get3A_399] : memref<1x10x64x512xf32, #tpu.memory_space<vmem>>, vector<1x1x64x512xf32>
    %get3A_401 = vector.shape_cast %get3A_400 : vector<1x1x64x512xf32> to vector<64x512xf32>
    %gt3A_402 = arith.cmpf ogt, %get3A_401, %select_n3A_392 : vector<64x512xf32>
    %select_n3A_403 = arith.select %gt3A_402, %get3A_401, %select_n3A_392 : vector<64x512xi1>, vector<64x512xf32>
    %jit3A_404 = arith.constant 4 : i32
    %broadcast_in_dim3A_405 = vector.broadcast %jit3A_404 : i32 to vector<64x512xi32>
    %select_n3A_406 = arith.select %gt3A_402, %broadcast_in_dim3A_405, %select_n3A_395 : vector<64x512xi1>, vector<64x512xi32>
    %get3A_407 = arith.constant 0 : index
    %get3A_408 = arith.constant 5 : index
    %get3A_409 = arith.constant 0 : index
    %get3A_410 = arith.constant 0 : index
    %get3A_411 = vector.load %arg4[%get3A_407, %get3A_408, %get3A_409, %get3A_410] : memref<1x10x64x512xf32, #tpu.memory_space<vmem>>, vector<1x1x64x512xf32>
    %get3A_412 = vector.shape_cast %get3A_411 : vector<1x1x64x512xf32> to vector<64x512xf32>
    %gt3A_413 = arith.cmpf ogt, %get3A_412, %select_n3A_403 : vector<64x512xf32>
    %select_n3A_414 = arith.select %gt3A_413, %get3A_412, %select_n3A_403 : vector<64x512xi1>, vector<64x512xf32>
    %jit3A_415 = arith.constant 5 : i32
    %broadcast_in_dim3A_416 = vector.broadcast %jit3A_415 : i32 to vector<64x512xi32>
    %select_n3A_417 = arith.select %gt3A_413, %broadcast_in_dim3A_416, %select_n3A_406 : vector<64x512xi1>, vector<64x512xi32>
    %get3A_418 = arith.constant 0 : index
    %get3A_419 = arith.constant 6 : index
    %get3A_420 = arith.constant 0 : index
    %get3A_421 = arith.constant 0 : index
    %get3A_422 = vector.load %arg4[%get3A_418, %get3A_419, %get3A_420, %get3A_421] : memref<1x10x64x512xf32, #tpu.memory_space<vmem>>, vector<1x1x64x512xf32>
    %get3A_423 = vector.shape_cast %get3A_422 : vector<1x1x64x512xf32> to vector<64x512xf32>
    %gt3A_424 = arith.cmpf ogt, %get3A_423, %select_n3A_414 : vector<64x512xf32>
    %select_n3A_425 = arith.select %gt3A_424, %get3A_423, %select_n3A_414 : vector<64x512xi1>, vector<64x512xf32>
    %jit3A_426 = arith.constant 6 : i32
    %broadcast_in_dim3A_427 = vector.broadcast %jit3A_426 : i32 to vector<64x512xi32>
    %select_n3A_428 = arith.select %gt3A_424, %broadcast_in_dim3A_427, %select_n3A_417 : vector<64x512xi1>, vector<64x512xi32>
    %get3A_429 = arith.constant 0 : index
    %get3A_430 = arith.constant 7 : index
    %get3A_431 = arith.constant 0 : index
    %get3A_432 = arith.constant 0 : index
    %get3A_433 = vector.load %arg4[%get3A_429, %get3A_430, %get3A_431, %get3A_432] : memref<1x10x64x512xf32, #tpu.memory_space<vmem>>, vector<1x1x64x512xf32>
    %get3A_434 = vector.shape_cast %get3A_433 : vector<1x1x64x512xf32> to vector<64x512xf32>
    %gt3A_435 = arith.cmpf ogt, %get3A_434, %select_n3A_425 : vector<64x512xf32>
    %select_n3A_436 = arith.select %gt3A_435, %get3A_434, %select_n3A_425 : vector<64x512xi1>, vector<64x512xf32>
    %jit3A_437 = arith.constant 7 : i32
    %broadcast_in_dim3A_438 = vector.broadcast %jit3A_437 : i32 to vector<64x512xi32>
    %select_n3A_439 = arith.select %gt3A_435, %broadcast_in_dim3A_438, %select_n3A_428 : vector<64x512xi1>, vector<64x512xi32>
    %get3A_440 = arith.constant 0 : index
    %get3A_441 = arith.constant 8 : index
    %get3A_442 = arith.constant 0 : index
    %get3A_443 = arith.constant 0 : index
    %get3A_444 = vector.load %arg4[%get3A_440, %get3A_441, %get3A_442, %get3A_443] : memref<1x10x64x512xf32, #tpu.memory_space<vmem>>, vector<1x1x64x512xf32>
    %get3A_445 = vector.shape_cast %get3A_444 : vector<1x1x64x512xf32> to vector<64x512xf32>
    %gt3A_446 = arith.cmpf ogt, %get3A_445, %select_n3A_436 : vector<64x512xf32>
    %select_n3A_447 = arith.select %gt3A_446, %get3A_445, %select_n3A_436 : vector<64x512xi1>, vector<64x512xf32>
    %jit3A_448 = arith.constant 8 : i32
    %broadcast_in_dim3A_449 = vector.broadcast %jit3A_448 : i32 to vector<64x512xi32>
    %select_n3A_450 = arith.select %gt3A_446, %broadcast_in_dim3A_449, %select_n3A_439 : vector<64x512xi1>, vector<64x512xi32>
    %get3A_451 = arith.constant 0 : index
    %get3A_452 = arith.constant 9 : index
    %get3A_453 = arith.constant 0 : index
    %get3A_454 = arith.constant 0 : index
    %get3A_455 = vector.load %arg4[%get3A_451, %get3A_452, %get3A_453, %get3A_454] : memref<1x10x64x512xf32, #tpu.memory_space<vmem>>, vector<1x1x64x512xf32>
    %get3A_456 = vector.shape_cast %get3A_455 : vector<1x1x64x512xf32> to vector<64x512xf32>
    %gt3A_457 = arith.cmpf ogt, %get3A_456, %select_n3A_447 : vector<64x512xf32>
    %jit3A_458 = arith.constant 9 : i32
    %broadcast_in_dim3A_459 = vector.broadcast %jit3A_458 : i32 to vector<64x512xi32>
    %select_n3A_460 = arith.select %gt3A_457, %broadcast_in_dim3A_459, %select_n3A_450 : vector<64x512xi1>, vector<64x512xi32>
    %get3A_461 = arith.constant 0 : index
    %get3A_462 = arith.constant 0 : index
    %get3A_463 = memref.load %arg6[%get3A_461, %get3A_462] : memref<1x1xf32, #tpu.memory_space<smem>>
    %ne3A = arith.cmpi ne, %select_n3A_355, %select_n3A_460 : vector<64x512xi32>
    %convert_element_type3A_464 = arith.extui %ne3A : vector<64x512xi1> to vector<64x512xi32>
    %convert_element_type3A_465 = arith.sitofp %convert_element_type3A_464 : vector<64x512xi32> to vector<64x512xf32>
    %reduce_sum3A = vector.shape_cast %convert_element_type3A_465 : vector<64x512xf32> to vector<1x64x512xf32>
    %reduce_sum3A_466 = arith.constant dense<0.000000e+00> : vector<1xf32>
    %reduce_sum3A_467 = vector.multi_reduction <add>, %reduce_sum3A, %reduce_sum3A_466 [1, 2] : vector<1x64x512xf32> to vector<1xf32>
    %reduce_sum3A_468 = vector.shape_cast %reduce_sum3A_467 : vector<1xf32> to vector<1x1x1xf32>
    %reduce_sum3A_469 = vector.extract %reduce_sum3A_468[0, 0, 0] : f32 from vector<1x1x1xf32>
    %add3A = arith.addf %get3A_463, %reduce_sum3A_469 : f32
    %swap3A = arith.constant 0 : index
    %swap3A_470 = arith.constant 0 : index
    %swap3A_471 = memref.load %arg6[%swap3A, %swap3A_470] : memref<1x1xf32, #tpu.memory_space<smem>>
    memref.store %add3A, %arg6[%swap3A, %swap3A_470] : memref<1x1xf32, #tpu.memory_space<smem>>
    %eq3A_472 = arith.constant 3 : i32
    %eq3A_473 = arith.cmpi eq, %arg0, %eq3A_472 : i32
    %eq3A_474 = arith.constant 5 : i32
    %eq3A_475 = arith.cmpi eq, %arg1, %eq3A_474 : i32
    %and3A_476 = arith.andi %eq3A_473, %eq3A_475 : i1
    %convert_element_type3A_477 = arith.extui %and3A_476 : i1 to i32
    %cond3A_478 = arith.constant 0 : i32
    %cond3A_479 = arith.cmpi ne, %convert_element_type3A_477, %cond3A_478 : i32
    scf.if %cond3A_479 {
      %get3A_480 = arith.constant 0 : index
      %get3A_481 = arith.constant 0 : index
      %get3A_482 = memref.load %arg6[%get3A_480, %get3A_481] : memref<1x1xf32, #tpu.memory_space<smem>>
      %get3A_483 = arith.constant 0 : index
      %get3A_484 = memref.load %arg3[%get3A_483] : memref<1xf32, #tpu.memory_space<smem>>
      %mul3A = arith.mulf %get3A_482, %get3A_484 : f32
      %mul3A_485 = arith.constant 9.53674316E-7 : f32
      %mul3A_486 = arith.mulf %mul3A, %mul3A_485 : f32
      %swap3A_487 = arith.constant 0 : index
      %swap3A_488 = arith.constant 0 : index
      %swap3A_489 = memref.load %arg6[%swap3A_487, %swap3A_488] : memref<1x1xf32, #tpu.memory_space<smem>>
      memref.store %mul3A_486, %arg6[%swap3A_487, %swap3A_488] : memref<1x1xf32, #tpu.memory_space<smem>>
    } else {
    }
    return
  }
  func.func @transform_0(%arg0: i32, %arg1: i32) -> i32 {
    %c0_i32 = arith.constant 0 : i32
    %c0_i32_0 = arith.constant 0 : i32
    return %c0_i32 : i32
  }
  func.func @transform_1(%arg0: i32, %arg1: i32) -> i32 {
    %c0_i32 = arith.constant 0 : i32
    %c0_i32_0 = arith.constant 0 : i32
    return %c0_i32 : i32
  }
  func.func @transform_2(%arg0: i32, %arg1: i32) -> (i32, i32, i32, i32) {
    %add3A = arith.constant 2 : i32
    %add3A_0 = arith.addi %arg1, %add3A : i32
    %c0_i32 = arith.constant 0 : i32
    %c0_i32_1 = arith.constant 0 : i32
    %c0_i32_2 = arith.constant 0 : i32
    return %arg0, %c0_i32, %add3A_0, %c0_i32_1 : i32, i32, i32, i32
  }
  func.func @transform_3(%arg0: i32, %arg1: i32) -> (i32, i32, i32, i32) {
    %add3A = arith.constant 2 : i32
    %add3A_0 = arith.addi %arg1, %add3A : i32
    %c0_i32 = arith.constant 0 : i32
    %c0_i32_1 = arith.constant 0 : i32
    %c0_i32_2 = arith.constant 0 : i32
    return %arg0, %c0_i32, %add3A_0, %c0_i32_1 : i32, i32, i32, i32
  }
  func.func @transform_4(%arg0: i32, %arg1: i32) -> (i32, i32) {
    %c0_i32 = arith.constant 0 : i32
    %c0_i32_0 = arith.constant 0 : i32
    %c0_i32_1 = arith.constant 0 : i32
    return %c0_i32, %c0_i32_0 : i32, i32
  }
}

</mosaic_0001>

<sc_bundles>
// kernel: _loss.4.cloned.1.call-start
scs
__scs_entry_jumppad:
0x0: {  	(pc) =	sbr.rel $0x88, $3  }
0x1: {  	(tag) =	ssettag $0x0;
	lr =	simm.s32 $0x1  }
0x2: {  	[smem:$0x3F9D] =	sst lr;
	_ =	strace $0xD0000000  }
0x3: {  	_ = 	snop  }
0x4: {  	_ = 	snop  }
0x5: {  	_ = 	snop  }
0x6: {  	_ = 	snop  }
0x7: {  	_ = 	snop  }
__scs_overlays_trampoline_lowered:
0x8: {  	[smem:$0x3FAC] =	sst s0  }
0x9: {  	[smem:$0x3FAD] =	sst s1  }
0xa: {  	[smem:$0x3FAE] =	sst s2  }
0xb: {  	[smem:$0x3FAF] =	sst s3  }
0xc: {  	[smem:$0x3FB0] =	sst s4  }
0xd: {  	[smem:$0x3FB1] =	sst s5  }
0xe: {  	[smem:$0x3FB2] =	sst s6  }
0xf: {  	[smem:$0x3FB3] =	sst s7  }
0x10: {  	[smem:$0x3FB4] =	sst s8  }
0x11: {  	[smem:$0x3FB5] =	sst s9;
	s0 =	simm.s32 @!p0 $0x0  }
0x12: {  	s1 =	sld [smem:$0x3F9B];
	s0 =	simm.s32 @p0 $0x1  }
0x13: {  	[smem:$0x3FB6] =	sst s0;
	s0 =	simm.s32 @!p1 $0x0  }
0x14: {  	s2 =	sld [smem:$0x3F9A];
	s0 =	simm.s32 @p1 $0x1  }
0x15: {  	[smem:$0x3FB7] =	sst s0;
	s0 =	simm.s32 @!p2 $0x0  }
0x16: {  	s3 =	sld [smem:$0x3FDB];
	s0 =	simm.s32 @p2 $0x1  }
0x17: {  	s4 =	simm.s32 $0x1BF5;
	[smem:$0x3FB9] =	sst s0  }
0x18: {  	s0 =	sld [smem:$0x3F9C];
	_ =	swait.ge [sflag:s4], $0x0  }
0x19: {  	s7 =	sld [smem:$0x3F9D]  }
0x1a: {  	s8 =	sadd.s32 $0xFFFFE003, lr  }
0x1b: {  	s9 =	sadd.s32 $0xFFFFFEF7, lr;
	s5 =	simm.s32 $0xFFFFFFFF;
	p2 =	slt.u32 s8, $0xFFFFF086  }
0x1c: {  	p1 =	slt.u32 s9, $0xF7A;
	s5 =	simm.s32 @!p2 $0x0  }
0x1d: {  	s5 =	simm.s32 @p1 $0x1;
	p0 =	seq.s32 s7, s2  }
0x1e: {  	s7 =	smul.u32 @!p0 $0xF7A, s2;
	p2 =	seq.s32 @!p0 s5, $0x0  }
0x1f: {  	s9 =	smul.u32 $0xF7A, s1;
	s8 =	simm.s32 @!p0 $0x1BF5;
	p2 =	por !p2, p0  }
0x20: {  	[sflag:s8] =	ssyncset.s32 @!p0 $0xFFFFF086;
	s6 =	sadd.s32 @!p0 s3, s7;
	s7 =	simm.s32 @!p0 $0x108  }
0x21: {  	s3 =	sadd.s32 s3, s9;
	s6 =	sadd.s32 @!p0 $0x88, s6;
	s7 =	simm.s32 @p2 $0x1082  }
0x22: {  	[simem:s7], [sflag:s8] =	dma.local @!p0 [hbm:s6], $0xF7A  }
0x23: {  	s9 =	sor.u32 $0xD0000000, s2;
	s6 =	simm.s32 $0x108;
	_ =	swait.ge @!p0 [sflag:s8], $0x0  }
0x24: {  	s3 =	sadd.s32 $0x88, s3;
	s6 =	simm.s32 @!p1 $0x1082;
	[sflag:s4] =	ssyncset.s32 $0xFFFFF086  }
0x25: {  	[simem:s6], [sflag:s4] =	dma.local [hbm:s3], $0xF7A  }
0x26: {  	[smem:$0x3F9D] =	sst s1;
	(tag) =	ssettag s2;
	_ =	strace s9  }
0x27: {  	s1 =	sld [smem:$0x3FAD]  }
0x28: {  	s2 =	sld [smem:$0x3FAE]  }
0x29: {  	s4 =	sld [smem:$0x3FB0]  }
0x2a: {  	p0 =	seq.s32 s5, $0x0;
	s5 =	sld [smem:$0x3FB1]  }
0x2b: {  	s6 =	sld [smem:$0x3FB2]  }
0x2c: {  	s7 =	sld [smem:$0x3FB3]  }
0x2d: {  	s3 =	simm.s32 $0x108;
	s8 =	sld [smem:$0x3FB4]  }
0x2e: {  	s3 =	simm.s32 @!p0 $0x1082;
	s9 =	sld [smem:$0x3FB5]  }
0x2f: {  	lr =	sadd.s32 s0, s3;
	s0 =	sld [smem:$0x3FAC]  }
0x30: {  	s3 =	sld [smem:$0x3FAF]  }
0x31: {  	[smem:$0x3FB8] =	sst s10  }
0x32: {  	s10 =	sld [smem:$0x3FB6];
	_ =	sdelay $0x3  }
0x33: {  	p0 =	seq.s32 s10, $0x1;
	s10 =	sld [smem:$0x3FB8];
	_ =	sdelay $0x3  }
0x34: {  	[smem:$0x3FB8] =	sst s10  }
0x35: {  	s10 =	sld [smem:$0x3FB7];
	_ =	sdelay $0x3  }
0x36: {  	p1 =	seq.s32 s10, $0x1;
	s10 =	sld [smem:$0x3FB8];
	_ =	sdelay $0x3  }
0x37: {  	[smem:$0x3FB8] =	sst s10  }
0x38: {  	s10 =	sld [smem:$0x3FB9]  }
0x39: {  	_ = 	snop;
	(pc) =	sbr.ind lr, $3  }
0x3a: {  	_ = 	snop  }
0x3b: {  	_ = 	snop  }
0x3c: {  	p2 =	seq.s32 s10, $0x1;
	s10 =	sld [smem:$0x3FB8]  }
0x3d: {  	_ =	shalt  }
0x3e: {  	_ =	shalt  }
0x3f: {  	_ =	shalt  }
0x40: {  	_ =	shalt  }
0x41: {  	_ =	shalt  }
0x42: {  	_ =	shalt  }
0x43: {  	_ =	shalt  }
0x44: {  	_ =	shalt  }
0x45: {  	_ =	shalt  }
0x46: {  	_ =	shalt  }
0x47: {  	_ =	shalt  }
0x48: {  	_ =	shalt  }
0x49: {  	_ =	shalt  }
0x4a: {  	_ =	shalt  }
0x4b: {  	_ =	shalt  }
0x4c: {  	_ =	shalt  }
0x4d: {  	_ =	shalt  }
0x4e: {  	_ =	shalt  }
0x4f: {  	_ =	shalt  }
0x50: {  	_ =	shalt  }
0x51: {  	_ =	shalt  }
0x52: {  	_ =	shalt  }
0x53: {  	_ =	shalt  }
0x54: {  	_ =	shalt  }
0x55: {  	_ =	shalt  }
0x56: {  	_ =	shalt  }
0x57: {  	_ =	shalt  }
0x58: {  	_ =	shalt  }
0x59: {  	_ =	shalt  }
0x5a: {  	_ =	shalt  }
0x5b: {  	_ =	shalt  }
0x5c: {  	_ =	shalt  }
0x5d: {  	_ =	shalt  }
0x5e: {  	_ =	shalt  }
0x5f: {  	_ =	shalt  }
0x60: {  	_ =	shalt  }
0x61: {  	_ =	shalt  }
0x62: {  	_ =	shalt  }
0x63: {  	_ =	shalt  }
0x64: {  	_ =	shalt  }
0x65: {  	_ =	shalt  }
0x66: {  	_ =	shalt  }
0x67: {  	_ =	shalt  }
0x68: {  	_ =	shalt  }
0x69: {  	_ =	shalt  }
0x6a: {  	_ =	shalt  }
0x6b: {  	_ =	shalt  }
0x6c: {  	_ =	shalt  }
0x6d: {  	_ =	shalt  }
0x6e: {  	_ =	shalt  }
0x6f: {  	_ =	shalt  }
0x70: {  	_ =	shalt  }
0x71: {  	_ =	shalt  }
0x72: {  	_ =	shalt  }
0x73: {  	_ =	shalt  }
0x74: {  	_ =	shalt  }
0x75: {  	_ =	shalt  }
0x76: {  	_ =	shalt  }
0x77: {  	_ =	shalt  }
0x78: {  	_ =	shalt  }
0x79: {  	_ =	shalt  }
0x7a: {  	_ =	shalt  }
0x7b: {  	_ =	shalt  }
0x7c: {  	_ =	shalt  }
0x7d: {  	_ =	shalt  }
0x7e: {  	_ =	shalt  }
0x7f: {  	_ =	shalt  }
0x80: {  	_ =	shalt  }
0x81: {  	_ =	shalt  }
0x82: {  	_ =	shalt  }
0x83: {  	_ =	shalt  }
0x84: {  	_ =	shalt  }
0x85: {  	_ =	shalt  }
0x86: {  	_ =	shalt  }
0x87: {  	_ =	shalt  }
.Lfunc_end0:
.L_simem_size_0:
called_computation_lowered:
.L_overlay_start_0:
0x88: {  	s2 =	sld [smem:$0x3FD9]  }
0x89: {  	s3 =	sld [smem:$0x3FFE];
	_ =	sdelay $0x1  }
0x8a: {  	s1 =	srdreg.scid  }
0x8b: {  	s0 =	sand.u32 $0x1, s1  }
0x8c: {  	s16 =	sshll.u32 s0, $0xA;
	s2 =	sadd.s32 s3, s2  }
0x8d: {  	s2 =	sadd.s32 s2, s16  }
0x8e: {  	[smem:$0x3FC4] =	sst s2  }
0x8f: {  	_ = 	snop  }
0x90: {  	(tm) =	ssettm $0x1  }
0x91: {  	s17 =	sld [smem:$0x3FFB];
	_ =	sdelay $0x3  }
0x92: {  	_ =	strace s17  }
0x93: {  	s2 =	sld [smem:$0x3FFC];
	_ =	sdelay $0x3  }
0x94: {  	_ =	strace s2  }
0x95: {  	s2 =	sld [smem:$0x3FFD];
	_ =	sdelay $0x3  }
0x96: {  	_ =	strace s2  }
0x97: {  	_ =	strace $0x8FFFFFFF  }
0x98: {  	s18 =	sld [smem:$0x3FDB];
	_ =	sdelay $0x1  }
0x99: {  	s19 =	simm.s32 $_scs_section_size  }
0x9a: {  	s4 =	simm.s32 $_size__tile_overlayer_lowered;
	s5 =	simm.s32 $_tile_overlayer_lowered  }
0x9b: {  	s22 =	simm.s32 $0x1BFF;
	s21 =	sshll.u32 s5, $0x1;
	s2 =	sadd.s32 s19, s18  }
0x9c: {  	s6 =	simm.s32 $0x0;
	s20 =	sshll.u32 s4, $0x1;
	s4 =	sadd.s32 s21, s2  }
0x9d: {  	[timem:s6], [sflag:s22] =	dma.local [hbm:s4], s20  }
0x9e: {  	_ =	swait.ge [sflag:s22], s20  }
0x9f: {  	s3 =	ssub.s32 $0x0, s20;
	[sflag:s22] =	ssyncset.done $0x0  }
0xa0: {  	[sflag:s22] =	ssyncadd.s32 s3;
	_ =	sdelay $0x1  }
0xa1: {  	s23 =	simm.s32 $0x1B8B  }
0xa2: {  	_ =	swait.ge [sflag:s23], $0x1  }
0xa3: {  	[sflag:s23] =	ssyncset.done $0x0  }
0xa4: {  	s25 =	simm.s32 $0x1B8E;
	s24 =	sld [smem:$0x3FFE];
	[sflag:s23] =	ssyncadd.s32 $0xFFFFFFFF  }
0xa5: {  	s26 =	simm.s32 $execute0_lowered;
	[smem:$0x3FD2] =	sst s25  }
0xa6: {  	s4 =	sshll.u32 s26, $0x1;
	_ =	strace $0x80000046;
	[dreg:$0x1] =	wrdreg $0xFFFFFFFF  }
0xa7: {  	s28 =	simm.s32 $_size_execute0_lowered;
	s2 =	sadd.s32 s2, s4;
	[dreg:$0x0] =	wrdreg $0x0  }
0xa8: {  	s4 =	sshll.u32 s28, $0x1;
	[dreg:$0x2] =	wrdreg s2  }
0xa9: {  	[dreg:$0x3] =	wrdreg s4  }
0xaa: {  	[dreg:$0x4] =	wrdreg $0xC0  }
0xab: {  	_ =	task [dreg:s6], $0x5FFFF  }
0xac: {  	[dreg:$0x1] =	wrdreg $0xFFFFFFFF  }
0xad: {  	[dreg:$0x0] =	wrdreg $0x60  }
0xae: {  	[dreg:$0x2] =	wrdreg s24  }
0xaf: {  	[dreg:$0x3] =	wrdreg $0x9  }
0xb0: {  	_ =	task.clear_ibuf [dreg:s6], $0x4FFFF;
	_ =	strace $0x90000046  }
0xb1: {  	s29 =	simm.s32 $0x9;
	_ =	strace $0x80000048  }
0xb2: {  	_ =	swait.ge [sflag:s29], $0x1  }
0xb3: {  	[sflag:s29] =	ssyncadd.s32 $0xFFFFFFFF  }
0xb4: {  	_ =	strace $0x90000048  }
0xb5: {  	_ =	sfence  }
0xb6: {  	s30 =	sld [smem:$0x0];
	_ =	sdelay $0x2  }
0xb7: {  	s31 =	sshll.u32 s1, $0xD;
	s1 =	sshrl.u32 s1, $0x2  }
0xb8: {  	s3 =	sand.u32 $0x4000, s31;
	s1 =	sadd.s32 s1, s30  }
0xb9: {  	s0 =	sor.u32 s3, s0;
	s1 =	sshll.u32 s1, $0x11  }
0xba: {  	s0 =	sor.u32 s1, s0  }
0xbb: {  	s0 =	sadd.s32 $0x8F2B, s0  }
0xbc: {  	[sflag:s0] =	ssyncadd.remote.s32 $0x1  }
0xbd: {  	_ =	sfence.sel $0xFFFF  }
0xbe: {  	[dreg:$0x0] =	wrdreg $0xFFFFFFFF;
	(pc) =	sbr.abs _section_cstart, $3  }
0xbf: {  	[dreg:$0x1] =	wrdreg $0xFFFFFFFF  }
0xc0: {  	_ =	task.clear_ibuf [dreg:s6], $0x2FFFF;
	_ =	strace $0x9FFFFFFF  }
0xc1: {  	(tm) =	ssettm $0x7FFFFFFF  }
tec
execute0_lowered:
.L_overlay_start_1:
0x0: {  	(tag) =	ssettag $0x1  }
0x1: {  	s0 =	rddreg [dreg:$0x0]  }
0x2: {  	s1 =	simm.s32 $0x0;
	s2 =	srdreg.scid;
	s5 =	stileid.u32  }
0x3: {  	s16 =	simm.s32 $0x2000;
	s17 =	simm.s32 $0x200000;
	s21 =	simm.s32 $0x1  }
0x4: {  	s22 =	simm.s32 $0x2;
	[smem:$0x7FF] =	sst s1;
	s3 =	sadd.s32 $0x200, s0  }
0x5: {  	s4 =	sadd.s32 $0x200200, s0;
	s2 =	sand.u32 $0x1, s2;
	s5 =	sshll.u32 s5, $0x1  }
0x6: {  	s6 =	sadd.s32 $0x600200, s0;
	_ =	strace $0x80000047;
	s5 =	sor.u32 s2, s5  }
0x7: {  	[dreg:$0x2] =	wrdreg s6;
	s2 =	ssub.s32 $0x2, s2;
	s8 =	sshll.u32 s5, $0xB  }
0x8: {  	s25 =	sshll.u32 s5, $0x4;
	s7 =	sshrl.u32 s2, $0x1;
	s26 =	sadd.s32 s4, s8  }
0x9: {  	s9 =	sshll.u32 s5, $0xE;
	s28 =	sadd.s32 s3, s8;
	[dreg:$0x3] =	wrdreg s26  }
.Ltmp0:
0xa: {  	s29 =	sor.u32 $0x400, s8;
	[dreg:$0x4] =	wrdreg s28;
	(pc) =	sbr.rel .LBB2_1-.Ltmp0, $4  }
0xb: {  	s0 =	sadd.s32 s25, s0;
	[dreg:$0x5] =	wrdreg s29;
	s30 =	sadd.s32 s4, s29  }
0xc: {  	s2 =	ssub.s32 s2, s7;
	s0 =	sadd.s32 $0x600400, s0;
	[dreg:$0x6] =	wrdreg s30  }
0xd: {  	s5 =	simm.s32 $0x3;
	s31 =	smax.u32 s2, $0x1;
	[dreg:$0x7] =	wrdreg s0  }
0xe: {  	v0 =	vimm.s32 $0x0;
	v63 =	vimm.s32 $0x6;
	s11 =	sor.u32 $0x2000, s9;
	s2 =	simm.s32 $0x0;
	[dreg:$0x8] =	wrdreg s31  }
.LBB2_8:
0xf: {  	v0 =	vld [tilespmem:$0x18000];
	_ =	sdelay $0x4  }
0x10: {  	v0 =	vmul.f32 v0, v2;
	_ =	sdelay $0x1  }
0x11: {  	v0 =	vmul.f32 $9.536743160e-07, v0  }
0x12: {  	s1 =	simm.s32 $0x0  }
0x13: {  	s0 =	rddreg [dreg:$0x7];
	s2 =	simm.s32 $0x18080;
	s5 =	simm.s32 $0x3;
	[tilespmem:$0x18080] =	vst v0  }
0x14: {  	[hbm4b:s0+s1] =	stream.linear.scatter [tilespmem:s2], [sflag:$0x3], $0x80, $0x38;
	[tilespmem:$0x18100] =	vst v63  }
0x15: {  	_ =	swait.ge [sflag:s5], $0x80  }
0x16: {  	s30 =	rddreg [dreg:$0x9]  }
0x17: {  	s31 =	rddreg [dreg:$0x8];
	s2 =	sadd.s32 $0x1, s30  }
0x18: {  	p0 =	sne.s32 s2, s31  }
.Ltmp1:
0x19: {  	_ = 	snop;
	(pc) =	sbr.rel @!p0 .LBB2_9-.Ltmp1, $3  }
0x1a: {  	_ =	sdelay $0x1  }
0x1b: {  	[sflag:s5] =	ssyncset.done $0x0  }
0x1c: {  	v0 =	vimm.s32 $0x0;
	[sflag:s5] =	ssyncadd.s32 $0xFFFFFF80  }
.LBB2_1:
0x1d: {  	[dreg:$0x9] =	wrdreg s2  }
0x1e: {  	s0 =	rddreg [dreg:$0x2];
	s25 =	simm.s32 $0x18000  }
0x1f: {  	[tilespmem:s25], [sflag:$0x3] =	stream.linear.gather [hbm4b:s0+s1], $0x80, $0x38;
	[tilespmem:$0x18100] =	vst v63  }
0x20: {  	_ =	swait.ge [sflag:s5], $0x80  }
0x21: {  	[sflag:s5] =	ssyncset.done $0x0;
	s26 =	rddreg [dreg:$0x3]  }
0x22: {  	s28 =	rddreg [dreg:$0x4];
	[sflag:s5] =	ssyncadd.s32 $0xFFFFFF80  }
0x23: {  	[tilespmem:s1], [sflag:$0x1] =	stream.strided.gather [hbm4b:s26+s16], $0x8000, s17, s16, $0x38;
	[tilespmem:$0x18100] =	vst v63  }
0x24: {  	s29 =	simm.s32 $0x10000;
	s30 =	rddreg [dreg:$0x6]  }
0x25: {  	[tilespmem:s29], [sflag:$0x1] =	stream.strided.gather [hbm4b:s28+s16], $0x4000, s17, s16, $0x38;
	[tilespmem:$0x18100] =	vst v63  }
0x26: {  	s31 =	simm.s32 $0x8000;
	s25 =	simm.s32 $0x0;
	s0 =	rddreg [dreg:$0x5]  }
0x27: {  	v2 =	vimm.f32 $0.0e+00;
	[tilespmem:s31], [sflag:$0x2] =	stream.strided.gather [hbm4b:s30+s16], $0x8000, s17, s16, $0x38;
	[tilespmem:$0x18100] =	vst v63  }
.LBB2_2:
0x28: {  	[tilespmem:$0x1FFB0] =	vst v2;
	s0 =	sadd.s32 s3, s0;
	s1 =	simm.s32 $0x14000  }
0x29: {  	[tilespmem:s1], [sflag:$0x2] =	stream.strided.gather [hbm4b:s0+s16], $0x4000, s17, s16, $0x38;
	[tilespmem:$0x18100] =	vst v63  }
0x2a: {  	_ =	swait.ge [sflag:s21], $0x8000  }
0x2b: {  	[sflag:s21] =	ssyncset.done $0x0  }
0x2c: {  	s26 =	simm.s32 $0x0;
	[sflag:s21] =	ssyncadd.s32 $0xFFFF8000  }
0x2d: {  	s2 =	sand.u32 $0x60, s26;
	_ =	swait.ge [sflag:s21], $0x4000  }
0x2e: {  	s30 =	sand.u32 $0x1C00, s26;
	s29 =	sor.u32 $0x10, s2;
	[sflag:s21] =	ssyncset.done $0x0  }
0x2f: {  	s28 =	sor.u32 s30, s29;
	[sflag:s21] =	ssyncadd.s32 $0xFFFFC000  }
0x30: {  	v7 =	vld [tilespmem:s28+$0x12000]  }
0x31: {  	s0 =	sor.u32 s2, s30;
	v11 =	vld [tilespmem:s28+$0x12080]  }
0x32: {  	v10 =	vld [tilespmem:s0+$0x12000]  }
0x33: {  	v17 =	vld [tilespmem:s0+$0x12080]  }
0x34: {  	v18 =	vld [tilespmem:s28+$0x10000]  }
0x35: {  	v19 =	vld [tilespmem:s28+$0x10080]  }
0x36: {  	v20 =	vld [tilespmem:s28+$0x10100]  }
0x37: {  	v21 =	vld [tilespmem:s28+$0x10180]  }
0x38: {  	v22 =	vld [tilespmem:s28+$0x10200]  }
0x39: {  	v23 =	vld [tilespmem:s28+$0x10280]  }
0x3a: {  	v24 =	vld [tilespmem:s0+$0x10000]  }
0x3b: {  	v25 =	vld [tilespmem:s0+$0x10080]  }
0x3c: {  	v15 =	vld [tilespmem:s0+$0x10100]  }
0x3d: {  	v26 =	vld [tilespmem:s0+$0x10180]  }
0x3e: {  	v16 =	vld [tilespmem:s0+$0x10200]  }
0x3f: {  	v27 =	vld [tilespmem:s0+$0x10280]  }
0x40: {  	v28 =	vld [tilespmem:s28+$0x100]  }
0x41: {  	v29 =	vld [tilespmem:s28+$0x280]  }
0x42: {  	v8 =	vld [tilespmem:s0+$0x100]  }
0x43: {  	v9 =	vld [tilespmem:s0+$0x280]  }
0x44: {  	v30 =	vld [tilespmem:s28+$0x0]  }
0x45: {  	v31 =	vld [tilespmem:s28+$0x80]  }
0x46: {  	v32 =	vld [tilespmem:s28+$0x180]  }
0x47: {  	v33 =	vld [tilespmem:s28+$0x200]  }
0x48: {  	v34 =	vld [tilespmem:s28+$0x2080]  }
0x49: {  	v35 =	vld [tilespmem:s0+$0x0]  }
0x4a: {  	v36 =	vld [tilespmem:s0+$0x80]  }
0x4b: {  	s5 =	sor.u32 s26, s26;
	v37 =	vld [tilespmem:s0+$0x180]  }
0x4c: {  	s14 =	sor.u32 $0x380, s5;
	v38 =	vld [tilespmem:s0+$0x200]  }
0x4d: {  	s12 =	sor.u32 $0x6100, s30;
	v12 =	vld [tilespmem:s14+$0x0]  }
0x4e: {  	s6 =	sor.u32 $0x6280, s30;
	s7 =	sor.u32 s29, s12;
	v39 =	vld [tilespmem:s0+$0x2080]  }
0x4f: {  	s18 =	sor.u32 $0x6000, s30;
	s13 =	sor.u32 s29, s6;
	v3 =	vld [tilespmem:s7+$0x0]  }
0x50: {  	s23 =	sor.u32 $0x6080, s30;
	s31 =	sor.u32 s29, s18;
	v13 =	vld [tilespmem:s13+$0x0]  }
0x51: {  	s15 =	sor.u32 $0x6180, s30;
	s19 =	sor.u32 s29, s23;
	v40 =	vld [tilespmem:s31+$0x0]  }
0x52: {  	s10 =	sor.u32 $0x6200, s30;
	s20 =	sor.u32 s29, s15;
	v41 =	vld [tilespmem:s19+$0x0]  }
0x53: {  	s24 =	sor.u32 s29, s10;
	v42 =	vld [tilespmem:s20+$0x0]  }
0x54: {  	s5 =	sor.u32 s2, s12;
	v43 =	vld [tilespmem:s24+$0x0]  }
0x55: {  	s1 =	sor.u32 s2, s18;
	v44 =	vld [tilespmem:s5+$0x0]  }
0x56: {  	s8 =	sor.u32 s2, s15;
	v46 =	vld [tilespmem:s1+$0x0]  }
0x57: {  	s10 =	sor.u32 s2, s10;
	v48 =	vld [tilespmem:s8+$0x0]  }
0x58: {  	s31 =	sor.u32 s2, s6;
	v49 =	vld [tilespmem:s10+$0x0]  }
0x59: {  	s18 =	sor.u32 $0x2100, s30;
	s6 =	sor.u32 s2, s23;
	v45 =	vld [tilespmem:s31+$0x0]  }
0x5a: {  	s19 =	sor.u32 s29, s18;
	v47 =	vld [tilespmem:s6+$0x0]  }
0x5b: {  	s7 =	sor.u32 $0x2180, s30;
	s18 =	sor.u32 s2, s18;
	v53 =	vld [tilespmem:s19+$0x0]  }
0x5c: {  	s5 =	sor.u32 $0x4080, s30;
	s12 =	sor.u32 s29, s7;
	v62 =	vld [tilespmem:s18+$0x0]  }
0x5d: {  	s10 =	sor.u32 $0x2200, s30;
	s15 =	sor.u32 s29, s5;
	v50 =	vld [tilespmem:s12+$0x0]  }
0x5e: {  	s8 =	sor.u32 $0x4100, s30;
	s20 =	sor.u32 s29, s10;
	v52 =	vld [tilespmem:s15+$0x0]  }
0x5f: {  	s6 =	sor.u32 $0x2300, s30;
	s19 =	sor.u32 s29, s8;
	v54 =	vld [tilespmem:s20+$0x0]  }
0x60: {  	s31 =	sor.u32 $0x2280, s30;
	s13 =	sor.u32 s29, s6;
	v58 =	vld [tilespmem:s19+$0x0]  }
0x61: {  	s12 =	sor.u32 $0x2380, s30;
	s24 =	sor.u32 s29, s31;
	v51 =	vld [tilespmem:s13+$0x0]  }
0x62: {  	s13 =	sor.u32 $0x4000, s30;
	v55 =	vld [tilespmem:s24+$0x0];
	s1 =	sor.u32 s29, s12  }
0x63: {  	v56 =	vld [tilespmem:s1+$0x0];
	s15 =	sor.u32 s29, s13  }
0x64: {  	s10 =	sor.u32 s2, s10;
	v57 =	vld [tilespmem:s15+$0x0]  }
0x65: {  	s31 =	sor.u32 s2, s31;
	s1 =	sor.u32 $0x4180, s30;
	v30 =	vmax.f32 v30, v31;
	v31 =	vld [tilespmem:s10+$0x0]  }
0x66: {  	s20 =	sor.u32 s29, s1;
	v32 =	vmax.f32 v32, v33;
	v33 =	vld [tilespmem:s31+$0x0]  }
0x67: {  	s12 =	sor.u32 s2, s12;
	v35 =	vmax.f32 v35, v36;
	vm2 =	vgt.f32 v17, v10;
	vm1 =	vgt.f32 v11, v7;
	v59 =	vld [tilespmem:s20+$0x0]  }
0x68: {  	s13 =	sor.u32 s2, s13;
	v4 =	vmax.f32 v37, v38;
	v5 =	vmax.f32 v40, v41;
	v2 =	vsel vm2, v17, v10;
	v17 =	vld [tilespmem:s12+$0x0]  }
0x69: {  	s8 =	sor.u32 s2, s8;
	vm5 =	vgt.f32 v19, v18;
	vm4 =	vgt.f32 v21, v20;
	v42 =	vmax.f32 v42, v43;
	v10 =	vld [tilespmem:s13+$0x0]  }
0x6a: {  	s1 =	sor.u32 s2, s1;
	vm0 =	vgt.f32 v23, v22;
	vm7 =	vgt.f32 v25, v24;
	v1 =	vsel vm1, v11, v7;
	v11 =	vld [tilespmem:s8+$0x0]  }
0x6b: {  	s15 =	sor.u32 $0x4280, s30;
	vm6 =	vgt.f32 v26, v15;
	v18 =	vsel vm5, v19, v18;
	v19 =	vsel vm4, v21, v20;
	v20 =	vld [tilespmem:s1+$0x0]  }
0x6c: {  	s24 =	sor.u32 $0x4300, s30;
	vm3 =	vgt.f32 v27, v16;
	s19 =	sor.u32 s29, s15;
	v7 =	vmax.f32 v48, v49;
	v48 =	vmax.f32 v35, v8;
	v8 =	vld [tilespmem:s14+$0x10000]  }
0x6d: {  	s20 =	sor.u32 s29, s24;
	v6 =	vmax.f32 v46, v47;
	v46 =	vsel vm7, v25, v24;
	v47 =	vsel vm6, v26, v15;
	v60 =	vld [tilespmem:s19+$0x0]  }
0x6e: {  	s18 =	sor.u32 s2, s15;
	v15 =	vsel vm3, v27, v16;
	v16 =	vmax.f32 v30, v28;
	v28 =	vmax.f32 v32, v29;
	v61 =	vld [tilespmem:s20+$0x0]  }
0x6f: {  	v26 =	vmax.f32 v34, v53;
	v49 =	vmax.f32 v4, v9;
	v39 =	vmax.f32 v39, v62;
	s15 =	sor.u32 s2, s5;
	v21 =	vld [tilespmem:s18+$0x0]  }
0x70: {  	v25 =	vmax.f32 v5, v3;
	v3 =	vimm.s32 $0x8;
	v9 =	vsel vm7, $0x1, v0;
	s19 =	sor.u32 $0x4200, s30;
	s20 =	sor.u32 s2, s24;
	v62 =	vld [tilespmem:s15+$0x0]  }
0x71: {  	[tilespmem:$0x1FFC0] =	vst v1;
	v1 =	vsel vm0, v23, v22;
	v24 =	vmax.f32 v7, v45;
	v7 =	vsel vm5, $0x1, v0;
	s24 =	sor.u32 s29, s19;
	v22 =	vld [tilespmem:s20+$0x0]  }
0x72: {  	s23 =	sor.u32 $0x4380, s30;
	[tilespmem:$0x1FFD0] =	vst v1;
	v27 =	vmax.f32 v54, v55;
	s19 =	sor.u32 s2, s19;
	v1 =	vsel vm2, $0x9, v3;
	vm2 =	vgt.f32 v47, v46;
	v23 =	vld [tilespmem:s24+$0x0]  }
0x73: {  	s31 =	sor.u32 s29, s23;
	s13 =	sand.u32 $0x3, s26;
	v4 =	vld [tilespmem:s19+$0x0];
	[tilespmem:$0x1FFE0] =	vst v1;
	v27 =	vmax.f32 v27, v51;
	v1 =	vsel vm1, $0x9, v3;
	vm1 =	vgt.f32 v19, v18  }
0x74: {  	s18 =	sshll.u32 s13, $0x5;
	s20 =	sor.u32 s2, s23;
	v51 =	vsel vm2, v47, v46;
	v29 =	vmax.f32 v56, v57;
	v57 =	vld [tilespmem:s31+$0x0];
	v33 =	vmax.f32 v31, v33  }
0x75: {  	s7 =	sor.u32 s2, s7;
	s5 =	sadd.s32 $0x0, s18;
	v31 =	vmax.f32 v42, v13;
	v13 =	vmax.f32 v26, v50;
	v26 =	vld [tilespmem:s20+$0x0];
	[tilespmem:$0x1FFF0] =	vst v1;
	v1 =	vimm.s32 $0x2  }
0x76: {  	s23 =	sor.u32 $0x300, s5;
	v30 =	vmax.f32 v58, v59;
	v59 =	vld [tilespmem:s7+$0x0];
	v17 =	vmax.f32 v17, v10;
	v20 =	vmax.f32 v11, v20  }
0x77: {  	v32 =	vmax.f32 v29, v52;
	v29 =	vld [tilespmem:s23+$0x0];
	v10 =	vsel vm4, $0x3, v1;
	v60 =	vmax.f32 v60, v61  }
0x78: {  	s12 =	sor.u32 s2, s6;
	v11 =	vld [tilespmem:s0+$0x2000];
	v36 =	vmax.f32 v17, v62;
	v52 =	vsel vm1, v10, v7;
	v21 =	vmax.f32 v21, v22  }
0x79: {  	s24 =	sadd.s32 $0x10, s5;
	v61 =	vld [tilespmem:s12+$0x0];
	v22 =	vmax.f32 v6, v44;
	v30 =	vmax.f32 v30, v23;
	v35 =	vmax.f32 v20, v4  }
0x7a: {  	s31 =	sor.u32 $0x300, s24;
	v17 =	vld [tilespmem:s23+$0x10000];
	v20 =	vsel vm6, $0x3, v1;
	v1 =	vimm.s32 $0x4;
	vm6 =	vgt.f32 v31, v25  }
0x7b: {  	v56 =	vld [tilespmem:s31+$0x10000];
	v34 =	vmax.f32 v60, v57;
	v14 =	vsel vm3, $0x5, v1;
	vm3 =	vgt.f32 v24, v22  }
0x7c: {  	s1 =	sor.u32 $0x380, s24;
	v62 =	vld [tilespmem:s31+$0x0];
	v23 =	vmax.f32 v39, v59;
	v39 =	vmax.f32 v21, v26;
	v45 =	vmax.f32 v29, v12  }
0x7d: {  	v60 =	vld [tilespmem:s1+$0x10000];
	v12 =	vsel vm0, $0x5, v1;
	v26 =	vsel vm2, v20, v9;
	vm0 =	vgt.f32 v28, v16  }
0x7e: {  	v21 =	vsel vm1, v19, v18;
	vm1 =	vgt.f32 v49, v48;
	v19 =	vsel vm0, v28, v16;
	v16 =	vld [tilespmem:s1+$0x0]  }
0x7f: {  	v33 =	vmax.f32 v33, v61;
	vm2 =	vgt.f32 v8, v17;
	v29 =	vsel vm1, v49, v48  }
0x80: {  	v28 =	vsel vm1, $0x1, v0;
	v18 =	vsel vm0, $0x1, v0;
	vm1 =	vgt.f32 v34, v30  }
0x81: {  	vm5 =	vgt.f32 v39, v35;
	v53 =	vsel vm2, v8, v17;
	v17 =	vmax.f32 v45, v11  }
0x82: {  	v37 =	vsel vm2, $0x7, v63;
	vm2 =	vgt.f32 v32, v27;
	vm4 =	vgt.f32 v36, v33  }
0x83: {  	s30 =	simm.s32 $0x0;
	s29 =	simm.s32 $0x20;
	vm0 =	vgt.f32 v60, v56;
	v38 =	vmax.f32 v62, v16;
	v16 =	vsel vm6, $0x9, v3  }
.LBB2_3:
0x84: {  	s31 =	sand.u32 $0x60, s29;
	s26 =	sadd.s32 $0x100, s26  }
0x85: {  	s14 =	sand.u32 $0x1C00, s26;
	s2 =	sor.u32 $0x10, s31  }
0x86: {  	v41 =	vld [tilespmem:s28+$0x2000];
	s28 =	sor.u32 s14, s2  }
0x87: {  	v43 =	vsel vm3, v24, v22;
	v22 =	vld [tilespmem:s28+$0x12000]  }
0x88: {  	v0 =	vimm.s32 $0x8;
	s0 =	sor.u32 s31, s14;
	v24 =	vld [tilespmem:s28+$0x12080]  }
0x89: {  	v31 =	vsel vm6, v31, v25;
	v25 =	vsel vm1, $0x7, v63;
	v32 =	vsel vm2, v32, v27;
	v27 =	vld [tilespmem:s0+$0x12000]  }
0x8a: {  	v44 =	vsel vm0, $0x7, v63;
	v30 =	vsel vm1, v34, v30;
	v49 =	vsel vm0, v60, v56;
	v11 =	vld [tilespmem:s0+$0x12080]  }
0x8b: {  	vm0 =	vgt.f32 v23, v17;
	v40 =	vsel vm3, $0x9, v0;
	v0 =	vimm.s32 $0x4;
	v3 =	vld [tilespmem:s28+$0x10000]  }
0x8c: {  	vm1 =	vgt.f32 v30, v32;
	v17 =	vsel vm0, v23, v17;
	v42 =	vsel vm2, $0x5, v0;
	v23 =	vld [tilespmem:s28+$0x10080]  }
0x8d: {  	vm2 =	vgt.f32 v53, v15;
	v42 =	vsel vm1, v25, v42;
	v25 =	vld [tilespmem:s28+$0x10100]  }
0x8e: {  	v54 =	vsel vm2, v53, v15;
	v15 =	vld [tilespmem:s28+$0x10180]  }
0x8f: {  	v0 =	vimm.s32 $0x4;
	v30 =	vsel vm1, v30, v32;
	v32 =	vld [tilespmem:s28+$0x100]  }
0x90: {  	v45 =	vsel vm4, $0x5, v0;
	v0 =	vimm.s32 $0x2;
	v47 =	vld [tilespmem:s0+$0x200]  }
0x91: {  	s20 =	sor.u32 $0x6100, s14;
	vm1 =	vgt.f32 v17, v29;
	v50 =	vsel vm0, $0x3, v0;
	v0 =	vld [tilespmem:$0x1FFD0]  }
0x92: {  	s7 =	sor.u32 $0x6000, s14;
	s6 =	sor.u32 s2, s20;
	v17 =	vsel vm1, v17, v29;
	v29 =	vld [tilespmem:s0+$0x10200]  }
0x93: {  	s5 =	sor.u32 $0x6280, s14;
	s10 =	sor.u32 s2, s7;
	v34 =	vld [tilespmem:s6+$0x0]  }
0x94: {  	s19 =	sor.u32 s31, s5;
	v48 =	vld [tilespmem:s10+$0x0]  }
0x95: {  	v33 =	vsel vm4, v36, v33;
	v35 =	vsel vm5, v39, v35;
	v39 =	vld [tilespmem:s19+$0x0]  }
0x96: {  	v46 =	vsel vm5, $0x7, v63;
	vm0 =	vgt.f32 v35, v33;
	v36 =	vsel vm1, v50, v28;
	v28 =	vld [tilespmem:s0+$0x10000]  }
0x97: {  	v56 =	vsel vm0, v46, v45;
	v45 =	vld [tilespmem:s0+$0x80]  }
0x98: {  	s24 =	sor.u32 $0x6180, s14;
	s23 =	sor.u32 s2, s5;
	v46 =	vld [tilespmem:s0+$0x180]  }
0x99: {  	s15 =	sor.u32 s2, s24;
	v33 =	vsel vm0, v35, v33;
	v35 =	vld [tilespmem:s23+$0x0]  }
0x9a: {  	v37 =	vsel vm2, v37, v14;
	vm0 =	vgt.f32 v54, v51;
	v50 =	vld [tilespmem:s15+$0x0]  }
0x9b: {  	s12 =	sor.u32 $0x6200, s14;
	v59 =	vsel vm0, v37, v26;
	v26 =	vld [tilespmem:s28+$0x10280]  }
0x9c: {  	s8 =	sor.u32 $0x6080, s14;
	s18 =	sor.u32 s2, s12;
	v37 =	vld [tilespmem:s28+$0x2080]  }
0x9d: {  	s23 =	sor.u32 s31, s8;
	v60 =	vsel vm0, v54, v51;
	v51 =	vld [tilespmem:s18+$0x0]  }
0x9e: {  	s24 =	sor.u32 s31, s24;
	s6 =	sor.u32 $0x2300, s14;
	v53 =	vld [tilespmem:s23+$0x0]  }
0x9f: {  	v38 =	vmax.f32 v38, v41;
	s10 =	sor.u32 s2, s6;
	v54 =	vld [tilespmem:s24+$0x0]  }
0xa0: {  	vm3 =	vgt.f32 v13, v38;
	v41 =	vld [tilespmem:s10+$0x0]  }
0xa1: {  	v1 =	vimm.s32 $0x2;
	v58 =	vsel vm3, v13, v38;
	v13 =	vld [tilespmem:s28+$0x10200]  }
0xa2: {  	vm1 =	vgt.f32 v33, v17;
	v55 =	vsel vm3, $0x3, v1;
	v1 =	vld [tilespmem:$0x1FFF0]  }
0xa3: {  	v14 =	vsel vm1, v33, v17;
	v33 =	vld [tilespmem:s28+$0x280]  }
0xa4: {  	v7 =	vsel vm1, v56, v36;
	v36 =	vld [tilespmem:s0+$0x2080];
	vm0 =	vgt.f32 v58, v19  }
0xa5: {  	v61 =	vsel vm0, v55, v18;
	v18 =	vld [tilespmem:s0+$0x10080]  }
0xa6: {  	s5 =	sor.u32 s31, s12;
	v17 =	vsel vm0, v58, v19;
	v19 =	vld [tilespmem:s0+$0x10180]  }
0xa7: {  	vm2 =	vgt.f32 v49, v0;
	v55 =	vld [tilespmem:s5+$0x0]  }
0xa8: {  	s13 =	sor.u32 s2, s8;
	s18 =	sor.u32 $0x4380, s14;
	v57 =	vsel vm2, v49, v0;
	v0 =	vld [tilespmem:$0x1FFC0]  }
0xa9: {  	s23 =	sor.u32 $0x4200, s14;
	s15 =	sor.u32 s2, s18;
	v49 =	vld [tilespmem:s13+$0x0]  }
0xaa: {  	v12 =	vsel vm2, v44, v12;
	s13 =	sor.u32 s2, s23;
	v44 =	vld [tilespmem:s15+$0x0]  }
0xab: {  	vm1 =	vgt.f32 v43, v14;
	vm2 =	vgt.f32 v57, v21;
	v43 =	vld [tilespmem:s13+$0x0]  }
0xac: {  	v10 =	vsel vm2, v57, v21;
	v21 =	vld [tilespmem:s0+$0x10100]  }
0xad: {  	s1 =	sor.u32 s26, s29;
	v12 =	vsel vm2, v12, v52;
	vm2 =	vgt.f32 v30, v17;
	vm0 =	vgt.f32 v0, v10;
	v0 =	vld [tilespmem:$0x1FFE0]  }
0xae: {  	s1 =	sor.u32 $0x380, s1;
	v62 =	vsel vm2, v30, v17;
	v30 =	vld [tilespmem:s0+$0x10280]  }
0xaf: {  	s5 =	sor.u32 $0x4080, s14;
	v17 =	vld [tilespmem:s1+$0x10000]  }
0xb0: {  	s12 =	sor.u32 s2, s5;
	v8 =	vsel vm0, v1, v12;
	v1 =	vld [tilespmem:$0x1FFB0]  }
0xb1: {  	vm3 =	vgt.f32 v2, v60;
	v63 =	vsel vm2, v42, v61;
	v42 =	vld [tilespmem:s12+$0x0]  }
0xb2: {  	v7 =	vsel vm1, v40, v7;
	vm2 =	vgt.f32 v31, v62;
	v31 =	vld [tilespmem:s0+$0x280];
	v9 =	vsel vm3, v0, v59  }
0xb3: {  	v10 =	vld [tilespmem:s28+$0x200];
	v0 =	vimm.f32 $1.000000000e+00;
	vm1 =	veq.s32 v7, v9  }
0xb4: {  	v12 =	vld [tilespmem:s0+$0x0];
	v7 =	vsel vm2, v16, v63;
	v9 =	vsel vm1, $0x0, v0  }
0xb5: {  	v16 =	vld [tilespmem:s0+$0x100];
	vm0 =	veq.s32 v7, v8;
	v6 =	vadd.f32 v9, v1  }
0xb6: {  	v8 =	vld [tilespmem:s28+$0x80];
	v7 =	vsel vm0, $0x0, v0  }
0xb7: {  	v9 =	vld [tilespmem:s28+$0x180];
	v0 =	vadd.f32 v7, v6  }
0xb8: {  	v7 =	vld [tilespmem:s28+$0x0]  }
0xb9: {  	[tilespmem:$0x1FFB0] =	vst v0;
	v0 =	vld [tilespmem:s1+$0x0];
	s1 =	sor.u32 s31, s20  }
0xba: {  	s20 =	sor.u32 s31, s7;
	s7 =	sor.u32 $0x2180, s14;
	v38 =	vld [tilespmem:s1+$0x0]  }
0xbb: {  	s10 =	sor.u32 $0x2200, s14;
	v52 =	vld [tilespmem:s20+$0x0];
	s8 =	sor.u32 s2, s7  }
0xbc: {  	s1 =	sor.u32 $0x2280, s14;
	s20 =	sor.u32 s2, s10;
	v40 =	vld [tilespmem:s8+$0x0]  }
0xbd: {  	s15 =	sor.u32 $0x4000, s14;
	v57 =	vld [tilespmem:s20+$0x0];
	s24 =	sor.u32 s2, s1  }
0xbe: {  	s20 =	sor.u32 s2, s15;
	v58 =	vld [tilespmem:s24+$0x0]  }
0xbf: {  	s1 =	sor.u32 s31, s1;
	v60 =	vld [tilespmem:s20+$0x0]  }
0xc0: {  	vm7 =	vgt.f32 v24, v22;
	v46 =	vmax.f32 v46, v47;
	s8 =	sor.u32 $0x2100, s14;
	s15 =	sor.u32 s31, s15;
	v47 =	vld [tilespmem:s1+$0x0]  }
0xc1: {  	s13 =	sor.u32 $0x2380, s14;
	v20 =	vmax.f32 v9, v10;
	v9 =	vsel vm7, v24, v22;
	s19 =	sor.u32 s2, s8;
	v22 =	vld [tilespmem:s15+$0x0]  }
0xc2: {  	s24 =	sor.u32 $0x4100, s14;
	v56 =	vld [tilespmem:s19+$0x0];
	s19 =	sor.u32 s2, s13  }
0xc3: {  	vm6 =	vgt.f32 v11, v27;
	s12 =	sor.u32 s2, s24;
	v59 =	vld [tilespmem:s19+$0x0]  }
0xc4: {  	vm4 =	vgt.f32 v15, v25;
	v14 =	vimm.s32 $0x4;
	v10 =	vimm.s32 $0x8;
	s8 =	sor.u32 s31, s8;
	v61 =	vld [tilespmem:s12+$0x0]  }
0xc5: {  	v11 =	vsel vm6, v11, v27;
	vm5 =	vgt.f32 v26, v13;
	v4 =	vsel vm6, $0x9, v10;
	s13 =	sor.u32 s31, s13;
	[tilespmem:$0x1FFA0] =	vst v0;
	v0 =	vld [tilespmem:s8+$0x0]  }
0xc6: {  	v27 =	vmax.f32 v48, v49;
	vm3 =	vgt.f32 v23, v3;
	vm0 =	vgt.f32 v18, v28;
	[tilespmem:$0x1FFE0] =	vst v4;
	v4 =	vld [tilespmem:s13+$0x0];
	s13 =	sor.u32 s31, s7  }
0xc7: {  	s15 =	sor.u32 s31, s6;
	s19 =	sor.u32 $0x4180, s14;
	v49 =	vmax.f32 v52, v53;
	v52 =	vmax.f32 v54, v55;
	v55 =	vsel vm0, v18, v28;
	v18 =	vld [tilespmem:s13+$0x0]  }
0xc8: {  	v50 =	vmax.f32 v50, v51;
	s12 =	sor.u32 s2, s19;
	v53 =	vsel vm3, v23, v3;
	v3 =	vsel vm5, v26, v13;
	v26 =	vld [tilespmem:s15+$0x0]  }
0xc9: {  	vm2 =	vgt.f32 v30, v29;
	v45 =	vmax.f32 v12, v45;
	vm1 =	vgt.f32 v19, v21;
	s20 =	sor.u32 $0x4280, s14;
	s8 =	sor.u32 s31, s19;
	v62 =	vld [tilespmem:s12+$0x0]  }
0xca: {  	v12 =	vsel vm5, $0x5, v14;
	v14 =	vsel vm2, $0x5, v14;
	v19 =	vsel vm1, v19, v21;
	s14 =	sor.u32 $0x4300, s14;
	s12 =	sor.u32 s2, s20;
	v48 =	vld [tilespmem:s8+$0x0]  }
0xcb: {  	v16 =	vmax.f32 v45, v16;
	v45 =	vmax.f32 v46, v31;
	v31 =	vmax.f32 v50, v35;
	s2 =	sor.u32 s2, s14;
	v63 =	vld [tilespmem:s12+$0x0]  }
0xcc: {  	v2 =	vmax.f32 v7, v8;
	v8 =	vsel vm7, $0x9, v10;
	v10 =	vimm.s32 $0x0;
	v5 =	vld [tilespmem:s2+$0x0];
	s12 =	sor.u32 s31, s10  }
0xcd: {  	[tilespmem:$0x1FFC0] =	vst v9;
	v9 =	vimm.s32 $0x2;
	v6 =	vsel vm3, $0x1, v10;
	v7 =	vsel vm0, $0x1, v10;
	s2 =	sor.u32 s31, s24;
	v1 =	vld [tilespmem:s12+$0x0]  }
0xce: {  	[tilespmem:$0x1FFF0] =	vst v8;
	v8 =	vsel vm4, $0x3, v9;
	v9 =	vsel vm1, $0x3, v9;
	v2 =	vmax.f32 v2, v32;
	s10 =	sor.u32 s31, s20;
	v24 =	vld [tilespmem:s2+$0x0]  }
0xcf: {  	v54 =	vsel vm4, v15, v25;
	v15 =	vsel vm2, v30, v29;
	s19 =	sor.u32 s31, s5;
	v25 =	vmax.f32 v27, v34;
	v51 =	vld [tilespmem:s10+$0x0]  }
0xd0: {  	s30 =	sadd.s32 $0x1, s30;
	vm4 =	vgt.f32 v45, v16;
	[tilespmem:$0x1FFD0] =	vst v3;
	v3 =	vmax.f32 v20, v33;
	s20 =	sor.u32 s31, s23;
	v21 =	vmax.f32 v37, v56;
	v37 =	vld [tilespmem:s19+$0x0]  }
0xd1: {  	vm0 =	vgt.f32 v19, v55;
	vm1 =	vgt.f32 v54, v53;
	vm6 =	vgt.f32 v31, v25;
	s12 =	sor.u32 s31, s14;
	s14 =	sand.u32 $0x3, s30;
	v46 =	vld [tilespmem:s20+$0x0]  }
0xd2: {  	v23 =	vmax.f32 v57, v58;
	vm2 =	vgt.f32 v3, v2;
	v13 =	vld [tilespmem:s12+$0x0];
	s1 =	sshll.u32 s14, $0x5;
	v0 =	vmax.f32 v36, v0  }
0xd3: {  	s24 =	sor.u32 s31, s18;
	v27 =	vmax.f32 v23, v41;
	v28 =	vmax.f32 v59, v60;
	s1 =	sadd.s32 s1, s26;
	v23 =	vmax.f32 v0, v18;
	v0 =	vld [tilespmem:$0x1FFA0]  }
0xd4: {  	v4 =	vmax.f32 v4, v22;
	v22 =	vmax.f32 v49, v38;
	v29 =	vmax.f32 v61, v62;
	s23 =	sor.u32 $0x300, s1;
	v62 =	vld [tilespmem:s24+$0x0]  }
0xd5: {  	v32 =	vmax.f32 v28, v42;
	v28 =	vsel vm4, $0x1, v10;
	v18 =	vsel vm2, $0x1, v10;
	s1 =	sadd.s32 $0x10, s1;
	v57 =	vld [tilespmem:s23+$0x10000]  }
0xd6: {  	v5 =	vmax.f32 v63, v5;
	s31 =	sor.u32 $0x300, s1;
	v60 =	vmax.f32 v24, v48;
	v24 =	vmax.f32 v52, v39;
	v52 =	vld [tilespmem:s23+$0x0]  }
0xd7: {  	v63 =	vimm.s32 $0x6;
	v30 =	vmax.f32 v29, v43;
	v29 =	vsel vm4, v45, v16;
	v56 =	vld [tilespmem:s31+$0x10000]  }
0xd8: {  	s1 =	sor.u32 $0x380, s1;
	v1 =	vmax.f32 v1, v47;
	v61 =	vmax.f32 v51, v13;
	v13 =	vmax.f32 v21, v40;
	v40 =	vld [tilespmem:s0+$0x2000]  }
0xd9: {  	v34 =	vmax.f32 v5, v44;
	v36 =	vmax.f32 v4, v37;
	v35 =	vmax.f32 v60, v46;
	v60 =	vld [tilespmem:s1+$0x10000]  }
0xda: {  	v33 =	vmax.f32 v1, v26;
	v1 =	vld [tilespmem:s31+$0x0];
	v26 =	vsel vm0, v9, v7;
	vm3 =	vgt.f32 v24, v22  }
0xdb: {  	p0 =	sne.s32 s29, $0x3E0;
	v21 =	vsel vm1, v54, v53;
	v51 =	vsel vm0, v19, v55;
	v39 =	vmax.f32 v61, v62;
	v62 =	vld [tilespmem:s1+$0x0]  }
.Ltmp2:
0xdc: {  	v19 =	vsel vm2, v3, v2;
	vm2 =	vgt.f32 v32, v27;
	vm4 =	vgt.f32 v36, v33;
	(pc) =	sbr.rel @p0 .LBB2_3-.Ltmp2, $4  }
0xdd: {  	vm7 =	vgt.f32 v17, v57;
	vm5 =	vgt.f32 v39, v35;
	v0 =	vmax.f32 v52, v0  }
0xde: {  	v52 =	vsel vm1, v8, v6;
	v37 =	vsel vm7, $0x7, v63;
	vm1 =	vgt.f32 v34, v30  }
0xdf: {  	v53 =	vsel vm7, v17, v57;
	v17 =	vmax.f32 v0, v40;
	v0 =	vimm.s32 $0x8  }
0xe0: {  	s29 =	sadd.s32 $0x20, s29;
	v2 =	vmovc v11;
	vm0 =	vgt.f32 v60, v56;
	v16 =	vsel vm6, $0x9, v0;
	v38 =	vmax.f32 v1, v62  }
0xe1: {  	p0 =	seq.s32 s25, $0x3  }
0xe2: {  	s0 =	sshll.u32 @!p0 s25, $0x1  }
0xe3: {  	s0 =	sadd.s32 @!p0 $0x2, s0  }
0xe4: {  	s1 =	sshll.u32 @!p0 s0, $0x16  }
0xe5: {  	s2 =	simm.s32 @!p0 $0x2000;
	s0 =	sshll.u32 @!p0 s0, $0x15;
	s1 =	sor.u32 @!p0 s9, s1  }
0xe6: {  	s5 =	simm.s32 @!p0 $0x200000;
	s0 =	sor.u32 @!p0 s9, s0;
	s1 =	sshrl.u32 @!p0 s1, $0x3  }
0xe7: {  	s6 =	simm.s32 @!p0 $0x0;
	s0 =	sshrl.u32 @!p0 s0, $0x3;
	s1 =	sadd.s32 @!p0 s4, s1  }
0xe8: {  	v0 =	vld [tilespmem:s28+$0x2000];
	[tilespmem:s6], [sflag:$0x1] =	stream.strided.gather @!p0 [hbm4b:s1+s2], $0x8000, s5, s2, $0x38  }
0xe9: {  	s0 =	sadd.s32 @!p0 s3, s0;
	s1 =	simm.s32 @!p0 $0x10000  }
0xea: {  	[tilespmem:s1], [sflag:$0x1] =	stream.strided.gather @!p0 [hbm4b:s0+s2], $0x4000, s5, s2, $0x38;
	[tilespmem:$0x18100] =	vst v63  }
0xeb: {  	_ =	swait.ge [sflag:s22], $0x8000  }
0xec: {  	[sflag:s22] =	ssyncset.done $0x0  }
0xed: {  	s26 =	simm.s32 $0x0;
	[sflag:s22] =	ssyncadd.s32 $0xFFFF8000  }
0xee: {  	s29 =	sand.u32 $0x60, s26;
	_ =	swait.ge [sflag:s22], $0x4000  }
0xef: {  	s30 =	sand.u32 $0x1C00, s26;
	s14 =	sor.u32 $0x10, s29;
	[sflag:s22] =	ssyncset.done $0x0  }
0xf0: {  	s28 =	sor.u32 s30, s14;
	[sflag:s22] =	ssyncadd.s32 $0xFFFFC000  }
0xf1: {  	v1 =	vld [tilespmem:s28+$0x8100];
	_ =	sdelay $0x4  }
0xf2: {  	[tilespmem:$0x1FF00] =	vst v1;
	v1 =	vld [tilespmem:s28+$0x8280];
	_ =	sdelay $0x3  }
0xf3: {  	s0 =	sor.u32 s29, s30  }
0xf4: {  	[tilespmem:$0x1FF10] =	vst v1;
	v1 =	vld [tilespmem:s0+$0x8100];
	_ =	sdelay $0x4  }
0xf5: {  	[tilespmem:$0x1FF30] =	vst v1;
	v1 =	vld [tilespmem:s0+$0x8280];
	_ =	sdelay $0x4  }
0xf6: {  	[tilespmem:$0x1FF40] =	vst v1;
	v1 =	vld [tilespmem:s28+$0x8000];
	_ =	sdelay $0x4  }
0xf7: {  	[tilespmem:$0x1FEB0] =	vst v1;
	v1 =	vld [tilespmem:s28+$0x8080];
	_ =	sdelay $0x4  }
0xf8: {  	[tilespmem:$0x1FEC0] =	vst v1;
	v1 =	vld [tilespmem:s28+$0x8180];
	_ =	sdelay $0x4  }
0xf9: {  	[tilespmem:$0x1FED0] =	vst v1;
	v1 =	vld [tilespmem:s28+$0x8200]  }
0xfa: {  	v4 =	vsel vm1, v34, v30;
	v34 =	vld [tilespmem:$0x1FFC0]  }
0xfb: {  	v59 =	vld [tilespmem:s28+$0x16000]  }
0xfc: {  	v61 =	vld [tilespmem:s28+$0x16080]  }
0xfd: {  	v62 =	vld [tilespmem:s0+$0x16000]  }
0xfe: {  	[tilespmem:$0x1FEE0] =	vst v1;
	v1 =	vld [tilespmem:s28+$0xA080]  }
0xff: {  	v63 =	vld [tilespmem:s0+$0x16080]  }
0x100: {  	v54 =	vld [tilespmem:s28+$0x14000]  }
0x101: {  	v57 =	vld [tilespmem:s28+$0x14080]  }
0x102: {  	v55 =	vld [tilespmem:s28+$0x14100]  }
0x103: {  	[tilespmem:$0x1FF20] =	vst v1;
	v1 =	vld [tilespmem:s0+$0x8180]  }
0x104: {  	v58 =	vld [tilespmem:s28+$0x14180]  }
0x105: {  	v48 =	vld [tilespmem:s28+$0x14200]  }
0x106: {  	s18 =	sor.u32 s26, s26;
	v50 =	vld [tilespmem:s28+$0x14280]  }
0x107: {  	s2 =	sor.u32 $0x380, s18;
	v47 =	vld [tilespmem:s0+$0x14000]  }
0x108: {  	[tilespmem:$0x1FEF0] =	vst v1;
	v1 =	vld [tilespmem:s2+$0x8000]  }
0x109: {  	v49 =	vld [tilespmem:s0+$0x14080]  }
0x10a: {  	v41 =	vld [tilespmem:s0+$0x14100]  }
0x10b: {  	v43 =	vld [tilespmem:s0+$0x14180]  }
0x10c: {  	v42 =	vld [tilespmem:s0+$0x14200]  }
0x10d: {  	[tilespmem:$0x1FF90] =	vst v1;
	v1 =	vld [tilespmem:s0+$0xA080]  }
0x10e: {  	v44 =	vld [tilespmem:s0+$0x14280]  }
0x10f: {  	s20 =	sor.u32 $0xE280, s30;
	v46 =	vld [tilespmem:s0+$0x8000]  }
0x110: {  	s19 =	sor.u32 $0xE100, s30;
	s8 =	sor.u32 s14, s20;
	v45 =	vld [tilespmem:s0+$0x8080]  }
0x111: {  	s23 =	sor.u32 s14, s19;
	v3 =	vld [tilespmem:s8+$0x0]  }
0x112: {  	[tilespmem:$0x1FF50] =	vst v1;
	v1 =	vld [tilespmem:s23+$0x0]  }
0x113: {  	s15 =	sor.u32 $0xE200, s30;
	s1 =	sor.u32 s29, s19;
	v10 =	vld [tilespmem:s0+$0x8200]  }
0x114: {  	s18 =	sor.u32 s14, s15;
	v8 =	vld [tilespmem:s1+$0x0]  }
0x115: {  	s24 =	sor.u32 $0xE080, s30;
	s5 =	sor.u32 s29, s20;
	v5 =	vld [tilespmem:s18+$0x0]  }
0x116: {  	v40 =	vimm.s32 $0x6;
	vm9 =	vgt.f32 v53, v15;
	v6 =	vsel vm0, v60, v56;
	s7 =	sor.u32 $0xE000, s30;
	s20 =	sor.u32 s29, s24;
	v20 =	vld [tilespmem:s5+$0x0];
	[tilespmem:$0x1FF80] =	vst v3  }
0x117: {  	v7 =	vsel vm4, v36, v33;
	s10 =	sor.u32 s14, s7;
	v3 =	vsel vm2, v32, v27;
	v27 =	vld [tilespmem:s20+$0x0];
	[tilespmem:$0x1FF60] =	vst v1;
	v1 =	vsel vm9, v53, v15  }
0x118: {  	v56 =	vimm.s32 $0x4;
	v9 =	vsel vm9, v37, v14;
	s31 =	sor.u32 $0xE180, s30;
	s12 =	sor.u32 s14, s24;
	v15 =	vld [tilespmem:s10+$0x0];
	vm8 =	vgt.f32 v1, v51  }
0x119: {  	v11 =	vsel vm0, $0x7, v40;
	s13 =	sor.u32 s14, s31;
	[tilespmem:$0x1FF70] =	vst v8;
	v8 =	vsel vm5, v39, v35;
	v1 =	vsel vm8, v1, v51;
	v51 =	vld [tilespmem:s12+$0x0]  }
0x11a: {  	s19 =	sor.u32 s29, s7;
	v35 =	vsel vm1, $0x7, v40;
	vm7 =	vgt.f32 v2, v1;
	v1 =	vsel vm6, v31, v25;
	v25 =	vld [tilespmem:s13+$0x0]  }
0x11b: {  	vm15 =	vgt.f32 v8, v7;
	s23 =	sor.u32 s29, s31;
	s31 =	sor.u32 $0xA300, s30;
	v2 =	vsel vm3, v24, v22;
	vm6 =	vgt.f32 v23, v17;
	v24 =	vld [tilespmem:s19+$0x0]  }
0x11c: {  	s7 =	sor.u32 s14, s31;
	v22 =	vsel vm4, $0x5, v56;
	v17 =	vsel vm6, v23, v17;
	v23 =	vsel vm5, $0x7, v40;
	v40 =	vld [tilespmem:$0x1FEC0]  }
0x11d: {  	v53 =	vimm.s32 $0x2;
	v23 =	vsel vm15, v23, v22;
	vm4 =	vgt.f32 v17, v29;
	v22 =	vld [tilespmem:s7+$0x0]  }
0x11e: {  	s24 =	sor.u32 s29, s15;
	v7 =	vsel vm15, v8, v7;
	v8 =	vsel vm4, v17, v29;
	v17 =	vsel vm6, $0x3, v53;
	v29 =	vld [tilespmem:s23+$0x0]  }
0x11f: {  	s18 =	sor.u32 $0xA180, s30;
	v9 =	vsel vm8, v9, v26;
	v26 =	vsel vm4, v17, v28;
	vm6 =	vgt.f32 v7, v8;
	v28 =	vld [tilespmem:s24+$0x0]  }
0x120: {  	s6 =	sor.u32 s14, s18;
	s7 =	sor.u32 $0xA280, s30;
	v7 =	vsel vm6, v7, v8;
	v8 =	vld [tilespmem:$0x1FFD0]  }
0x121: {  	s13 =	sor.u32 s14, s7;
	s7 =	sor.u32 s29, s7;
	v17 =	vld [tilespmem:s6+$0x0]  }
0x122: {  	s23 =	sor.u32 $0xC080, s30;
	v31 =	vld [tilespmem:s7+$0x0]  }
0x123: {  	s1 =	sor.u32 $0xA200, s30;
	s8 =	sor.u32 s14, s23;
	v15 =	vmax.f32 v15, v51;
	v51 =	vld [tilespmem:$0x1FF30]  }
0x124: {  	v60 =	vimm.s32 $0x8;
	s12 =	sor.u32 s14, s1;
	s1 =	sor.u32 s29, s1;
	v32 =	vsel vm6, v23, v26;
	v23 =	vld [tilespmem:s8+$0x0]  }
0x125: {  	v33 =	vsel vm2, $0x5, v56;
	v0 =	vmax.f32 v38, v0;
	s8 =	sor.u32 $0xA380, s30;
	v26 =	vld [tilespmem:s1+$0x0];
	vm4 =	vgt.f32 v6, v8  }
0x126: {  	s5 =	sor.u32 $0xA100, s30;
	vm5 =	vgt.f32 v4, v3;
	vm8 =	vgt.f32 v2, v7;
	s15 =	sor.u32 s14, s8;
	s8 =	sor.u32 s29, s8;
	v39 =	vsel vm4, v6, v8;
	v8 =	vld [tilespmem:$0x1FFE0]  }
0x127: {  	s10 =	sor.u32 s14, s5;
	v2 =	vsel vm3, $0x9, v60;
	v6 =	vsel vm5, v35, v33;
	v33 =	vld [tilespmem:s8+$0x0];
	vm3 =	vgt.f32 v39, v21  }
0x128: {  	v3 =	vsel vm5, v4, v3;
	vm6 =	vgt.f32 v13, v0;
	v4 =	vsel vm3, v39, v21;
	v21 =	vld [tilespmem:s10+$0x0]  }
0x129: {  	v0 =	vsel vm6, v13, v0;
	s10 =	sor.u32 $0xC000, s30;
	v39 =	vld [tilespmem:$0x1FEB0]  }
0x12a: {  	vm1 =	vgt.f32 v0, v19;
	vm2 =	vgt.f32 v34, v4;
	v4 =	vld [tilespmem:s12+$0x0];
	s19 =	sor.u32 s14, s10  }
0x12b: {  	v0 =	vsel vm1, v0, v19;
	s10 =	sor.u32 s29, s10;
	v19 =	vld [tilespmem:s19+$0x0]  }
0x12c: {  	v24 =	vmax.f32 v24, v27;
	v27 =	vmax.f32 v29, v28;
	s12 =	sor.u32 $0xC100, s30;
	v28 =	vld [tilespmem:s10+$0x0]  }
0x12d: {  	vm5 =	vgt.f32 v3, v0;
	s20 =	sor.u32 s14, s12;
	v8 =	vsel vm7, v8, v9;
	v9 =	vld [tilespmem:s13+$0x0]  }
0x12e: {  	v2 =	vsel vm8, v2, v32;
	v0 =	vsel vm5, v3, v0;
	s13 =	sor.u32 $0xC180, s30;
	v3 =	vld [tilespmem:s20+$0x0]  }
0x12f: {  	vm0 =	veq.s32 v2, v8;
	v2 =	vld [tilespmem:s15+$0x0];
	s24 =	sor.u32 s14, s13  }
0x130: {  	v36 =	vsel vm4, v11, v12;
	v8 =	vsel vm6, $0x3, v53;
	v12 =	vld [tilespmem:s24+$0x0]  }
0x131: {  	s15 =	sor.u32 $0xC280, s30;
	v8 =	vsel vm1, v8, v18;
	vm1 =	vgt.f32 v1, v0;
	v0 =	vsel vm3, v36, v52;
	v52 =	vld [tilespmem:$0x1FEF0]  }
0x132: {  	s20 =	sor.u32 s14, s15;
	v1 =	vsel vm5, v6, v8;
	v8 =	vld [tilespmem:$0x1FFF0]  }
0x133: {  	s5 =	sor.u32 s29, s5;
	v14 =	vld [tilespmem:s20+$0x0]  }
0x134: {  	s20 =	sor.u32 s29, s12;
	v1 =	vsel vm1, v16, v1;
	v16 =	vld [tilespmem:s5+$0x0]  }
0x135: {  	v5 =	vmax.f32 v25, v5;
	vm5 =	vgt.f32 v57, v54;
	v25 =	vld [tilespmem:s20+$0x0]  }
0x136: {  	s12 =	sor.u32 s29, s18;
	v29 =	vsel vm5, v57, v54;
	v54 =	vld [tilespmem:$0x1FF40]  }
0x137: {  	v18 =	vmax.f32 v39, v40;
	v39 =	vld [tilespmem:s12+$0x0]  }
0x138: {  	s19 =	sor.u32 $0xC300, s30;
	vm1 =	vgt.f32 v61, v59;
	s5 =	sor.u32 s29, s15;
	v0 =	vsel vm2, v8, v0;
	v8 =	vld [tilespmem:$0x1FFB0]  }
0x139: {  	v37 =	vimm.f32 $1.000000000e+00;
	s24 =	sor.u32 s14, s19;
	v32 =	vmax.f32 v52, v10;
	v52 =	vsel vm1, v61, v59;
	v61 =	vld [tilespmem:s5+$0x0]  }
0x13a: {  	s6 =	sor.u32 $0xC200, s30;
	v38 =	vsel vm0, $0x0, v37;
	vm0 =	veq.s32 v1, v0;
	v0 =	vld [tilespmem:s24+$0x0];
	s24 =	sor.u32 s29, s13  }
0x13b: {  	s8 =	sor.u32 s14, s6;
	v59 =	vld [tilespmem:s24+$0x0];
	s24 =	sor.u32 $0xC380, s30  }
0x13c: {  	v1 =	vsel vm0, $0x0, v37;
	vm0 =	vgt.f32 v50, v48;
	v37 =	vld [tilespmem:s8+$0x0];
	s10 =	sor.u32 s14, s24;
	s14 =	sand.u32 $0x3, s26  }
0x13d: {  	v11 =	vsel vm0, v50, v48;
	v48 =	vld [tilespmem:$0x1FF00];
	s7 =	sshll.u32 s14, $0x5;
	v6 =	vadd.f32 v38, v8  }
0x13e: {  	s20 =	sor.u32 s29, s19;
	v50 =	vld [tilespmem:$0x1FF20];
	s19 =	sadd.s32 $0x0, s7  }
0x13f: {  	s15 =	sor.u32 s29, s23;
	v2 =	vmax.f32 v2, v19;
	v38 =	vld [tilespmem:s10+$0x0];
	s23 =	sor.u32 $0x300, s19;
	v1 =	vadd.f32 v1, v6  }
0x140: {  	v3 =	vmax.f32 v3, v12;
	v12 =	vmax.f32 v32, v54;
	v32 =	vmax.f32 v2, v23;
	v2 =	vld [tilespmem:s23+$0x8000]  }
0x141: {  	v26 =	vmax.f32 v26, v31;
	[tilespmem:$0x1FEA0] =	vst v1;
	v1 =	vmax.f32 v46, v45;
	v45 =	vld [tilespmem:$0x1FED0]  }
0x142: {  	vm4 =	vgt.f32 v58, v55;
	vm7 =	vgt.f32 v49, v47;
	vm3 =	vgt.f32 v44, v42;
	v46 =	vld [tilespmem:$0x1FEE0]  }
0x143: {  	vm6 =	vgt.f32 v43, v41;
	v13 =	vsel vm3, v44, v42;
	s18 =	sor.u32 s29, s6;
	v42 =	vmax.f32 v18, v48;
	v48 =	vld [tilespmem:$0x1FF60]  }
0x144: {  	v41 =	vsel vm6, v43, v41;
	v28 =	vmax.f32 v33, v28;
	v18 =	vmax.f32 v27, v20;
	v20 =	vld [tilespmem:s18+$0x0]  }
0x145: {  	v4 =	vmax.f32 v4, v9;
	v0 =	vmax.f32 v14, v0;
	v21 =	vmax.f32 v50, v21;
	v50 =	vld [tilespmem:$0x1FF80]  }
0x146: {  	v10 =	vsel vm1, $0x9, v60;
	vm2 =	vgt.f32 v63, v62;
	v35 =	vmax.f32 v0, v38;
	v0 =	vld [tilespmem:s2+$0x14000]  }
0x147: {  	v62 =	vsel vm2, v63, v62;
	v30 =	vmax.f32 v45, v46;
	v46 =	vsel vm7, v49, v47;
	v47 =	vld [tilespmem:s20+$0x0]  }
0x148: {  	v63 =	vimm.s32 $0x6;
	v54 =	vimm.s32 $0x0;
	v23 =	vsel vm6, $0x3, v53;
	v49 =	vld [tilespmem:$0x1FF10]  }
0x149: {  	s13 =	sor.u32 s29, s31;
	v25 =	vmax.f32 v25, v59;
	v31 =	vmax.f32 v3, v37;
	v45 =	vsel vm4, v58, v55;
	v55 =	vld [tilespmem:$0x1FF50]  }
0x14a: {  	v3 =	vsel vm5, $0x1, v54;
	v19 =	vmax.f32 v21, v17;
	v17 =	vmax.f32 v4, v22;
	v58 =	vld [tilespmem:s13+$0x0];
	s20 =	sor.u32 s29, s24;
	s24 =	sadd.s32 $0x10, s19  }
0x14b: {  	v21 =	vsel vm4, $0x3, v53;
	v1 =	vmax.f32 v1, v51;
	vm5 =	vgt.f32 v32, v17;
	v51 =	vld [tilespmem:s20+$0x0];
	s1 =	sor.u32 $0x380, s24  }
0x14c: {  	v33 =	vmax.f32 v5, v50;
	v37 =	vmax.f32 v25, v20;
	vm1 =	vgt.f32 v45, v29;
	s31 =	sor.u32 $0x300, s24;
	v40 =	vld [tilespmem:s1+$0x14000]  }
0x14d: {  	v20 =	vsel vm0, $0x5, v56;
	v22 =	vsel vm1, v21, v3;
	v21 =	vsel vm3, $0x5, v56;
	v3 =	vld [tilespmem:s31+$0x8000]  }
0x14e: {  	v30 =	vmax.f32 v30, v49;
	v57 =	vmax.f32 v55, v16;
	v59 =	vmax.f32 v61, v47;
	v49 =	vld [tilespmem:$0x1FF70]  }
0x14f: {  	v61 =	vld [tilespmem:s15+$0x0];
	v16 =	vmax.f32 v15, v48;
	v47 =	vsel vm2, $0x9, v60;
	v55 =	vsel vm7, $0x1, v54  }
0x150: {  	v34 =	vmax.f32 v26, v58;
	vm2 =	vgt.f32 v41, v46;
	v15 =	vmax.f32 v57, v39;
	v57 =	vld [tilespmem:s23+$0x14000]  }
0x151: {  	v26 =	vsel vm1, v45, v29;
	v38 =	vmax.f32 v59, v51;
	v59 =	vld [tilespmem:$0x1FF90];
	vm0 =	vgt.f32 v30, v42  }
0x152: {  	vm1 =	vgt.f32 v12, v1;
	v39 =	vld [tilespmem:s31+$0x14000];
	v23 =	vsel vm2, v23, v55;
	v27 =	vsel vm0, v30, v42  }
0x153: {  	v58 =	vld [tilespmem:s0+$0xA000];
	v30 =	vsel vm1, v12, v1;
	v25 =	vsel vm0, $0x1, v54;
	v14 =	vmax.f32 v24, v49  }
0x154: {  	v36 =	vmax.f32 v28, v61;
	v24 =	vsel vm2, v41, v46;
	v61 =	vld [tilespmem:s1+$0x8000];
	vm2 =	vgt.f32 v33, v16  }
0x155: {  	v28 =	vsel vm1, $0x1, v54;
	vm1 =	vgt.f32 v38, v37;
	v46 =	vimm.f32 $1.000000000e+00  }
0x156: {  	v2 =	vmax.f32 v2, v59;
	vm3 =	vgt.f32 v0, v57;
	vm6 =	vgt.f32 v18, v14  }
0x157: {  	vm4 =	vgt.f32 v40, v39;
	vm0 =	vgt.f32 v36, v34;
	v29 =	vsel vm2, $0x9, v60  }
0x158: {  	v42 =	vsel vm3, v0, v57;
	v12 =	vmax.f32 v2, v58;
	v41 =	vsel vm3, $0x7, v63  }
0x159: {  	s30 =	simm.s32 $0x0;
	s29 =	simm.s32 $0x20;
	vm3 =	vgt.f32 v35, v31;
	v0 =	vimm.s32 $0x8;
	v43 =	vmax.f32 v3, v61  }
.LBB2_5:
0x15a: {  	s31 =	sand.u32 $0x60, s29;
	s26 =	sadd.s32 $0x100, s26  }
0x15b: {  	s14 =	sand.u32 $0x1C00, s26;
	s2 =	sor.u32 $0x10, s31  }
0x15c: {  	v1 =	vld [tilespmem:s28+$0xA000];
	s28 =	sor.u32 s14, s2  }
0x15d: {  	v2 =	vimm.s32 $0x4;
	v6 =	vimm.s32 $0x4;
	v4 =	vsel vm6, v18, v14;
	v14 =	vld [tilespmem:s28+$0x16000]  }
0x15e: {  	v3 =	vsel vm2, v33, v16;
	v5 =	vsel vm3, $0x7, v63;
	v48 =	vsel vm4, $0x7, v63;
	s0 =	sor.u32 s31, s14;
	v16 =	vld [tilespmem:s28+$0x16080]  }
0x15f: {  	v45 =	vsel vm1, $0x7, v63;
	v32 =	vsel vm5, v32, v17;
	vm2 =	vgt.f32 v42, v13;
	v18 =	vld [tilespmem:s0+$0x16000]  }
0x160: {  	v31 =	vsel vm3, v35, v31;
	v49 =	vsel vm4, v40, v39;
	v55 =	vsel vm2, v41, v21;
	v21 =	vld [tilespmem:s0+$0x16080]  }
0x161: {  	vm3 =	vgt.f32 v15, v12;
	v34 =	vsel vm0, v36, v34;
	v50 =	vsel vm1, v38, v37;
	v41 =	vld [tilespmem:s28+$0x14000]  }
0x162: {  	v2 =	vsel vm5, $0x5, v2;
	v44 =	vsel vm0, $0x5, v6;
	v12 =	vsel vm3, v15, v12;
	v15 =	vld [tilespmem:s28+$0x14080]  }
0x163: {  	v56 =	vsel vm2, v42, v13;
	vm0 =	vgt.f32 v31, v32;
	vm1 =	vgt.f32 v49, v11;
	v17 =	vld [tilespmem:s28+$0x14100]  }
0x164: {  	v2 =	vsel vm0, v5, v2;
	v31 =	vsel vm0, v31, v32;
	vm0 =	vgt.f32 v56, v24;
	v13 =	vld [tilespmem:s28+$0x14180]  }
0x165: {  	v58 =	vsel vm1, v48, v20;
	v61 =	vsel vm0, v55, v23;
	v23 =	vld [tilespmem:s28+$0x14280]  }
0x166: {  	v59 =	vsel vm1, v49, v11;
	vm1 =	vgt.f32 v12, v30;
	v63 =	vsel vm0, v56, v24;
	v24 =	vld [tilespmem:s0+$0x14000]  }
0x167: {  	v12 =	vsel vm1, v12, v30;
	v30 =	vld [tilespmem:s0+$0x14280]  }
0x168: {  	v9 =	vld [tilespmem:s28+$0x8180]  }
0x169: {  	vm2 =	vgt.f32 v50, v34;
	v37 =	vld [tilespmem:s28+$0xA080]  }
0x16a: {  	v20 =	vsel vm2, v45, v44;
	v60 =	vsel vm2, v50, v34;
	s15 =	sor.u32 $0xE100, s14;
	vm2 =	vgt.f32 v59, v26;
	v36 =	vld [tilespmem:s0+$0xA080]  }
0x16b: {  	s5 =	sor.u32 $0xE280, s14;
	s6 =	sor.u32 s2, s15;
	v8 =	vsel vm2, v59, v26;
	v26 =	vld [tilespmem:s0+$0x14100]  }
0x16c: {  	s19 =	sor.u32 $0xE180, s14;
	s18 =	sor.u32 s2, s5;
	v33 =	vld [tilespmem:s6+$0x0]  }
0x16d: {  	s23 =	sor.u32 s2, s19;
	v35 =	vld [tilespmem:s18+$0x0]  }
0x16e: {  	v51 =	vimm.s32 $0x2;
	s13 =	sor.u32 s31, s5;
	v45 =	vld [tilespmem:s23+$0x0]  }
0x16f: {  	v53 =	vsel vm3, $0x3, v51;
	s19 =	sor.u32 s31, s19;
	v39 =	vld [tilespmem:s13+$0x0]  }
0x170: {  	v28 =	vsel vm1, v53, v28;
	vm1 =	vgt.f32 v60, v12;
	v49 =	vld [tilespmem:s19+$0x0]  }
0x171: {  	s1 =	sor.u32 s26, s29;
	v7 =	vsel vm1, v20, v28;
	v28 =	vld [tilespmem:s0+$0x14200]  }
0x172: {  	s1 =	sor.u32 $0x380, s1;
	s8 =	sor.u32 $0xE080, s14;
	v20 =	vld [tilespmem:s28+$0x8000]  }
0x173: {  	s7 =	sor.u32 $0xE000, s14;
	s18 =	sor.u32 s31, s8;
	v1 =	vmax.f32 v43, v1;
	v43 =	vld [tilespmem:s1+$0x8000]  }
0x174: {  	s10 =	sor.u32 s2, s7;
	v12 =	vsel vm1, v60, v12;
	v48 =	vld [tilespmem:s18+$0x0];
	vm3 =	vgt.f32 v19, v1  }
0x175: {  	v54 =	vimm.s32 $0x2;
	vm1 =	vgt.f32 v4, v12;
	v4 =	vld [tilespmem:s10+$0x0];
	v1 =	vsel vm3, v19, v1  }
0x176: {  	v57 =	vsel vm3, $0x3, v54;
	v19 =	vld [tilespmem:s28+$0x14200];
	vm0 =	vgt.f32 v1, v27  }
0x177: {  	v0 =	vsel vm6, $0x9, v0;
	v5 =	vsel vm2, v58, v22;
	v40 =	vsel vm0, v57, v25;
	v25 =	vld [tilespmem:s0+$0x14080]  }
0x178: {  	vm3 =	vgt.f32 v62, v63;
	v0 =	vsel vm1, v0, v7;
	v1 =	vsel vm0, v1, v27;
	v27 =	vld [tilespmem:s0+$0x14180]  }
0x179: {  	v42 =	vsel vm3, v47, v61;
	vm0 =	vgt.f32 v52, v8;
	v8 =	vld [tilespmem:s28+$0x8080];
	vm2 =	vgt.f32 v31, v1  }
0x17a: {  	s20 =	sor.u32 s2, s8;
	s5 =	sor.u32 $0xC080, s14;
	vm1 =	veq.s32 v0, v42;
	v0 =	vsel vm2, v2, v40;
	v2 =	vsel vm0, v10, v5;
	v10 =	vld [tilespmem:s28+$0x8200]  }
0x17b: {  	s8 =	sor.u32 s2, s5;
	v5 =	vld [tilespmem:s20+$0x0]  }
0x17c: {  	v1 =	vsel vm2, v31, v1;
	v31 =	vld [tilespmem:s8+$0x0]  }
0x17d: {  	s12 =	sor.u32 $0xE200, s14;
	vm2 =	vgt.f32 v3, v1;
	v1 =	vld [tilespmem:s1+$0x14000]  }
0x17e: {  	s18 =	sor.u32 $0xC380, s14;
	s20 =	sor.u32 s31, s12;
	v3 =	vld [tilespmem:s28+$0x8100]  }
0x17f: {  	s24 =	sor.u32 s2, s12;
	s12 =	sor.u32 s2, s18;
	v50 =	vld [tilespmem:s20+$0x0]  }
0x180: {  	v34 =	vld [tilespmem:s12+$0x0]  }
0x181: {  	s1 =	sor.u32 s31, s15;
	v0 =	vsel vm2, v29, v0;
	v29 =	vld [tilespmem:s28+$0x8280]  }
0x182: {  	s8 =	sor.u32 $0xA100, s14;
	s15 =	sor.u32 s31, s7;
	v38 =	vld [tilespmem:s1+$0x0]  }
0x183: {  	s13 =	sor.u32 s2, s8;
	v47 =	vld [tilespmem:s15+$0x0]  }
0x184: {  	s8 =	sor.u32 s31, s8;
	v51 =	vld [tilespmem:s13+$0x0]  }
0x185: {  	s7 =	sor.u32 $0xA180, s14;
	v60 =	vld [tilespmem:s8+$0x0]  }
0x186: {  	s23 =	sor.u32 s2, s7;
	s1 =	sor.u32 $0xA280, s14;
	vm0 =	veq.s32 v0, v2;
	v2 =	vld [tilespmem:s0+$0x8100]  }
0x187: {  	s13 =	sor.u32 $0xA380, s14;
	v40 =	vld [tilespmem:s23+$0x0];
	s19 =	sor.u32 s2, s1  }
0x188: {  	s20 =	sor.u32 s2, s13;
	v53 =	vld [tilespmem:s19+$0x0]  }
0x189: {  	vm6 =	vgt.f32 v21, v18;
	s23 =	sor.u32 $0xC200, s14;
	s13 =	sor.u32 s31, s13;
	v54 =	vld [tilespmem:s20+$0x0]  }
0x18a: {  	v11 =	vimm.s32 $0x4;
	v62 =	vsel vm6, v21, v18;
	s10 =	sor.u32 s2, s23;
	v63 =	vld [tilespmem:s13+$0x0]  }
0x18b: {  	[tilespmem:$0x1FE90] =	vst v43;
	vm5 =	vgt.f32 v23, v19;
	vm2 =	vgt.f32 v30, v28;
	v61 =	vmax.f32 v20, v8;
	s13 =	sor.u32 s31, s7;
	v43 =	vld [tilespmem:s10+$0x0]  }
0x18c: {  	v20 =	vsel vm5, $0x5, v11;
	v21 =	vsel vm2, $0x5, v11;
	v11 =	vsel vm5, v23, v19;
	v23 =	vld [tilespmem:s13+$0x0]  }
0x18d: {  	s19 =	sor.u32 $0xC100, s14;
	[tilespmem:$0x1FE50] =	vst v3;
	v3 =	vld [tilespmem:$0x1FEA0]  }
0x18e: {  	v0 =	vsel vm0, $0x0, v46;
	s20 =	sor.u32 $0xC180, s14;
	s12 =	sor.u32 s2, s19;
	[tilespmem:$0x1FE80] =	vst v1;
	v1 =	vsel vm1, $0x0, v46;
	v46 =	vld [tilespmem:s24+$0x0]  }
0x18f: {  	s6 =	sor.u32 $0xA300, s14;
	s8 =	sor.u32 s31, s20;
	v56 =	vld [tilespmem:s12+$0x0]  }
0x190: {  	s10 =	sor.u32 $0xA200, s14;
	v4 =	vmax.f32 v4, v5;
	s24 =	sor.u32 s2, s6;
	v5 =	vld [tilespmem:s8+$0x0]  }
0x191: {  	s15 =	sor.u32 s2, s10;
	v32 =	vld [tilespmem:s24+$0x0]  }
0x192: {  	s12 =	sor.u32 s2, s20;
	v52 =	vld [tilespmem:s15+$0x0]  }
0x193: {  	vm4 =	vgt.f32 v13, v17;
	v57 =	vld [tilespmem:s12+$0x0]  }
0x194: {  	v18 =	vmax.f32 v47, v48;
	v47 =	vmax.f32 v49, v50;
	v49 =	vsel vm4, v13, v17;
	v17 =	vld [tilespmem:$0x1FE50]  }
0x195: {  	s15 =	sor.u32 $0xC000, s14;
	v36 =	vmax.f32 v36, v60;
	v60 =	vld [tilespmem:$0x1FE80]  }
0x196: {  	[tilespmem:$0x1FE60] =	vst v2;
	v2 =	vld [tilespmem:s0+$0x8180];
	s24 =	sor.u32 s2, s15;
	v1 =	vadd.f32 v1, v3  }
0x197: {  	v55 =	vld [tilespmem:s24+$0x0];
	s24 =	sor.u32 $0xC280, s14  }
0x198: {  	s12 =	sor.u32 s2, s24;
	v3 =	vld [tilespmem:s0+$0x8200];
	v0 =	vadd.f32 v0, v1  }
0x199: {  	s14 =	sor.u32 $0xC300, s14;
	v58 =	vld [tilespmem:s12+$0x0]  }
0x19a: {  	s2 =	sor.u32 s2, s14;
	[tilespmem:$0x1FEA0] =	vst v0;
	v0 =	vld [tilespmem:s0+$0x8280]  }
0x19b: {  	v59 =	vld [tilespmem:s2+$0x0];
	s12 =	sor.u32 s31, s10  }
0x19c: {  	vm7 =	vgt.f32 v16, v14;
	s2 =	sor.u32 s31, s19;
	v7 =	vld [tilespmem:s12+$0x0]  }
0x19d: {  	v6 =	vsel vm7, v16, v14;
	v16 =	vld [tilespmem:s2+$0x0]  }
0x19e: {  	v44 =	vimm.s32 $0x8;
	v1 =	vld [tilespmem:s0+$0x8080]  }
0x19f: {  	s30 =	sadd.s32 $0x1, s30;
	vm3 =	vgt.f32 v15, v41;
	v8 =	vsel vm6, $0x9, v44;
	vm0 =	vgt.f32 v25, v24;
	s10 =	sor.u32 s31, s24;
	[tilespmem:$0x1FE70] =	vst v0;
	v0 =	vld [tilespmem:s0+$0x8000]  }
0x1a0: {  	s1 =	sor.u32 s31, s1;
	v44 =	vsel vm7, $0x9, v44;
	v24 =	vsel vm0, v25, v24;
	v45 =	vmax.f32 v45, v46;
	v46 =	vld [tilespmem:s10+$0x0];
	s12 =	sor.u32 s31, s14;
	s14 =	sand.u32 $0x3, s30  }
0x1a1: {  	vm1 =	vgt.f32 v27, v26;
	s20 =	sor.u32 s31, s23;
	v48 =	vsel vm3, v15, v41;
	v2 =	vmax.f32 v2, v3;
	v3 =	vld [tilespmem:s1+$0x0];
	s1 =	sshll.u32 s14, $0x5  }
0x1a2: {  	v27 =	vsel vm1, v27, v26;
	v13 =	vsel vm2, v30, v28;
	v30 =	vmax.f32 v61, v17;
	v61 =	vld [tilespmem:s20+$0x0];
	s1 =	sadd.s32 s1, s26  }
0x1a3: {  	v17 =	vmax.f32 v37, v51;
	v26 =	vmax.f32 v52, v53;
	v41 =	vmax.f32 v56, v57;
	v15 =	vld [tilespmem:s12+$0x0];
	s23 =	sor.u32 $0x300, s1  }
0x1a4: {  	v19 =	vmax.f32 v17, v40;
	v56 =	vld [tilespmem:s23+$0x14000];
	v1 =	vmax.f32 v0, v1;
	v0 =	vmax.f32 v9, v10  }
0x1a5: {  	v17 =	vmax.f32 v26, v32;
	v28 =	vmax.f32 v54, v55;
	v50 =	vmax.f32 v0, v29;
	v0 =	vld [tilespmem:$0x1FE60]  }
0x1a6: {  	s15 =	sor.u32 s31, s15;
	v32 =	vmax.f32 v28, v31;
	v31 =	vmax.f32 v41, v43;
	v51 =	vmax.f32 v58, v59  }
0x1a7: {  	v14 =	vld [tilespmem:s15+$0x0];
	s15 =	sor.u32 s31, s6;
	vm5 =	vgt.f32 v32, v17;
	v5 =	vmax.f32 v16, v5;
	v16 =	vmax.f32 v4, v33  }
0x1a8: {  	v25 =	vld [tilespmem:s15+$0x0];
	s24 =	sor.u32 s31, s18;
	v33 =	vmax.f32 v45, v35;
	v35 =	vmax.f32 v51, v34;
	v46 =	vmax.f32 v46, v15  }
0x1a9: {  	v57 =	vld [tilespmem:s24+$0x0];
	v15 =	vmax.f32 v36, v23;
	v37 =	vmax.f32 v5, v61;
	vm2 =	vgt.f32 v33, v16  }
0x1aa: {  	vm7 =	vgt.f32 v60, v56;
	v10 =	vimm.s32 $0x0;
	v0 =	vmax.f32 v1, v0;
	v1 =	vld [tilespmem:$0x1FE70]  }
0x1ab: {  	v59 =	vld [tilespmem:s0+$0xA000];
	v9 =	vimm.s32 $0x2;
	v22 =	vsel vm3, $0x1, v10;
	v42 =	vsel vm0, $0x1, v10  }
0x1ac: {  	s19 =	sor.u32 s31, s5;
	s1 =	sadd.s32 $0x10, s1;
	v58 =	vld [tilespmem:s23+$0x8000];
	v12 =	vsel vm4, $0x3, v9;
	v9 =	vsel vm1, $0x3, v9;
	vm1 =	vgt.f32 v49, v48  }
0x1ad: {  	s31 =	sor.u32 $0x300, s1;
	s1 =	sor.u32 $0x380, s1;
	v29 =	vld [tilespmem:s19+$0x0];
	vm0 =	vgt.f32 v27, v24;
	vm4 =	vgt.f32 v50, v30;
	v22 =	vsel vm1, v12, v22  }
0x1ae: {  	v40 =	vld [tilespmem:s1+$0x14000];
	v23 =	vsel vm0, v9, v42;
	v26 =	vsel vm1, v49, v48;
	v24 =	vsel vm0, v27, v24  }
0x1af: {  	v61 =	vld [tilespmem:s1+$0x8000];
	v42 =	vsel vm7, v60, v56;
	v2 =	vmax.f32 v2, v1;
	v1 =	vmax.f32 v7, v3  }
0x1b0: {  	v3 =	vmax.f32 v63, v14;
	v14 =	vmax.f32 v18, v38;
	v18 =	vmax.f32 v47, v39;
	v39 =	vld [tilespmem:s31+$0x14000]  }
0x1b1: {  	v27 =	vsel vm4, v50, v30;
	v63 =	vimm.s32 $0x6;
	v34 =	vmax.f32 v1, v25;
	v1 =	vld [tilespmem:$0x1FE90]  }
0x1b2: {  	p1 =	sne.s32 s29, $0x3E0;
	v38 =	vmax.f32 v46, v57;
	v46 =	vimm.f32 $1.000000000e+00;
	v36 =	vmax.f32 v3, v29;
	v3 =	vld [tilespmem:s31+$0x8000]  }
.Ltmp3:
0x1b3: {  	vm3 =	vgt.f32 v2, v0;
	v25 =	vsel vm4, $0x1, v10;
	vm6 =	vgt.f32 v18, v14;
	(pc) =	sbr.rel @p1 .LBB2_5-.Ltmp3, $4  }
0x1b4: {  	v41 =	vsel vm7, $0x7, v63;
	vm1 =	vgt.f32 v38, v37;
	v28 =	vsel vm3, $0x1, v10  }
0x1b5: {  	v30 =	vsel vm3, v2, v0;
	vm3 =	vgt.f32 v35, v31;
	v0 =	vimm.s32 $0x8  }
0x1b6: {  	v52 =	vmovc v6;
	v47 =	vmovc v8;
	vm0 =	vgt.f32 v36, v34;
	v29 =	vsel vm2, $0x9, v0;
	v1 =	vmax.f32 v58, v1  }
0x1b7: {  	s29 =	sadd.s32 $0x20, s29;
	v10 =	vmovc v44;
	vm4 =	vgt.f32 v40, v39;
	v43 =	vmax.f32 v3, v61;
	v12 =	vmax.f32 v1, v59  }
0x1b8: {  	v0 =	vsel vm6, $0x9, v0;
	v7 =	vimm.s32 $0x4  }
0x1b9: {  	v3 =	vsel vm2, v33, v16;
	v4 =	vsel vm6, v18, v14;
	v5 =	vsel vm3, $0x7, v63  }
0x1ba: {  	v6 =	vsel vm4, $0x7, v63;
	v8 =	vsel vm1, $0x7, v63;
	v9 =	vsel vm5, v32, v17  }
0x1bb: {  	vm11 =	vgt.f32 v42, v13;
	v45 =	vsel vm3, v35, v31;
	v48 =	vsel vm4, v40, v39  }
0x1bc: {  	v1 =	vld [tilespmem:s28+$0xA000];
	vm12 =	vgt.f32 v15, v12;
	v49 =	vsel vm0, v36, v34;
	v50 =	vsel vm1, v38, v37  }
0x1bd: {  	v51 =	vimm.s32 $0x2;
	v2 =	vsel vm5, $0x5, v7;
	v7 =	vsel vm0, $0x5, v7  }
0x1be: {  	v53 =	vsel vm12, $0x3, v51;
	v21 =	vsel vm11, v41, v21;
	v13 =	vsel vm11, v42, v13  }
0x1bf: {  	vm13 =	vgt.f32 v45, v9;
	vm14 =	vgt.f32 v48, v11;
	v12 =	vsel vm12, v15, v12  }
0x1c0: {  	vm15 =	vgt.f32 v50, v49;
	v2 =	vsel vm13, v5, v2;
	v55 =	vsel vm14, v6, v20  }
0x1c1: {  	v56 =	vsel vm15, v8, v7;
	v57 =	vsel vm13, v45, v9;
	v1 =	vmax.f32 v43, v1  }
0x1c2: {  	v58 =	vsel vm14, v48, v11;
	v59 =	vsel vm15, v50, v49;
	vm6 =	vgt.f32 v19, v1  }
0x1c3: {  	vm7 =	vgt.f32 v13, v24;
	vm8 =	vgt.f32 v12, v30;
	v1 =	vsel vm6, v19, v1  }
0x1c4: {  	v60 =	vsel vm7, v21, v23;
	vm9 =	vgt.f32 v58, v26;
	vm10 =	vgt.f32 v1, v27  }
0x1c5: {  	v61 =	vsel vm8, v53, v28;
	v13 =	vsel vm7, v13, v24;
	v1 =	vsel vm10, v1, v27  }
0x1c6: {  	v12 =	vsel vm8, v12, v30;
	v5 =	vsel vm9, v55, v22;
	vm14 =	vgt.f32 v57, v1  }
0x1c7: {  	vm1 =	vgt.f32 v59, v12;
	vm11 =	vgt.f32 v62, v13;
	v1 =	vsel vm14, v57, v1  }
0x1c8: {  	v8 =	vsel vm9, v58, v26;
	v9 =	vsel vm1, v59, v12;
	vm15 =	vgt.f32 v3, v1;
	v3 =	vld [tilespmem:$0x1FEA0]  }
0x1c9: {  	v6 =	vsel vm1, v56, v61;
	vm13 =	vgt.f32 v4, v9;
	v54 =	vsel vm6, $0x3, v51  }
0x1ca: {  	v62 =	vsel vm11, v47, v60;
	v0 =	vsel vm13, v0, v6;
	v15 =	vsel vm10, v54, v25  }
.Ltmp4:
0x1cb: {  	vm12 =	vgt.f32 v52, v8;
	vm1 =	veq.s32 v0, v62;
	v0 =	vsel vm14, v2, v15;
	(pc) =	sbr.rel @p0 .LBB2_8-.Ltmp4, $4  }
0x1cc: {  	v2 =	vsel vm12, v10, v5;
	v1 =	vsel vm1, $0x0, v46;
	v0 =	vsel vm15, v29, v0  }
0x1cd: {  	vm0 =	veq.s32 v0, v2;
	v1 =	vadd.f32 v1, v3  }
0x1ce: {  	v0 =	vsel vm0, $0x0, v46  }
0x1cf: {  	v2 =	vadd.f32 v0, v1  }
0x1d0: {  	s25 =	sadd.s32 $0x1, s25  }
0x1d1: {  	s0 =	sshll.u32 s25, $0x17  }
0x1d2: {  	s0 =	sor.u32 s11, s0  }
.Ltmp5:
0x1d3: {  	s0 =	sshrl.u32 s0, $0x3;
	(pc) =	sbr.rel .LBB2_2-.Ltmp5, $4  }
0x1d4: {  	s1 =	simm.s32 $0x8000;
	s31 =	sshll.u32 s25, $0x16;
	s0 =	sadd.s32 s4, s0  }
0x1d5: {  	[tilespmem:s1], [sflag:$0x2] =	stream.strided.gather [hbm4b:s0+s16], $0x8000, s17, s16, $0x38;
	[tilespmem:$0x18100] =	vst v63  }
0x1d6: {  	s0 =	sor.u32 s11, s31  }
0x1d7: {  	v0 =	vimm.s32 $0x0;
	s0 =	sshrl.u32 s0, $0x3  }
.LBB2_9:
0x1d8: {  	_ =	sfence.sel $0x180000  }
0x1d9: {  	[bflag:$0x0] =	sbarrier.arrive $0xFFFF  }
0x1da: {  	_ =	strace $0x90000047  }
0x1db: {  	s0 =	stileid.u32;
	[bflag:$0x2] =	sbarrier.arrive $0xFFFF  }
0x1dc: {  	p0 =	sne.s32 s0, $0x0;
	s0 =	rddreg [dreg:$0x1]  }
0x1dd: {  	s0 =	sadd.s32 @!p0 $0x100000, s0  }
0x1de: {  	[sflag:s0] =	ssyncadd.tile.s32 @!p0 $0x1;
	_ =	shalt  }
.Lfunc_end2:
_tile_overlayer_lowered:
.L_overlay_start_2:
0x1df: {  	(tag) =	ssettag $0x2  }
0x1e0: {  	s0 =	rddreg [dreg:$0x0];
	s2 =	stileid.u32  }
0x1e1: {  	s1 =	rddreg [dreg:$0x1];
	p0 =	sne.s32 s2, $0x0  }
0x1e2: {  	s3 =	rddreg [dreg:$0x2];
	[bflag:$0x3] =	sbarrier.arrive $0xFFFF;
	s2 =	simm.s32 @!p0 $0x1C03  }
0x1e3: {  	[timem:s3], [sflag:s2] =	dma.local @!p0 [hbm:s0], s1  }
0x1e4: {  	s0 =	simm.s32 @!p0 $0x3  }
0x1e5: {  	_ =	swait.ge @!p0 [sflag:s0], s1  }
0x1e6: {  	s1 =	ssub.s32 @!p0 $0x0, s1;
	[sflag:s0] =	ssyncset.done @!p0 $0x0  }
0x1e7: {  	[sflag:s0] =	ssyncadd.s32 @!p0 s1  }
0x1e8: {  	[bflag:$0x3] =	sbarrier.arrive $0xFFFF  }
0x1e9: {  	_ =	shalt  }

</sc_bundles>
